<compile_context>
chip_gen: v7x
topology: tpu7x:2x2x1
jax: 0.10.2.dev20260603
libtpu: 0.0.44.dev20260713+nightly
codegen_flags: <defaults>
</compile_context>

<pallas_src>
import functools

import jax
import jax.numpy as jnp
from jax import lax
from jax.experimental import pallas as pl
from jax.experimental.pallas import tpu as pltpu
from jax.experimental.pallas import tpu_sc as plsc

B = 16384
SEQ = 50
D = 32
NW = 32
RPW = B // NW
CB = 32
NCH = RPW // CB
G = 100
SPC = CB * SEQ // G

_mesh = plsc.VectorSubcoreMesh(core_axis_name="c", subcore_axis_name="s")


@functools.partial(
    pl.kernel,
    mesh=_mesh,
    out_type=jax.ShapeDtypeStruct((B * D,), jnp.float32),
    scratch_types=[
        pltpu.VMEM((2, SPC, G), jnp.int32),
        pltpu.VMEM((SPC, G, D), jnp.float32),
        pltpu.VMEM((SPC, G, D), jnp.float32),
        pltpu.VMEM((CB * D,), jnp.float32),
        pltpu.SemaphoreType.DMA,
        pltpu.SemaphoreType.DMA,
    ],
    compiler_params=pltpu.CompilerParams(use_tc_tiling_on_sc=False),
)
def _sum_embed(idx_hbm, t_hbm, out_hbm, gidx_v, rows0_v, rows1_v, out_v,
               sem0, sem1):
    ci = lax.axis_index("c")
    si = lax.axis_index("s")
    wid = si * 2 + ci
    rbase = wid * RPW

    rows_bufs = (rows0_v, rows1_v)
    sems = (sem0, sem1)

    def fire(c, par):
        pltpu.sync_copy(idx_hbm.at[pl.ds((rbase + c * CB) * SEQ // G, SPC)],
                        gidx_v.at[par])

        def g_body(g, carry):
            pltpu.async_copy(
                t_hbm.at[gidx_v.at[par, g]],
                rows_bufs[par].at[g],
                sems[par],
            )
            return carry

        lax.fori_loop(0, SPC, g_body, 0)

    def drain(par):

        def w_body(g, carry):
            pltpu.make_async_copy(
                t_hbm.at[pl.ds(0, G)],
                rows_bufs[par].at[g],
                sems[par],
            ).wait()
            return carry

        lax.fori_loop(0, SPC, w_body, 0)

    def accumulate(c, par):
        rows_v = rows_bufs[par]

        def row_body(r, carry):
            g = r // 2
            p = (r % 2) * SEQ
            a0 = rows_v[g, p + 0, pl.ds(0, 16)]
            a1 = rows_v[g, p + 0, pl.ds(16, 16)]
            b0 = rows_v[g, p + 1, pl.ds(0, 16)]
            b1 = rows_v[g, p + 1, pl.ds(16, 16)]
            for j in range(2, SEQ, 2):
                a0 = a0 + rows_v[g, p + j, pl.ds(0, 16)]
                a1 = a1 + rows_v[g, p + j, pl.ds(16, 16)]
                b0 = b0 + rows_v[g, p + j + 1, pl.ds(0, 16)]
                b1 = b1 + rows_v[g, p + j + 1, pl.ds(16, 16)]
            out_v[pl.ds(r * D, 16)] = a0 + b0
            out_v[pl.ds(r * D + 16, 16)] = a1 + b1
            return carry

        lax.fori_loop(0, CB, row_body, 0)
        pltpu.sync_copy(out_v, out_hbm.at[pl.ds((rbase + c * CB) * D, CB * D)])

    fire(0, 0)

    def pair_body(p, carry):
        ca = 2 * p
        fire(ca + 1, 1)
        drain(0)
        accumulate(ca, 0)

        @pl.when(p < NCH // 2 - 1)
        def _():
            fire(ca + 2, 0)

        drain(1)
        accumulate(ca + 1, 1)
        return carry

    lax.fori_loop(0, NCH // 2, pair_body, 0)


def kernel(input, table):
    idx = input.astype(jnp.int32).reshape(B * SEQ // G, G)
    return _sum_embed(idx, table).reshape(B, D)

# --- scband reference (transcript-rebuilt; emitter-appended) ---
"""Pipeline reference for scband-sum-embeddings-91190745629081 (READ-ONLY COPY).

The authoritative reference and input builder live on the scoring server;
editing this copy changes nothing except your own understanding.
"""

import jax, jax.numpy as jnp
import numpy as np

VOCAB = 1000000
DIM = 32
BATCH = 16384
SEQ = 50

def setup_inputs(seed: int = 0) -> dict:
    key = jax.random.key(seed)
    k_idx, k_tab = jax.random.split(key)
    input = jax.random.randint(k_idx, (BATCH, SEQ), 0, VOCAB, dtype=jnp.int64 if jax.config.jax_enable_x64 else jnp.int32)
    table = jax.random.normal(k_tab, (VOCAB, DIM), dtype=jnp.float32)
    return {"input": input, "table": table}

def reference(input, table):
    # nn.Embedding lookup -> gather rows of table
    embedded_input = jnp.take(table, input, axis=0)  # [B, L, D]
    summed_embedding = jnp.sum(embedded_input, axis=1)  # [B, D]
    return summed_embedding

if __name__ == "__main__":
    import jax
    _d = setup_inputs()
    print(jax.jit(kernel)(*tuple(_d.values())))

</pallas_src>

<mosaic_0001>
#map = affine_map<(d0, d1) -> (0, 0)>
#map1 = affine_map<(d0, d1) -> (0)>
module attributes {stable_mosaic.version = 14 : i64} {
  func.func @_sum_embed(%arg0: i32, %arg1: i32, %arg2: memref<8192x100xi32, #tpu.memory_space<hbm>>, %arg3: memref<1000000x32xf32, #tpu.memory_space<hbm>>, %arg4: memref<524288xf32, #tpu.memory_space<hbm>>, %arg5: memref<2x16x100xi32, #tpu.memory_space<vmem>>, %arg6: memref<16x100x32xf32, #tpu.memory_space<vmem>>, %arg7: memref<16x100x32xf32, #tpu.memory_space<vmem>>, %arg8: memref<1024xf32, #tpu.memory_space<vmem>>, %arg9: memref<!tpu.dma_semaphore, #tpu.memory_space<semaphore_mem>>, %arg10: memref<!tpu.dma_semaphore, #tpu.memory_space<semaphore_mem>>) attributes {dimension_semantics = [#tpu.dimension_semantics<core_parallel>, #tpu.dimension_semantics<subcore_parallel>], iteration_bounds = array<i64: 2, 16>, scalar_prefetch = 0 : i64, scratch_operands = 6 : i64, tpu.core_type = #tpu.core_type<sc_vector_subcore>, window_params = [{transform_indices = #map}, {transform_indices = #map}, {transform_indices = #map1}]} {
    %mul3A = arith.constant 2 : i32
    %mul3A_0 = arith.muli %arg1, %mul3A : i32
    %add3A = arith.addi %mul3A_0, %arg0 : i32
    %mul3A_1 = arith.constant 512 : i32
    %mul3A_2 = arith.muli %add3A, %mul3A_1 : i32
    %add3A_3 = arith.constant 0 : i32
    %add3A_4 = arith.addi %mul3A_2, %add3A_3 : i32
    %mul3A_5 = arith.constant 50 : i32
    %mul3A_6 = arith.muli %add3A_4, %mul3A_5 : i32
    %jit3A = arith.constant 100 : i32
    %div3A = arith.divsi %mul3A_6, %jit3A : i32
    %sign3A = arith.constant 0 : i32
    %sign3A_7 = arith.cmpi sgt, %mul3A_6, %sign3A : i32
    %sign3A_8 = arith.extui %sign3A_7 : i1 to i32
    %sign3A_9 = arith.constant 0 : i32
    %sign3A_10 = arith.cmpi slt, %mul3A_6, %sign3A_9 : i32
    %sign3A_11 = arith.extui %sign3A_10 : i1 to i32
    %sign3A_12 = arith.subi %sign3A_8, %sign3A_11 : i32
    %sign3A_13 = arith.constant 0 : i32
    %sign3A_14 = arith.cmpi sgt, %jit3A, %sign3A_13 : i32
    %sign3A_15 = arith.extui %sign3A_14 : i1 to i32
    %sign3A_16 = arith.constant 0 : i32
    %sign3A_17 = arith.cmpi slt, %jit3A, %sign3A_16 : i32
    %sign3A_18 = arith.extui %sign3A_17 : i1 to i32
    %sign3A_19 = arith.subi %sign3A_15, %sign3A_18 : i32
    %ne3A = arith.cmpi ne, %sign3A_12, %sign3A_19 : i32
    %rem3A = arith.remsi %mul3A_6, %jit3A : i32
    %ne3A_20 = arith.constant 0 : i32
    %ne3A_21 = arith.cmpi ne, %rem3A, %ne3A_20 : i32
    %and3A = arith.andi %ne3A, %ne3A_21 : i1
    %sub3A = arith.constant 1 : i32
    %sub3A_22 = arith.subi %div3A, %sub3A : i32
    %select_n3A = arith.select %and3A, %sub3A_22, %div3A : i32
    %run_scoped3A = arith.constant 0 : i32
    "tpu.region"() ({
      %run_scoped3A_34 = tpu.sem_alloc : memref<!tpu.dma_semaphore, #tpu.memory_space<semaphore_mem>>
      %dma_start3A = arith.constant 0 : i32
      %dma_start3A_35 = arith.constant 0 : i32
      %dma_start3A_36 = tpu.memref_slice %arg5[%run_scoped3A, %dma_start3A, %dma_start3A_35] : memref<2x16x100xi32, #tpu.memory_space<vmem>> -> memref<1x16x100xi32, #tpu.memory_space<vmem>>
      %dma_start3A_37 = tpu.memref_squeeze %dma_start3A_36 : memref<1x16x100xi32, #tpu.memory_space<vmem>> -> memref<16x100xi32, #tpu.memory_space<vmem>>
      %dma_start3A_38 = arith.constant 0 : i32
      %dma_start3A_39 = tpu.memref_slice %arg2[%select_n3A, %dma_start3A_38] : memref<8192x100xi32, #tpu.memory_space<hbm>> -> memref<16x100xi32, #tpu.memory_space<hbm>>
      %dma_start3A_40 = arith.constant 0 : i32
      %dma_start3A_41 = arith.constant 0 : i32
      %dma_start3A_42 = tpu.memref_slice %arg5[%run_scoped3A, %dma_start3A_40, %dma_start3A_41] : memref<2x16x100xi32, #tpu.memory_space<vmem>> -> memref<1x16x100xi32, #tpu.memory_space<vmem>>
      %dma_start3A_43 = tpu.memref_squeeze %dma_start3A_42 : memref<1x16x100xi32, #tpu.memory_space<vmem>> -> memref<16x100xi32, #tpu.memory_space<vmem>>
      %dma_start3A_44 = arith.constant 0 : i32
      %dma_start3A_45 = tpu.memref_slice %arg2[%select_n3A, %dma_start3A_44] : memref<8192x100xi32, #tpu.memory_space<hbm>> -> memref<16x100xi32, #tpu.memory_space<hbm>>
      tpu.enqueue_dma source(%dma_start3A_45 : memref<16x100xi32, #tpu.memory_space<hbm>>) target(%dma_start3A_43 : memref<16x100xi32, #tpu.memory_space<vmem>>) target_semaphore(%run_scoped3A_34 : memref<!tpu.dma_semaphore, #tpu.memory_space<semaphore_mem>>)
      %dma_wait3A = arith.constant 0 : i32
      %dma_wait3A_46 = arith.constant 0 : i32
      %dma_wait3A_47 = tpu.memref_slice %arg5[%run_scoped3A, %dma_wait3A, %dma_wait3A_46] : memref<2x16x100xi32, #tpu.memory_space<vmem>> -> memref<1x16x100xi32, #tpu.memory_space<vmem>>
      %dma_wait3A_48 = tpu.memref_squeeze %dma_wait3A_47 : memref<1x16x100xi32, #tpu.memory_space<vmem>> -> memref<16x100xi32, #tpu.memory_space<vmem>>
      %dma_wait3A_49 = arith.constant 0 : i32
      %dma_wait3A_50 = tpu.memref_slice %arg2[%select_n3A, %dma_wait3A_49] : memref<8192x100xi32, #tpu.memory_space<hbm>> -> memref<16x100xi32, #tpu.memory_space<hbm>>
      %dma_wait3A_51 = arith.constant 0 : i32
      %dma_wait3A_52 = arith.constant 0 : i32
      %dma_wait3A_53 = tpu.memref_slice %arg5[%run_scoped3A, %dma_wait3A_51, %dma_wait3A_52] : memref<2x16x100xi32, #tpu.memory_space<vmem>> -> memref<1x16x100xi32, #tpu.memory_space<vmem>>
      %dma_wait3A_54 = tpu.memref_squeeze %dma_wait3A_53 : memref<1x16x100xi32, #tpu.memory_space<vmem>> -> memref<16x100xi32, #tpu.memory_space<vmem>>
      %dma_wait3A_55 = arith.constant 0 : i32
      %dma_wait3A_56 = tpu.memref_slice %arg2[%select_n3A, %dma_wait3A_55] : memref<8192x100xi32, #tpu.memory_space<hbm>> -> memref<16x100xi32, #tpu.memory_space<hbm>>
      tpu.wait_dma2 semaphore(%run_scoped3A_34 : memref<!tpu.dma_semaphore, #tpu.memory_space<semaphore_mem>>) src(%dma_wait3A_56 : memref<16x100xi32, #tpu.memory_space<hbm>>) dst(%dma_wait3A_54 : memref<16x100xi32, #tpu.memory_space<vmem>>)
      tpu.yield
    }) : () -> ()
    %scan3A = arith.constant 0 : i32
    %scan3A_23 = arith.constant 0 : i32
    %scan3A_24 = arith.constant 16 : i32
    %scan3A_25 = arith.addi %scan3A_23, %scan3A_24 : i32
    %scan3A_26 = arith.constant 1 : i32
    scf.for %scan3A_34 = %scan3A_23 to %scan3A_25 step %scan3A_26  : i32 {
      %dma_start3A = arith.constant 0 : i32
      %dma_start3A_35 = arith.constant 0 : i32
      %dma_start3A_36 = arith.constant 0 : i32
      %dma_start3A_37 = tpu.memref_slice %arg6[%scan3A_34, %dma_start3A_35, %dma_start3A_36] : memref<16x100x32xf32, #tpu.memory_space<vmem>> -> memref<1x100x32xf32, #tpu.memory_space<vmem>>
      %dma_start3A_38 = tpu.memref_squeeze %dma_start3A_37 : memref<1x100x32xf32, #tpu.memory_space<vmem>> -> memref<100x32xf32, #tpu.memory_space<vmem>>
      %dma_start3A_39 = arith.constant 0 : i32
      %dma_start3A_40 = tpu.memref_slice %arg5[%dma_start3A, %scan3A_34, %dma_start3A_39] : memref<2x16x100xi32, #tpu.memory_space<vmem>> -> memref<1x1x100xi32, #tpu.memory_space<vmem>>
      %dma_start3A_41 = tpu.memref_squeeze %dma_start3A_40 : memref<1x1x100xi32, #tpu.memory_space<vmem>> -> memref<100xi32, #tpu.memory_space<vmem>>
      %dma_start3A_42 = arith.constant 0 : i32
      %dma_start3A_43 = arith.constant 0 : i32
      %dma_start3A_44 = tpu.memref_slice %arg3[%dma_start3A_42, %dma_start3A_43] : memref<1000000x32xf32, #tpu.memory_space<hbm>> -> memref<1000000x32xf32, #tpu.memory_space<hbm>>
      tpu.enqueue_indirect_dma source(%dma_start3A_44 : memref<1000000x32xf32, #tpu.memory_space<hbm>>) target(%dma_start3A_38 : memref<100x32xf32, #tpu.memory_space<vmem>>) offsets(%dma_start3A_41 : memref<100xi32, #tpu.memory_space<vmem>>) semaphore(%arg9 : memref<!tpu.dma_semaphore, #tpu.memory_space<semaphore_mem>>)
    }
    %scan3A_27 = arith.constant 16 : i32
    %scan3A_28 = arith.constant 0 : i32
    %scan3A_29 = arith.constant 0 : i32
    %scan3A_30 = arith.constant 8 : i32
    %scan3A_31 = arith.addi %scan3A_29, %scan3A_30 : i32
    %scan3A_32 = arith.constant 1 : i32
    scf.for %scan3A_34 = %scan3A_29 to %scan3A_31 step %scan3A_32  : i32 {
      %mul3A_35 = arith.constant 2 : i32
      %mul3A_36 = arith.muli %mul3A_35, %scan3A_34 : i32
      %add3A_37 = arith.constant 1 : i32
      %add3A_38 = arith.addi %mul3A_36, %add3A_37 : i32
      %mul3A_39 = arith.constant 32 : i32
      %mul3A_40 = arith.muli %add3A_38, %mul3A_39 : i32
      %add3A_41 = arith.addi %mul3A_2, %mul3A_40 : i32
      %mul3A_42 = arith.constant 50 : i32
      %mul3A_43 = arith.muli %add3A_41, %mul3A_42 : i32
      %jit3A_44 = arith.constant 100 : i32
      %div3A_45 = arith.divsi %mul3A_43, %jit3A_44 : i32
      %sign3A_46 = arith.constant 0 : i32
      %sign3A_47 = arith.cmpi sgt, %mul3A_43, %sign3A_46 : i32
      %sign3A_48 = arith.extui %sign3A_47 : i1 to i32
      %sign3A_49 = arith.constant 0 : i32
      %sign3A_50 = arith.cmpi slt, %mul3A_43, %sign3A_49 : i32
      %sign3A_51 = arith.extui %sign3A_50 : i1 to i32
      %sign3A_52 = arith.subi %sign3A_48, %sign3A_51 : i32
      %sign3A_53 = arith.constant 0 : i32
      %sign3A_54 = arith.cmpi sgt, %jit3A_44, %sign3A_53 : i32
      %sign3A_55 = arith.extui %sign3A_54 : i1 to i32
      %sign3A_56 = arith.constant 0 : i32
      %sign3A_57 = arith.cmpi slt, %jit3A_44, %sign3A_56 : i32
      %sign3A_58 = arith.extui %sign3A_57 : i1 to i32
      %sign3A_59 = arith.subi %sign3A_55, %sign3A_58 : i32
      %ne3A_60 = arith.cmpi ne, %sign3A_52, %sign3A_59 : i32
      %rem3A_61 = arith.remsi %mul3A_43, %jit3A_44 : i32
      %ne3A_62 = arith.constant 0 : i32
      %ne3A_63 = arith.cmpi ne, %rem3A_61, %ne3A_62 : i32
      %and3A_64 = arith.andi %ne3A_60, %ne3A_63 : i1
      %sub3A_65 = arith.constant 1 : i32
      %sub3A_66 = arith.subi %div3A_45, %sub3A_65 : i32
      %select_n3A_67 = arith.select %and3A_64, %sub3A_66, %div3A_45 : i32
      %run_scoped3A_68 = arith.constant 1 : i32
      "tpu.region"() ({
        %run_scoped3A_113 = tpu.sem_alloc : memref<!tpu.dma_semaphore, #tpu.memory_space<semaphore_mem>>
        %dma_start3A = arith.constant 0 : i32
        %dma_start3A_114 = arith.constant 0 : i32
        %dma_start3A_115 = tpu.memref_slice %arg5[%run_scoped3A_68, %dma_start3A, %dma_start3A_114] : memref<2x16x100xi32, #tpu.memory_space<vmem>> -> memref<1x16x100xi32, #tpu.memory_space<vmem>>
        %dma_start3A_116 = tpu.memref_squeeze %dma_start3A_115 : memref<1x16x100xi32, #tpu.memory_space<vmem>> -> memref<16x100xi32, #tpu.memory_space<vmem>>
        %dma_start3A_117 = arith.constant 0 : i32
        %dma_start3A_118 = tpu.memref_slice %arg2[%select_n3A_67, %dma_start3A_117] : memref<8192x100xi32, #tpu.memory_space<hbm>> -> memref<16x100xi32, #tpu.memory_space<hbm>>
        %dma_start3A_119 = arith.constant 0 : i32
        %dma_start3A_120 = arith.constant 0 : i32
        %dma_start3A_121 = tpu.memref_slice %arg5[%run_scoped3A_68, %dma_start3A_119, %dma_start3A_120] : memref<2x16x100xi32, #tpu.memory_space<vmem>> -> memref<1x16x100xi32, #tpu.memory_space<vmem>>
        %dma_start3A_122 = tpu.memref_squeeze %dma_start3A_121 : memref<1x16x100xi32, #tpu.memory_space<vmem>> -> memref<16x100xi32, #tpu.memory_space<vmem>>
        %dma_start3A_123 = arith.constant 0 : i32
        %dma_start3A_124 = tpu.memref_slice %arg2[%select_n3A_67, %dma_start3A_123] : memref<8192x100xi32, #tpu.memory_space<hbm>> -> memref<16x100xi32, #tpu.memory_space<hbm>>
        tpu.enqueue_dma source(%dma_start3A_124 : memref<16x100xi32, #tpu.memory_space<hbm>>) target(%dma_start3A_122 : memref<16x100xi32, #tpu.memory_space<vmem>>) target_semaphore(%run_scoped3A_113 : memref<!tpu.dma_semaphore, #tpu.memory_space<semaphore_mem>>)
        %dma_wait3A = arith.constant 0 : i32
        %dma_wait3A_125 = arith.constant 0 : i32
        %dma_wait3A_126 = tpu.memref_slice %arg5[%run_scoped3A_68, %dma_wait3A, %dma_wait3A_125] : memref<2x16x100xi32, #tpu.memory_space<vmem>> -> memref<1x16x100xi32, #tpu.memory_space<vmem>>
        %dma_wait3A_127 = tpu.memref_squeeze %dma_wait3A_126 : memref<1x16x100xi32, #tpu.memory_space<vmem>> -> memref<16x100xi32, #tpu.memory_space<vmem>>
        %dma_wait3A_128 = arith.constant 0 : i32
        %dma_wait3A_129 = tpu.memref_slice %arg2[%select_n3A_67, %dma_wait3A_128] : memref<8192x100xi32, #tpu.memory_space<hbm>> -> memref<16x100xi32, #tpu.memory_space<hbm>>
        %dma_wait3A_130 = arith.constant 0 : i32
        %dma_wait3A_131 = arith.constant 0 : i32
        %dma_wait3A_132 = tpu.memref_slice %arg5[%run_scoped3A_68, %dma_wait3A_130, %dma_wait3A_131] : memref<2x16x100xi32, #tpu.memory_space<vmem>> -> memref<1x16x100xi32, #tpu.memory_space<vmem>>
        %dma_wait3A_133 = tpu.memref_squeeze %dma_wait3A_132 : memref<1x16x100xi32, #tpu.memory_space<vmem>> -> memref<16x100xi32, #tpu.memory_space<vmem>>
        %dma_wait3A_134 = arith.constant 0 : i32
        %dma_wait3A_135 = tpu.memref_slice %arg2[%select_n3A_67, %dma_wait3A_134] : memref<8192x100xi32, #tpu.memory_space<hbm>> -> memref<16x100xi32, #tpu.memory_space<hbm>>
        tpu.wait_dma2 semaphore(%run_scoped3A_113 : memref<!tpu.dma_semaphore, #tpu.memory_space<semaphore_mem>>) src(%dma_wait3A_135 : memref<16x100xi32, #tpu.memory_space<hbm>>) dst(%dma_wait3A_133 : memref<16x100xi32, #tpu.memory_space<vmem>>)
        tpu.yield
      }) : () -> ()
      %scan3A_69 = arith.constant 0 : i32
      %scan3A_70 = arith.constant 0 : i32
      %scan3A_71 = arith.constant 16 : i32
      %scan3A_72 = arith.addi %scan3A_70, %scan3A_71 : i32
      %scan3A_73 = arith.constant 1 : i32
      scf.for %scan3A_113 = %scan3A_70 to %scan3A_72 step %scan3A_73  : i32 {
        %dma_start3A = arith.constant 1 : i32
        %dma_start3A_114 = arith.constant 0 : i32
        %dma_start3A_115 = arith.constant 0 : i32
        %dma_start3A_116 = tpu.memref_slice %arg7[%scan3A_113, %dma_start3A_114, %dma_start3A_115] : memref<16x100x32xf32, #tpu.memory_space<vmem>> -> memref<1x100x32xf32, #tpu.memory_space<vmem>>
        %dma_start3A_117 = tpu.memref_squeeze %dma_start3A_116 : memref<1x100x32xf32, #tpu.memory_space<vmem>> -> memref<100x32xf32, #tpu.memory_space<vmem>>
        %dma_start3A_118 = arith.constant 0 : i32
        %dma_start3A_119 = tpu.memref_slice %arg5[%dma_start3A, %scan3A_113, %dma_start3A_118] : memref<2x16x100xi32, #tpu.memory_space<vmem>> -> memref<1x1x100xi32, #tpu.memory_space<vmem>>
        %dma_start3A_120 = tpu.memref_squeeze %dma_start3A_119 : memref<1x1x100xi32, #tpu.memory_space<vmem>> -> memref<100xi32, #tpu.memory_space<vmem>>
        %dma_start3A_121 = arith.constant 0 : i32
        %dma_start3A_122 = arith.constant 0 : i32
        %dma_start3A_123 = tpu.memref_slice %arg3[%dma_start3A_121, %dma_start3A_122] : memref<1000000x32xf32, #tpu.memory_space<hbm>> -> memref<1000000x32xf32, #tpu.memory_space<hbm>>
        tpu.enqueue_indirect_dma source(%dma_start3A_123 : memref<1000000x32xf32, #tpu.memory_space<hbm>>) target(%dma_start3A_117 : memref<100x32xf32, #tpu.memory_space<vmem>>) offsets(%dma_start3A_120 : memref<100xi32, #tpu.memory_space<vmem>>) semaphore(%arg10 : memref<!tpu.dma_semaphore, #tpu.memory_space<semaphore_mem>>)
      }
      %scan3A_74 = arith.constant 16 : i32
      %scan3A_75 = arith.constant 0 : i32
      %scan3A_76 = arith.constant 0 : i32
      %scan3A_77 = arith.constant 16 : i32
      %scan3A_78 = arith.addi %scan3A_76, %scan3A_77 : i32
      %scan3A_79 = arith.constant 1 : i32
      scf.for %scan3A_113 = %scan3A_76 to %scan3A_78 step %scan3A_79  : i32 {
        %dma_wait3A = arith.constant 0 : i32
        %dma_wait3A_114 = arith.constant 0 : i32
        %dma_wait3A_115 = tpu.memref_slice %arg6[%scan3A_113, %dma_wait3A, %dma_wait3A_114] : memref<16x100x32xf32, #tpu.memory_space<vmem>> -> memref<1x100x32xf32, #tpu.memory_space<vmem>>
        %dma_wait3A_116 = tpu.memref_squeeze %dma_wait3A_115 : memref<1x100x32xf32, #tpu.memory_space<vmem>> -> memref<100x32xf32, #tpu.memory_space<vmem>>
        %dma_wait3A_117 = arith.constant 0 : i32
        %dma_wait3A_118 = arith.constant 0 : i32
        %dma_wait3A_119 = tpu.memref_slice %arg3[%dma_wait3A_117, %dma_wait3A_118] : memref<1000000x32xf32, #tpu.memory_space<hbm>> -> memref<100x32xf32, #tpu.memory_space<hbm>>
        %dma_wait3A_120 = arith.constant 0 : i32
        %dma_wait3A_121 = arith.constant 0 : i32
        %dma_wait3A_122 = tpu.memref_slice %arg6[%scan3A_113, %dma_wait3A_120, %dma_wait3A_121] : memref<16x100x32xf32, #tpu.memory_space<vmem>> -> memref<1x100x32xf32, #tpu.memory_space<vmem>>
        %dma_wait3A_123 = tpu.memref_squeeze %dma_wait3A_122 : memref<1x100x32xf32, #tpu.memory_space<vmem>> -> memref<100x32xf32, #tpu.memory_space<vmem>>
        %dma_wait3A_124 = arith.constant 0 : i32
        %dma_wait3A_125 = arith.constant 0 : i32
        %dma_wait3A_126 = tpu.memref_slice %arg3[%dma_wait3A_124, %dma_wait3A_125] : memref<1000000x32xf32, #tpu.memory_space<hbm>> -> memref<100x32xf32, #tpu.memory_space<hbm>>
        tpu.wait_dma2 semaphore(%arg9 : memref<!tpu.dma_semaphore, #tpu.memory_space<semaphore_mem>>) src(%dma_wait3A_126 : memref<100x32xf32, #tpu.memory_space<hbm>>) dst(%dma_wait3A_123 : memref<100x32xf32, #tpu.memory_space<vmem>>)
      }
      %scan3A_80 = arith.constant 16 : i32
      %scan3A_81 = arith.constant 0 : i32
      %scan3A_82 = arith.constant 0 : i32
      %scan3A_83 = arith.constant 32 : i32
      %scan3A_84 = arith.addi %scan3A_82, %scan3A_83 : i32
      %scan3A_85 = arith.constant 1 : i32
      scf.for %scan3A_113 = %scan3A_82 to %scan3A_84 step %scan3A_85  : i32 {
        %jit3A_114 = arith.constant 2 : i32
        %div3A_115 = arith.divsi %scan3A_113, %jit3A_114 : i32
        %sign3A_116 = arith.constant 0 : i32
        %sign3A_117 = arith.cmpi sgt, %scan3A_113, %sign3A_116 : i32
        %sign3A_118 = arith.extui %sign3A_117 : i1 to i32
        %sign3A_119 = arith.constant 0 : i32
        %sign3A_120 = arith.cmpi slt, %scan3A_113, %sign3A_119 : i32
        %sign3A_121 = arith.extui %sign3A_120 : i1 to i32
        %sign3A_122 = arith.subi %sign3A_118, %sign3A_121 : i32
        %sign3A_123 = arith.constant 0 : i32
        %sign3A_124 = arith.cmpi sgt, %jit3A_114, %sign3A_123 : i32
        %sign3A_125 = arith.extui %sign3A_124 : i1 to i32
        %sign3A_126 = arith.constant 0 : i32
        %sign3A_127 = arith.cmpi slt, %jit3A_114, %sign3A_126 : i32
        %sign3A_128 = arith.extui %sign3A_127 : i1 to i32
        %sign3A_129 = arith.subi %sign3A_125, %sign3A_128 : i32
        %ne3A_130 = arith.cmpi ne, %sign3A_122, %sign3A_129 : i32
        %rem3A_131 = arith.remsi %scan3A_113, %jit3A_114 : i32
        %ne3A_132 = arith.constant 0 : i32
        %ne3A_133 = arith.cmpi ne, %rem3A_131, %ne3A_132 : i32
        %and3A_134 = arith.andi %ne3A_130, %ne3A_133 : i1
        %sub3A_135 = arith.constant 1 : i32
        %sub3A_136 = arith.subi %div3A_115, %sub3A_135 : i32
        %select_n3A_137 = arith.select %and3A_134, %sub3A_136, %div3A_115 : i32
        %jit3A_138 = arith.constant 2 : i32
        %eq3A = arith.constant 0 : i32
        %eq3A_139 = arith.cmpi eq, %jit3A_138, %eq3A : i32
        %jit3A_140 = arith.constant 1 : i32
        %select_n3A_141 = arith.select %eq3A_139, %jit3A_140, %jit3A_138 : i32
        %rem3A_142 = arith.remsi %scan3A_113, %select_n3A_141 : i32
        %ne3A_143 = arith.constant 0 : i32
        %ne3A_144 = arith.cmpi ne, %rem3A_142, %ne3A_143 : i32
        %lt3A_145 = arith.constant 0 : i32
        %lt3A_146 = arith.cmpi slt, %rem3A_142, %lt3A_145 : i32
        %lt3A_147 = arith.constant 0 : i32
        %lt3A_148 = arith.cmpi slt, %select_n3A_141, %lt3A_147 : i32
        %ne3A_149 = arith.xori %lt3A_146, %lt3A_148 : i1
        %and3A_150 = arith.andi %ne3A_149, %ne3A_144 : i1
        %add3A_151 = arith.addi %rem3A_142, %select_n3A_141 : i32
        %select_n3A_152 = arith.select %and3A_150, %add3A_151, %rem3A_142 : i32
        %mul3A_153 = arith.constant 50 : i32
        %mul3A_154 = arith.muli %select_n3A_152, %mul3A_153 : i32
        %add3A_155 = arith.constant 0 : i32
        %add3A_156 = arith.addi %mul3A_154, %add3A_155 : i32
        %get3A = arith.index_cast %select_n3A_137 : i32 to index
        %get3A_157 = arith.index_cast %add3A_156 : i32 to index
        %get3A_158 = arith.constant 0 : index
        %get3A_159 = tpu.vector_load %arg6[%get3A, %get3A_157, %get3A_158] {strides = array<i32>} : memref<16x100x32xf32, #tpu.memory_space<vmem>>, vector<1x1x16xf32>,
        %get3A_160 = vector.shape_cast %get3A_159 : vector<1x1x16xf32> to vector<16xf32>
        %add3A_161 = arith.constant 0 : i32
        %add3A_162 = arith.addi %mul3A_154, %add3A_161 : i32
        %get3A_163 = arith.index_cast %select_n3A_137 : i32 to index
        %get3A_164 = arith.index_cast %add3A_162 : i32 to index
        %get3A_165 = arith.constant 16 : index
        %get3A_166 = tpu.vector_load %arg6[%get3A_163, %get3A_164, %get3A_165] {strides = array<i32>} : memref<16x100x32xf32, #tpu.memory_space<vmem>>, vector<1x1x16xf32>,
        %get3A_167 = vector.shape_cast %get3A_166 : vector<1x1x16xf32> to vector<16xf32>
        %add3A_168 = arith.constant 1 : i32
        %add3A_169 = arith.addi %mul3A_154, %add3A_168 : i32
        %get3A_170 = arith.index_cast %select_n3A_137 : i32 to index
        %get3A_171 = arith.index_cast %add3A_169 : i32 to index
        %get3A_172 = arith.constant 0 : index
        %get3A_173 = tpu.vector_load %arg6[%get3A_170, %get3A_171, %get3A_172] {strides = array<i32>} : memref<16x100x32xf32, #tpu.memory_space<vmem>>, vector<1x1x16xf32>,
        %get3A_174 = vector.shape_cast %get3A_173 : vector<1x1x16xf32> to vector<16xf32>
        %add3A_175 = arith.constant 1 : i32
        %add3A_176 = arith.addi %mul3A_154, %add3A_175 : i32
        %get3A_177 = arith.index_cast %select_n3A_137 : i32 to index
        %get3A_178 = arith.index_cast %add3A_176 : i32 to index
        %get3A_179 = arith.constant 16 : index
        %get3A_180 = tpu.vector_load %arg6[%get3A_177, %get3A_178, %get3A_179] {strides = array<i32>} : memref<16x100x32xf32, #tpu.memory_space<vmem>>, vector<1x1x16xf32>,
        %get3A_181 = vector.shape_cast %get3A_180 : vector<1x1x16xf32> to vector<16xf32>
        %add3A_182 = arith.constant 2 : i32
        %add3A_183 = arith.addi %mul3A_154, %add3A_182 : i32
        %get3A_184 = arith.index_cast %select_n3A_137 : i32 to index
        %get3A_185 = arith.index_cast %add3A_183 : i32 to index
        %get3A_186 = arith.constant 0 : index
        %get3A_187 = tpu.vector_load %arg6[%get3A_184, %get3A_185, %get3A_186] {strides = array<i32>} : memref<16x100x32xf32, #tpu.memory_space<vmem>>, vector<1x1x16xf32>,
        %get3A_188 = vector.shape_cast %get3A_187 : vector<1x1x16xf32> to vector<16xf32>
        %add3A_189 = arith.addf %get3A_160, %get3A_188 : vector<16xf32>
        %add3A_190 = arith.constant 2 : i32
        %add3A_191 = arith.addi %mul3A_154, %add3A_190 : i32
        %get3A_192 = arith.index_cast %select_n3A_137 : i32 to index
        %get3A_193 = arith.index_cast %add3A_191 : i32 to index
        %get3A_194 = arith.constant 16 : index
        %get3A_195 = tpu.vector_load %arg6[%get3A_192, %get3A_193, %get3A_194] {strides = array<i32>} : memref<16x100x32xf32, #tpu.memory_space<vmem>>, vector<1x1x16xf32>,
        %get3A_196 = vector.shape_cast %get3A_195 : vector<1x1x16xf32> to vector<16xf32>
        %add3A_197 = arith.addf %get3A_167, %get3A_196 : vector<16xf32>
        %add3A_198 = arith.constant 2 : i32
        %add3A_199 = arith.addi %mul3A_154, %add3A_198 : i32
        %add3A_200 = arith.constant 1 : i32
        %add3A_201 = arith.addi %add3A_199, %add3A_200 : i32
        %get3A_202 = arith.index_cast %select_n3A_137 : i32 to index
        %get3A_203 = arith.index_cast %add3A_201 : i32 to index
        %get3A_204 = arith.constant 0 : index
        %get3A_205 = tpu.vector_load %arg6[%get3A_202, %get3A_203, %get3A_204] {strides = array<i32>} : memref<16x100x32xf32, #tpu.memory_space<vmem>>, vector<1x1x16xf32>,
        %get3A_206 = vector.shape_cast %get3A_205 : vector<1x1x16xf32> to vector<16xf32>
        %add3A_207 = arith.addf %get3A_174, %get3A_206 : vector<16xf32>
        %add3A_208 = arith.constant 2 : i32
        %add3A_209 = arith.addi %mul3A_154, %add3A_208 : i32
        %add3A_210 = arith.constant 1 : i32
        %add3A_211 = arith.addi %add3A_209, %add3A_210 : i32
        %get3A_212 = arith.index_cast %select_n3A_137 : i32 to index
        %get3A_213 = arith.index_cast %add3A_211 : i32 to index
        %get3A_214 = arith.constant 16 : index
        %get3A_215 = tpu.vector_load %arg6[%get3A_212, %get3A_213, %get3A_214] {strides = array<i32>} : memref<16x100x32xf32, #tpu.memory_space<vmem>>, vector<1x1x16xf32>,
        %get3A_216 = vector.shape_cast %get3A_215 : vector<1x1x16xf32> to vector<16xf32>
        %add3A_217 = arith.addf %get3A_181, %get3A_216 : vector<16xf32>
        %add3A_218 = arith.constant 4 : i32
        %add3A_219 = arith.addi %mul3A_154, %add3A_218 : i32
        %get3A_220 = arith.index_cast %select_n3A_137 : i32 to index
        %get3A_221 = arith.index_cast %add3A_219 : i32 to index
        %get3A_222 = arith.constant 0 : index
        %get3A_223 = tpu.vector_load %arg6[%get3A_220, %get3A_221, %get3A_222] {strides = array<i32>} : memref<16x100x32xf32, #tpu.memory_space<vmem>>, vector<1x1x16xf32>,
        %get3A_224 = vector.shape_cast %get3A_223 : vector<1x1x16xf32> to vector<16xf32>
        %add3A_225 = arith.addf %add3A_189, %get3A_224 : vector<16xf32>
        %add3A_226 = arith.constant 4 : i32
        %add3A_227 = arith.addi %mul3A_154, %add3A_226 : i32
        %get3A_228 = arith.index_cast %select_n3A_137 : i32 to index
        %get3A_229 = arith.index_cast %add3A_227 : i32 to index
        %get3A_230 = arith.constant 16 : index
        %get3A_231 = tpu.vector_load %arg6[%get3A_228, %get3A_229, %get3A_230] {strides = array<i32>} : memref<16x100x32xf32, #tpu.memory_space<vmem>>, vector<1x1x16xf32>,
        %get3A_232 = vector.shape_cast %get3A_231 : vector<1x1x16xf32> to vector<16xf32>
        %add3A_233 = arith.addf %add3A_197, %get3A_232 : vector<16xf32>
        %add3A_234 = arith.constant 4 : i32
        %add3A_235 = arith.addi %mul3A_154, %add3A_234 : i32
        %add3A_236 = arith.constant 1 : i32
        %add3A_237 = arith.addi %add3A_235, %add3A_236 : i32
        %get3A_238 = arith.index_cast %select_n3A_137 : i32 to index
        %get3A_239 = arith.index_cast %add3A_237 : i32 to index
        %get3A_240 = arith.constant 0 : index
        %get3A_241 = tpu.vector_load %arg6[%get3A_238, %get3A_239, %get3A_240] {strides = array<i32>} : memref<16x100x32xf32, #tpu.memory_space<vmem>>, vector<1x1x16xf32>,
        %get3A_242 = vector.shape_cast %get3A_241 : vector<1x1x16xf32> to vector<16xf32>
        %add3A_243 = arith.addf %add3A_207, %get3A_242 : vector<16xf32>
        %add3A_244 = arith.constant 4 : i32
        %add3A_245 = arith.addi %mul3A_154, %add3A_244 : i32
        %add3A_246 = arith.constant 1 : i32
        %add3A_247 = arith.addi %add3A_245, %add3A_246 : i32
        %get3A_248 = arith.index_cast %select_n3A_137 : i32 to index
        %get3A_249 = arith.index_cast %add3A_247 : i32 to index
        %get3A_250 = arith.constant 16 : index
        %get3A_251 = tpu.vector_load %arg6[%get3A_248, %get3A_249, %get3A_250] {strides = array<i32>} : memref<16x100x32xf32, #tpu.memory_space<vmem>>, vector<1x1x16xf32>,
        %get3A_252 = vector.shape_cast %get3A_251 : vector<1x1x16xf32> to vector<16xf32>
        %add3A_253 = arith.addf %add3A_217, %get3A_252 : vector<16xf32>
        %add3A_254 = arith.constant 6 : i32
        %add3A_255 = arith.addi %mul3A_154, %add3A_254 : i32
        %get3A_256 = arith.index_cast %select_n3A_137 : i32 to index
        %get3A_257 = arith.index_cast %add3A_255 : i32 to index
        %get3A_258 = arith.constant 0 : index
        %get3A_259 = tpu.vector_load %arg6[%get3A_256, %get3A_257, %get3A_258] {strides = array<i32>} : memref<16x100x32xf32, #tpu.memory_space<vmem>>, vector<1x1x16xf32>,
        %get3A_260 = vector.shape_cast %get3A_259 : vector<1x1x16xf32> to vector<16xf32>
        %add3A_261 = arith.addf %add3A_225, %get3A_260 : vector<16xf32>
        %add3A_262 = arith.constant 6 : i32
        %add3A_263 = arith.addi %mul3A_154, %add3A_262 : i32
        %get3A_264 = arith.index_cast %select_n3A_137 : i32 to index
        %get3A_265 = arith.index_cast %add3A_263 : i32 to index
        %get3A_266 = arith.constant 16 : index
        %get3A_267 = tpu.vector_load %arg6[%get3A_264, %get3A_265, %get3A_266] {strides = array<i32>} : memref<16x100x32xf32, #tpu.memory_space<vmem>>, vector<1x1x16xf32>,
        %get3A_268 = vector.shape_cast %get3A_267 : vector<1x1x16xf32> to vector<16xf32>
        %add3A_269 = arith.addf %add3A_233, %get3A_268 : vector<16xf32>
        %add3A_270 = arith.constant 6 : i32
        %add3A_271 = arith.addi %mul3A_154, %add3A_270 : i32
        %add3A_272 = arith.constant 1 : i32
        %add3A_273 = arith.addi %add3A_271, %add3A_272 : i32
        %get3A_274 = arith.index_cast %select_n3A_137 : i32 to index
        %get3A_275 = arith.index_cast %add3A_273 : i32 to index
        %get3A_276 = arith.constant 0 : index
        %get3A_277 = tpu.vector_load %arg6[%get3A_274, %get3A_275, %get3A_276] {strides = array<i32>} : memref<16x100x32xf32, #tpu.memory_space<vmem>>, vector<1x1x16xf32>,
        %get3A_278 = vector.shape_cast %get3A_277 : vector<1x1x16xf32> to vector<16xf32>
        %add3A_279 = arith.addf %add3A_243, %get3A_278 : vector<16xf32>
        %add3A_280 = arith.constant 6 : i32
        %add3A_281 = arith.addi %mul3A_154, %add3A_280 : i32
        %add3A_282 = arith.constant 1 : i32
        %add3A_283 = arith.addi %add3A_281, %add3A_282 : i32
        %get3A_284 = arith.index_cast %select_n3A_137 : i32 to index
        %get3A_285 = arith.index_cast %add3A_283 : i32 to index
        %get3A_286 = arith.constant 16 : index
        %get3A_287 = tpu.vector_load %arg6[%get3A_284, %get3A_285, %get3A_286] {strides = array<i32>} : memref<16x100x32xf32, #tpu.memory_space<vmem>>, vector<1x1x16xf32>,
        %get3A_288 = vector.shape_cast %get3A_287 : vector<1x1x16xf32> to vector<16xf32>
        %add3A_289 = arith.addf %add3A_253, %get3A_288 : vector<16xf32>
        %add3A_290 = arith.constant 8 : i32
        %add3A_291 = arith.addi %mul3A_154, %add3A_290 : i32
        %get3A_292 = arith.index_cast %select_n3A_137 : i32 to index
        %get3A_293 = arith.index_cast %add3A_291 : i32 to index
        %get3A_294 = arith.constant 0 : index
        %get3A_295 = tpu.vector_load %arg6[%get3A_292, %get3A_293, %get3A_294] {strides = array<i32>} : memref<16x100x32xf32, #tpu.memory_space<vmem>>, vector<1x1x16xf32>,
        %get3A_296 = vector.shape_cast %get3A_295 : vector<1x1x16xf32> to vector<16xf32>
        %add3A_297 = arith.addf %add3A_261, %get3A_296 : vector<16xf32>
        %add3A_298 = arith.constant 8 : i32
        %add3A_299 = arith.addi %mul3A_154, %add3A_298 : i32
        %get3A_300 = arith.index_cast %select_n3A_137 : i32 to index
        %get3A_301 = arith.index_cast %add3A_299 : i32 to index
        %get3A_302 = arith.constant 16 : index
        %get3A_303 = tpu.vector_load %arg6[%get3A_300, %get3A_301, %get3A_302] {strides = array<i32>} : memref<16x100x32xf32, #tpu.memory_space<vmem>>, vector<1x1x16xf32>,
        %get3A_304 = vector.shape_cast %get3A_303 : vector<1x1x16xf32> to vector<16xf32>
        %add3A_305 = arith.addf %add3A_269, %get3A_304 : vector<16xf32>
        %add3A_306 = arith.constant 8 : i32
        %add3A_307 = arith.addi %mul3A_154, %add3A_306 : i32
        %add3A_308 = arith.constant 1 : i32
        %add3A_309 = arith.addi %add3A_307, %add3A_308 : i32
        %get3A_310 = arith.index_cast %select_n3A_137 : i32 to index
        %get3A_311 = arith.index_cast %add3A_309 : i32 to index
        %get3A_312 = arith.constant 0 : index
        %get3A_313 = tpu.vector_load %arg6[%get3A_310, %get3A_311, %get3A_312] {strides = array<i32>} : memref<16x100x32xf32, #tpu.memory_space<vmem>>, vector<1x1x16xf32>,
        %get3A_314 = vector.shape_cast %get3A_313 : vector<1x1x16xf32> to vector<16xf32>
        %add3A_315 = arith.addf %add3A_279, %get3A_314 : vector<16xf32>
        %add3A_316 = arith.constant 8 : i32
        %add3A_317 = arith.addi %mul3A_154, %add3A_316 : i32
        %add3A_318 = arith.constant 1 : i32
        %add3A_319 = arith.addi %add3A_317, %add3A_318 : i32
        %get3A_320 = arith.index_cast %select_n3A_137 : i32 to index
        %get3A_321 = arith.index_cast %add3A_319 : i32 to index
        %get3A_322 = arith.constant 16 : index
        %get3A_323 = tpu.vector_load %arg6[%get3A_320, %get3A_321, %get3A_322] {strides = array<i32>} : memref<16x100x32xf32, #tpu.memory_space<vmem>>, vector<1x1x16xf32>,
        %get3A_324 = vector.shape_cast %get3A_323 : vector<1x1x16xf32> to vector<16xf32>
        %add3A_325 = arith.addf %add3A_289, %get3A_324 : vector<16xf32>
        %add3A_326 = arith.constant 10 : i32
        %add3A_327 = arith.addi %mul3A_154, %add3A_326 : i32
        %get3A_328 = arith.index_cast %select_n3A_137 : i32 to index
        %get3A_329 = arith.index_cast %add3A_327 : i32 to index
        %get3A_330 = arith.constant 0 : index
        %get3A_331 = tpu.vector_load %arg6[%get3A_328, %get3A_329, %get3A_330] {strides = array<i32>} : memref<16x100x32xf32, #tpu.memory_space<vmem>>, vector<1x1x16xf32>,
        %get3A_332 = vector.shape_cast %get3A_331 : vector<1x1x16xf32> to vector<16xf32>
        %add3A_333 = arith.addf %add3A_297, %get3A_332 : vector<16xf32>
        %add3A_334 = arith.constant 10 : i32
        %add3A_335 = arith.addi %mul3A_154, %add3A_334 : i32
        %get3A_336 = arith.index_cast %select_n3A_137 : i32 to index
        %get3A_337 = arith.index_cast %add3A_335 : i32 to index
        %get3A_338 = arith.constant 16 : index
        %get3A_339 = tpu.vector_load %arg6[%get3A_336, %get3A_337, %get3A_338] {strides = array<i32>} : memref<16x100x32xf32, #tpu.memory_space<vmem>>, vector<1x1x16xf32>,
        %get3A_340 = vector.shape_cast %get3A_339 : vector<1x1x16xf32> to vector<16xf32>
        %add3A_341 = arith.addf %add3A_305, %get3A_340 : vector<16xf32>
        %add3A_342 = arith.constant 10 : i32
        %add3A_343 = arith.addi %mul3A_154, %add3A_342 : i32
        %add3A_344 = arith.constant 1 : i32
        %add3A_345 = arith.addi %add3A_343, %add3A_344 : i32
        %get3A_346 = arith.index_cast %select_n3A_137 : i32 to index
        %get3A_347 = arith.index_cast %add3A_345 : i32 to index
        %get3A_348 = arith.constant 0 : index
        %get3A_349 = tpu.vector_load %arg6[%get3A_346, %get3A_347, %get3A_348] {strides = array<i32>} : memref<16x100x32xf32, #tpu.memory_space<vmem>>, vector<1x1x16xf32>,
        %get3A_350 = vector.shape_cast %get3A_349 : vector<1x1x16xf32> to vector<16xf32>
        %add3A_351 = arith.addf %add3A_315, %get3A_350 : vector<16xf32>
        %add3A_352 = arith.constant 10 : i32
        %add3A_353 = arith.addi %mul3A_154, %add3A_352 : i32
        %add3A_354 = arith.constant 1 : i32
        %add3A_355 = arith.addi %add3A_353, %add3A_354 : i32
        %get3A_356 = arith.index_cast %select_n3A_137 : i32 to index
        %get3A_357 = arith.index_cast %add3A_355 : i32 to index
        %get3A_358 = arith.constant 16 : index
        %get3A_359 = tpu.vector_load %arg6[%get3A_356, %get3A_357, %get3A_358] {strides = array<i32>} : memref<16x100x32xf32, #tpu.memory_space<vmem>>, vector<1x1x16xf32>,
        %get3A_360 = vector.shape_cast %get3A_359 : vector<1x1x16xf32> to vector<16xf32>
        %add3A_361 = arith.addf %add3A_325, %get3A_360 : vector<16xf32>
        %add3A_362 = arith.constant 12 : i32
        %add3A_363 = arith.addi %mul3A_154, %add3A_362 : i32
        %get3A_364 = arith.index_cast %select_n3A_137 : i32 to index
        %get3A_365 = arith.index_cast %add3A_363 : i32 to index
        %get3A_366 = arith.constant 0 : index
        %get3A_367 = tpu.vector_load %arg6[%get3A_364, %get3A_365, %get3A_366] {strides = array<i32>} : memref<16x100x32xf32, #tpu.memory_space<vmem>>, vector<1x1x16xf32>,
        %get3A_368 = vector.shape_cast %get3A_367 : vector<1x1x16xf32> to vector<16xf32>
        %add3A_369 = arith.addf %add3A_333, %get3A_368 : vector<16xf32>
        %add3A_370 = arith.constant 12 : i32
        %add3A_371 = arith.addi %mul3A_154, %add3A_370 : i32
        %get3A_372 = arith.index_cast %select_n3A_137 : i32 to index
        %get3A_373 = arith.index_cast %add3A_371 : i32 to index
        %get3A_374 = arith.constant 16 : index
        %get3A_375 = tpu.vector_load %arg6[%get3A_372, %get3A_373, %get3A_374] {strides = array<i32>} : memref<16x100x32xf32, #tpu.memory_space<vmem>>, vector<1x1x16xf32>,
        %get3A_376 = vector.shape_cast %get3A_375 : vector<1x1x16xf32> to vector<16xf32>
        %add3A_377 = arith.addf %add3A_341, %get3A_376 : vector<16xf32>
        %add3A_378 = arith.constant 12 : i32
        %add3A_379 = arith.addi %mul3A_154, %add3A_378 : i32
        %add3A_380 = arith.constant 1 : i32
        %add3A_381 = arith.addi %add3A_379, %add3A_380 : i32
        %get3A_382 = arith.index_cast %select_n3A_137 : i32 to index
        %get3A_383 = arith.index_cast %add3A_381 : i32 to index
        %get3A_384 = arith.constant 0 : index
        %get3A_385 = tpu.vector_load %arg6[%get3A_382, %get3A_383, %get3A_384] {strides = array<i32>} : memref<16x100x32xf32, #tpu.memory_space<vmem>>, vector<1x1x16xf32>,
        %get3A_386 = vector.shape_cast %get3A_385 : vector<1x1x16xf32> to vector<16xf32>
        %add3A_387 = arith.addf %add3A_351, %get3A_386 : vector<16xf32>
        %add3A_388 = arith.constant 12 : i32
        %add3A_389 = arith.addi %mul3A_154, %add3A_388 : i32
        %add3A_390 = arith.constant 1 : i32
        %add3A_391 = arith.addi %add3A_389, %add3A_390 : i32
        %get3A_392 = arith.index_cast %select_n3A_137 : i32 to index
        %get3A_393 = arith.index_cast %add3A_391 : i32 to index
        %get3A_394 = arith.constant 16 : index
        %get3A_395 = tpu.vector_load %arg6[%get3A_392, %get3A_393, %get3A_394] {strides = array<i32>} : memref<16x100x32xf32, #tpu.memory_space<vmem>>, vector<1x1x16xf32>,
        %get3A_396 = vector.shape_cast %get3A_395 : vector<1x1x16xf32> to vector<16xf32>
        %add3A_397 = arith.addf %add3A_361, %get3A_396 : vector<16xf32>
        %add3A_398 = arith.constant 14 : i32
        %add3A_399 = arith.addi %mul3A_154, %add3A_398 : i32
        %get3A_400 = arith.index_cast %select_n3A_137 : i32 to index
        %get3A_401 = arith.index_cast %add3A_399 : i32 to index
        %get3A_402 = arith.constant 0 : index
        %get3A_403 = tpu.vector_load %arg6[%get3A_400, %get3A_401, %get3A_402] {strides = array<i32>} : memref<16x100x32xf32, #tpu.memory_space<vmem>>, vector<1x1x16xf32>,
        %get3A_404 = vector.shape_cast %get3A_403 : vector<1x1x16xf32> to vector<16xf32>
        %add3A_405 = arith.addf %add3A_369, %get3A_404 : vector<16xf32>
        %add3A_406 = arith.constant 14 : i32
        %add3A_407 = arith.addi %mul3A_154, %add3A_406 : i32
        %get3A_408 = arith.index_cast %select_n3A_137 : i32 to index
        %get3A_409 = arith.index_cast %add3A_407 : i32 to index
        %get3A_410 = arith.constant 16 : index
        %get3A_411 = tpu.vector_load %arg6[%get3A_408, %get3A_409, %get3A_410] {strides = array<i32>} : memref<16x100x32xf32, #tpu.memory_space<vmem>>, vector<1x1x16xf32>,
        %get3A_412 = vector.shape_cast %get3A_411 : vector<1x1x16xf32> to vector<16xf32>
        %add3A_413 = arith.addf %add3A_377, %get3A_412 : vector<16xf32>
        %add3A_414 = arith.constant 14 : i32
        %add3A_415 = arith.addi %mul3A_154, %add3A_414 : i32
        %add3A_416 = arith.constant 1 : i32
        %add3A_417 = arith.addi %add3A_415, %add3A_416 : i32
        %get3A_418 = arith.index_cast %select_n3A_137 : i32 to index
        %get3A_419 = arith.index_cast %add3A_417 : i32 to index
        %get3A_420 = arith.constant 0 : index
        %get3A_421 = tpu.vector_load %arg6[%get3A_418, %get3A_419, %get3A_420] {strides = array<i32>} : memref<16x100x32xf32, #tpu.memory_space<vmem>>, vector<1x1x16xf32>,
        %get3A_422 = vector.shape_cast %get3A_421 : vector<1x1x16xf32> to vector<16xf32>
        %add3A_423 = arith.addf %add3A_387, %get3A_422 : vector<16xf32>
        %add3A_424 = arith.constant 14 : i32
        %add3A_425 = arith.addi %mul3A_154, %add3A_424 : i32
        %add3A_426 = arith.constant 1 : i32
        %add3A_427 = arith.addi %add3A_425, %add3A_426 : i32
        %get3A_428 = arith.index_cast %select_n3A_137 : i32 to index
        %get3A_429 = arith.index_cast %add3A_427 : i32 to index
        %get3A_430 = arith.constant 16 : index
        %get3A_431 = tpu.vector_load %arg6[%get3A_428, %get3A_429, %get3A_430] {strides = array<i32>} : memref<16x100x32xf32, #tpu.memory_space<vmem>>, vector<1x1x16xf32>,
        %get3A_432 = vector.shape_cast %get3A_431 : vector<1x1x16xf32> to vector<16xf32>
        %add3A_433 = arith.addf %add3A_397, %get3A_432 : vector<16xf32>
        %add3A_434 = arith.constant 16 : i32
        %add3A_435 = arith.addi %mul3A_154, %add3A_434 : i32
        %get3A_436 = arith.index_cast %select_n3A_137 : i32 to index
        %get3A_437 = arith.index_cast %add3A_435 : i32 to index
        %get3A_438 = arith.constant 0 : index
        %get3A_439 = tpu.vector_load %arg6[%get3A_436, %get3A_437, %get3A_438] {strides = array<i32>} : memref<16x100x32xf32, #tpu.memory_space<vmem>>, vector<1x1x16xf32>,
        %get3A_440 = vector.shape_cast %get3A_439 : vector<1x1x16xf32> to vector<16xf32>
        %add3A_441 = arith.addf %add3A_405, %get3A_440 : vector<16xf32>
        %add3A_442 = arith.constant 16 : i32
        %add3A_443 = arith.addi %mul3A_154, %add3A_442 : i32
        %get3A_444 = arith.index_cast %select_n3A_137 : i32 to index
        %get3A_445 = arith.index_cast %add3A_443 : i32 to index
        %get3A_446 = arith.constant 16 : index
        %get3A_447 = tpu.vector_load %arg6[%get3A_444, %get3A_445, %get3A_446] {strides = array<i32>} : memref<16x100x32xf32, #tpu.memory_space<vmem>>, vector<1x1x16xf32>,
        %get3A_448 = vector.shape_cast %get3A_447 : vector<1x1x16xf32> to vector<16xf32>
        %add3A_449 = arith.addf %add3A_413, %get3A_448 : vector<16xf32>
        %add3A_450 = arith.constant 16 : i32
        %add3A_451 = arith.addi %mul3A_154, %add3A_450 : i32
        %add3A_452 = arith.constant 1 : i32
        %add3A_453 = arith.addi %add3A_451, %add3A_452 : i32
        %get3A_454 = arith.index_cast %select_n3A_137 : i32 to index
        %get3A_455 = arith.index_cast %add3A_453 : i32 to index
        %get3A_456 = arith.constant 0 : index
        %get3A_457 = tpu.vector_load %arg6[%get3A_454, %get3A_455, %get3A_456] {strides = array<i32>} : memref<16x100x32xf32, #tpu.memory_space<vmem>>, vector<1x1x16xf32>,
        %get3A_458 = vector.shape_cast %get3A_457 : vector<1x1x16xf32> to vector<16xf32>
        %add3A_459 = arith.addf %add3A_423, %get3A_458 : vector<16xf32>
        %add3A_460 = arith.constant 16 : i32
        %add3A_461 = arith.addi %mul3A_154, %add3A_460 : i32
        %add3A_462 = arith.constant 1 : i32
        %add3A_463 = arith.addi %add3A_461, %add3A_462 : i32
        %get3A_464 = arith.index_cast %select_n3A_137 : i32 to index
        %get3A_465 = arith.index_cast %add3A_463 : i32 to index
        %get3A_466 = arith.constant 16 : index
        %get3A_467 = tpu.vector_load %arg6[%get3A_464, %get3A_465, %get3A_466] {strides = array<i32>} : memref<16x100x32xf32, #tpu.memory_space<vmem>>, vector<1x1x16xf32>,
        %get3A_468 = vector.shape_cast %get3A_467 : vector<1x1x16xf32> to vector<16xf32>
        %add3A_469 = arith.addf %add3A_433, %get3A_468 : vector<16xf32>
        %add3A_470 = arith.constant 18 : i32
        %add3A_471 = arith.addi %mul3A_154, %add3A_470 : i32
        %get3A_472 = arith.index_cast %select_n3A_137 : i32 to index
        %get3A_473 = arith.index_cast %add3A_471 : i32 to index
        %get3A_474 = arith.constant 0 : index
        %get3A_475 = tpu.vector_load %arg6[%get3A_472, %get3A_473, %get3A_474] {strides = array<i32>} : memref<16x100x32xf32, #tpu.memory_space<vmem>>, vector<1x1x16xf32>,
        %get3A_476 = vector.shape_cast %get3A_475 : vector<1x1x16xf32> to vector<16xf32>
        %add3A_477 = arith.addf %add3A_441, %get3A_476 : vector<16xf32>
        %add3A_478 = arith.constant 18 : i32
        %add3A_479 = arith.addi %mul3A_154, %add3A_478 : i32
        %get3A_480 = arith.index_cast %select_n3A_137 : i32 to index
        %get3A_481 = arith.index_cast %add3A_479 : i32 to index
        %get3A_482 = arith.constant 16 : index
        %get3A_483 = tpu.vector_load %arg6[%get3A_480, %get3A_481, %get3A_482] {strides = array<i32>} : memref<16x100x32xf32, #tpu.memory_space<vmem>>, vector<1x1x16xf32>,
        %get3A_484 = vector.shape_cast %get3A_483 : vector<1x1x16xf32> to vector<16xf32>
        %add3A_485 = arith.addf %add3A_449, %get3A_484 : vector<16xf32>
        %add3A_486 = arith.constant 18 : i32
        %add3A_487 = arith.addi %mul3A_154, %add3A_486 : i32
        %add3A_488 = arith.constant 1 : i32
        %add3A_489 = arith.addi %add3A_487, %add3A_488 : i32
        %get3A_490 = arith.index_cast %select_n3A_137 : i32 to index
        %get3A_491 = arith.index_cast %add3A_489 : i32 to index
        %get3A_492 = arith.constant 0 : index
        %get3A_493 = tpu.vector_load %arg6[%get3A_490, %get3A_491, %get3A_492] {strides = array<i32>} : memref<16x100x32xf32, #tpu.memory_space<vmem>>, vector<1x1x16xf32>,
        %get3A_494 = vector.shape_cast %get3A_493 : vector<1x1x16xf32> to vector<16xf32>
        %add3A_495 = arith.addf %add3A_459, %get3A_494 : vector<16xf32>
        %add3A_496 = arith.constant 18 : i32
        %add3A_497 = arith.addi %mul3A_154, %add3A_496 : i32
        %add3A_498 = arith.constant 1 : i32
        %add3A_499 = arith.addi %add3A_497, %add3A_498 : i32
        %get3A_500 = arith.index_cast %select_n3A_137 : i32 to index
        %get3A_501 = arith.index_cast %add3A_499 : i32 to index
        %get3A_502 = arith.constant 16 : index
        %get3A_503 = tpu.vector_load %arg6[%get3A_500, %get3A_501, %get3A_502] {strides = array<i32>} : memref<16x100x32xf32, #tpu.memory_space<vmem>>, vector<1x1x16xf32>,
        %get3A_504 = vector.shape_cast %get3A_503 : vector<1x1x16xf32> to vector<16xf32>
        %add3A_505 = arith.addf %add3A_469, %get3A_504 : vector<16xf32>
        %add3A_506 = arith.constant 20 : i32
        %add3A_507 = arith.addi %mul3A_154, %add3A_506 : i32
        %get3A_508 = arith.index_cast %select_n3A_137 : i32 to index
        %get3A_509 = arith.index_cast %add3A_507 : i32 to index
        %get3A_510 = arith.constant 0 : index
        %get3A_511 = tpu.vector_load %arg6[%get3A_508, %get3A_509, %get3A_510] {strides = array<i32>} : memref<16x100x32xf32, #tpu.memory_space<vmem>>, vector<1x1x16xf32>,
        %get3A_512 = vector.shape_cast %get3A_511 : vector<1x1x16xf32> to vector<16xf32>
        %add3A_513 = arith.addf %add3A_477, %get3A_512 : vector<16xf32>
        %add3A_514 = arith.constant 20 : i32
        %add3A_515 = arith.addi %mul3A_154, %add3A_514 : i32
        %get3A_516 = arith.index_cast %select_n3A_137 : i32 to index
        %get3A_517 = arith.index_cast %add3A_515 : i32 to index
        %get3A_518 = arith.constant 16 : index
        %get3A_519 = tpu.vector_load %arg6[%get3A_516, %get3A_517, %get3A_518] {strides = array<i32>} : memref<16x100x32xf32, #tpu.memory_space<vmem>>, vector<1x1x16xf32>,
        %get3A_520 = vector.shape_cast %get3A_519 : vector<1x1x16xf32> to vector<16xf32>
        %add3A_521 = arith.addf %add3A_485, %get3A_520 : vector<16xf32>
        %add3A_522 = arith.constant 20 : i32
        %add3A_523 = arith.addi %mul3A_154, %add3A_522 : i32
        %add3A_524 = arith.constant 1 : i32
        %add3A_525 = arith.addi %add3A_523, %add3A_524 : i32
        %get3A_526 = arith.index_cast %select_n3A_137 : i32 to index
        %get3A_527 = arith.index_cast %add3A_525 : i32 to index
        %get3A_528 = arith.constant 0 : index
        %get3A_529 = tpu.vector_load %arg6[%get3A_526, %get3A_527, %get3A_528] {strides = array<i32>} : memref<16x100x32xf32, #tpu.memory_space<vmem>>, vector<1x1x16xf32>,
        %get3A_530 = vector.shape_cast %get3A_529 : vector<1x1x16xf32> to vector<16xf32>
        %add3A_531 = arith.addf %add3A_495, %get3A_530 : vector<16xf32>
        %add3A_532 = arith.constant 20 : i32
        %add3A_533 = arith.addi %mul3A_154, %add3A_532 : i32
        %add3A_534 = arith.constant 1 : i32
        %add3A_535 = arith.addi %add3A_533, %add3A_534 : i32
        %get3A_536 = arith.index_cast %select_n3A_137 : i32 to index
        %get3A_537 = arith.index_cast %add3A_535 : i32 to index
        %get3A_538 = arith.constant 16 : index
        %get3A_539 = tpu.vector_load %arg6[%get3A_536, %get3A_537, %get3A_538] {strides = array<i32>} : memref<16x100x32xf32, #tpu.memory_space<vmem>>, vector<1x1x16xf32>,
        %get3A_540 = vector.shape_cast %get3A_539 : vector<1x1x16xf32> to vector<16xf32>
        %add3A_541 = arith.addf %add3A_505, %get3A_540 : vector<16xf32>
        %add3A_542 = arith.constant 22 : i32
        %add3A_543 = arith.addi %mul3A_154, %add3A_542 : i32
        %get3A_544 = arith.index_cast %select_n3A_137 : i32 to index
        %get3A_545 = arith.index_cast %add3A_543 : i32 to index
        %get3A_546 = arith.constant 0 : index
        %get3A_547 = tpu.vector_load %arg6[%get3A_544, %get3A_545, %get3A_546] {strides = array<i32>} : memref<16x100x32xf32, #tpu.memory_space<vmem>>, vector<1x1x16xf32>,
        %get3A_548 = vector.shape_cast %get3A_547 : vector<1x1x16xf32> to vector<16xf32>
        %add3A_549 = arith.addf %add3A_513, %get3A_548 : vector<16xf32>
        %add3A_550 = arith.constant 22 : i32
        %add3A_551 = arith.addi %mul3A_154, %add3A_550 : i32
        %get3A_552 = arith.index_cast %select_n3A_137 : i32 to index
        %get3A_553 = arith.index_cast %add3A_551 : i32 to index
        %get3A_554 = arith.constant 16 : index
        %get3A_555 = tpu.vector_load %arg6[%get3A_552, %get3A_553, %get3A_554] {strides = array<i32>} : memref<16x100x32xf32, #tpu.memory_space<vmem>>, vector<1x1x16xf32>,
        %get3A_556 = vector.shape_cast %get3A_555 : vector<1x1x16xf32> to vector<16xf32>
        %add3A_557 = arith.addf %add3A_521, %get3A_556 : vector<16xf32>
        %add3A_558 = arith.constant 22 : i32
        %add3A_559 = arith.addi %mul3A_154, %add3A_558 : i32
        %add3A_560 = arith.constant 1 : i32
        %add3A_561 = arith.addi %add3A_559, %add3A_560 : i32
        %get3A_562 = arith.index_cast %select_n3A_137 : i32 to index
        %get3A_563 = arith.index_cast %add3A_561 : i32 to index
        %get3A_564 = arith.constant 0 : index
        %get3A_565 = tpu.vector_load %arg6[%get3A_562, %get3A_563, %get3A_564] {strides = array<i32>} : memref<16x100x32xf32, #tpu.memory_space<vmem>>, vector<1x1x16xf32>,
        %get3A_566 = vector.shape_cast %get3A_565 : vector<1x1x16xf32> to vector<16xf32>
        %add3A_567 = arith.addf %add3A_531, %get3A_566 : vector<16xf32>
        %add3A_568 = arith.constant 22 : i32
        %add3A_569 = arith.addi %mul3A_154, %add3A_568 : i32
        %add3A_570 = arith.constant 1 : i32
        %add3A_571 = arith.addi %add3A_569, %add3A_570 : i32
        %get3A_572 = arith.index_cast %select_n3A_137 : i32 to index
        %get3A_573 = arith.index_cast %add3A_571 : i32 to index
        %get3A_574 = arith.constant 16 : index
        %get3A_575 = tpu.vector_load %arg6[%get3A_572, %get3A_573, %get3A_574] {strides = array<i32>} : memref<16x100x32xf32, #tpu.memory_space<vmem>>, vector<1x1x16xf32>,
        %get3A_576 = vector.shape_cast %get3A_575 : vector<1x1x16xf32> to vector<16xf32>
        %add3A_577 = arith.addf %add3A_541, %get3A_576 : vector<16xf32>
        %add3A_578 = arith.constant 24 : i32
        %add3A_579 = arith.addi %mul3A_154, %add3A_578 : i32
        %get3A_580 = arith.index_cast %select_n3A_137 : i32 to index
        %get3A_581 = arith.index_cast %add3A_579 : i32 to index
        %get3A_582 = arith.constant 0 : index
        %get3A_583 = tpu.vector_load %arg6[%get3A_580, %get3A_581, %get3A_582] {strides = array<i32>} : memref<16x100x32xf32, #tpu.memory_space<vmem>>, vector<1x1x16xf32>,
        %get3A_584 = vector.shape_cast %get3A_583 : vector<1x1x16xf32> to vector<16xf32>
        %add3A_585 = arith.addf %add3A_549, %get3A_584 : vector<16xf32>
        %add3A_586 = arith.constant 24 : i32
        %add3A_587 = arith.addi %mul3A_154, %add3A_586 : i32
        %get3A_588 = arith.index_cast %select_n3A_137 : i32 to index
        %get3A_589 = arith.index_cast %add3A_587 : i32 to index
        %get3A_590 = arith.constant 16 : index
        %get3A_591 = tpu.vector_load %arg6[%get3A_588, %get3A_589, %get3A_590] {strides = array<i32>} : memref<16x100x32xf32, #tpu.memory_space<vmem>>, vector<1x1x16xf32>,
        %get3A_592 = vector.shape_cast %get3A_591 : vector<1x1x16xf32> to vector<16xf32>
        %add3A_593 = arith.addf %add3A_557, %get3A_592 : vector<16xf32>
        %add3A_594 = arith.constant 24 : i32
        %add3A_595 = arith.addi %mul3A_154, %add3A_594 : i32
        %add3A_596 = arith.constant 1 : i32
        %add3A_597 = arith.addi %add3A_595, %add3A_596 : i32
        %get3A_598 = arith.index_cast %select_n3A_137 : i32 to index
        %get3A_599 = arith.index_cast %add3A_597 : i32 to index
        %get3A_600 = arith.constant 0 : index
        %get3A_601 = tpu.vector_load %arg6[%get3A_598, %get3A_599, %get3A_600] {strides = array<i32>} : memref<16x100x32xf32, #tpu.memory_space<vmem>>, vector<1x1x16xf32>,
        %get3A_602 = vector.shape_cast %get3A_601 : vector<1x1x16xf32> to vector<16xf32>
        %add3A_603 = arith.addf %add3A_567, %get3A_602 : vector<16xf32>
        %add3A_604 = arith.constant 24 : i32
        %add3A_605 = arith.addi %mul3A_154, %add3A_604 : i32
        %add3A_606 = arith.constant 1 : i32
        %add3A_607 = arith.addi %add3A_605, %add3A_606 : i32
        %get3A_608 = arith.index_cast %select_n3A_137 : i32 to index
        %get3A_609 = arith.index_cast %add3A_607 : i32 to index
        %get3A_610 = arith.constant 16 : index
        %get3A_611 = tpu.vector_load %arg6[%get3A_608, %get3A_609, %get3A_610] {strides = array<i32>} : memref<16x100x32xf32, #tpu.memory_space<vmem>>, vector<1x1x16xf32>,
        %get3A_612 = vector.shape_cast %get3A_611 : vector<1x1x16xf32> to vector<16xf32>
        %add3A_613 = arith.addf %add3A_577, %get3A_612 : vector<16xf32>
        %add3A_614 = arith.constant 26 : i32
        %add3A_615 = arith.addi %mul3A_154, %add3A_614 : i32
        %get3A_616 = arith.index_cast %select_n3A_137 : i32 to index
        %get3A_617 = arith.index_cast %add3A_615 : i32 to index
        %get3A_618 = arith.constant 0 : index
        %get3A_619 = tpu.vector_load %arg6[%get3A_616, %get3A_617, %get3A_618] {strides = array<i32>} : memref<16x100x32xf32, #tpu.memory_space<vmem>>, vector<1x1x16xf32>,
        %get3A_620 = vector.shape_cast %get3A_619 : vector<1x1x16xf32> to vector<16xf32>
        %add3A_621 = arith.addf %add3A_585, %get3A_620 : vector<16xf32>
        %add3A_622 = arith.constant 26 : i32
        %add3A_623 = arith.addi %mul3A_154, %add3A_622 : i32
        %get3A_624 = arith.index_cast %select_n3A_137 : i32 to index
        %get3A_625 = arith.index_cast %add3A_623 : i32 to index
        %get3A_626 = arith.constant 16 : index
        %get3A_627 = tpu.vector_load %arg6[%get3A_624, %get3A_625, %get3A_626] {strides = array<i32>} : memref<16x100x32xf32, #tpu.memory_space<vmem>>, vector<1x1x16xf32>,
        %get3A_628 = vector.shape_cast %get3A_627 : vector<1x1x16xf32> to vector<16xf32>
        %add3A_629 = arith.addf %add3A_593, %get3A_628 : vector<16xf32>
        %add3A_630 = arith.constant 26 : i32
        %add3A_631 = arith.addi %mul3A_154, %add3A_630 : i32
        %add3A_632 = arith.constant 1 : i32
        %add3A_633 = arith.addi %add3A_631, %add3A_632 : i32
        %get3A_634 = arith.index_cast %select_n3A_137 : i32 to index
        %get3A_635 = arith.index_cast %add3A_633 : i32 to index
        %get3A_636 = arith.constant 0 : index
        %get3A_637 = tpu.vector_load %arg6[%get3A_634, %get3A_635, %get3A_636] {strides = array<i32>} : memref<16x100x32xf32, #tpu.memory_space<vmem>>, vector<1x1x16xf32>,
        %get3A_638 = vector.shape_cast %get3A_637 : vector<1x1x16xf32> to vector<16xf32>
        %add3A_639 = arith.addf %add3A_603, %get3A_638 : vector<16xf32>
        %add3A_640 = arith.constant 26 : i32
        %add3A_641 = arith.addi %mul3A_154, %add3A_640 : i32
        %add3A_642 = arith.constant 1 : i32
        %add3A_643 = arith.addi %add3A_641, %add3A_642 : i32
        %get3A_644 = arith.index_cast %select_n3A_137 : i32 to index
        %get3A_645 = arith.index_cast %add3A_643 : i32 to index
        %get3A_646 = arith.constant 16 : index
        %get3A_647 = tpu.vector_load %arg6[%get3A_644, %get3A_645, %get3A_646] {strides = array<i32>} : memref<16x100x32xf32, #tpu.memory_space<vmem>>, vector<1x1x16xf32>,
        %get3A_648 = vector.shape_cast %get3A_647 : vector<1x1x16xf32> to vector<16xf32>
        %add3A_649 = arith.addf %add3A_613, %get3A_648 : vector<16xf32>
        %add3A_650 = arith.constant 28 : i32
        %add3A_651 = arith.addi %mul3A_154, %add3A_650 : i32
        %get3A_652 = arith.index_cast %select_n3A_137 : i32 to index
        %get3A_653 = arith.index_cast %add3A_651 : i32 to index
        %get3A_654 = arith.constant 0 : index
        %get3A_655 = tpu.vector_load %arg6[%get3A_652, %get3A_653, %get3A_654] {strides = array<i32>} : memref<16x100x32xf32, #tpu.memory_space<vmem>>, vector<1x1x16xf32>,
        %get3A_656 = vector.shape_cast %get3A_655 : vector<1x1x16xf32> to vector<16xf32>
        %add3A_657 = arith.addf %add3A_621, %get3A_656 : vector<16xf32>
        %add3A_658 = arith.constant 28 : i32
        %add3A_659 = arith.addi %mul3A_154, %add3A_658 : i32
        %get3A_660 = arith.index_cast %select_n3A_137 : i32 to index
        %get3A_661 = arith.index_cast %add3A_659 : i32 to index
        %get3A_662 = arith.constant 16 : index
        %get3A_663 = tpu.vector_load %arg6[%get3A_660, %get3A_661, %get3A_662] {strides = array<i32>} : memref<16x100x32xf32, #tpu.memory_space<vmem>>, vector<1x1x16xf32>,
        %get3A_664 = vector.shape_cast %get3A_663 : vector<1x1x16xf32> to vector<16xf32>
        %add3A_665 = arith.addf %add3A_629, %get3A_664 : vector<16xf32>
        %add3A_666 = arith.constant 28 : i32
        %add3A_667 = arith.addi %mul3A_154, %add3A_666 : i32
        %add3A_668 = arith.constant 1 : i32
        %add3A_669 = arith.addi %add3A_667, %add3A_668 : i32
        %get3A_670 = arith.index_cast %select_n3A_137 : i32 to index
        %get3A_671 = arith.index_cast %add3A_669 : i32 to index
        %get3A_672 = arith.constant 0 : index
        %get3A_673 = tpu.vector_load %arg6[%get3A_670, %get3A_671, %get3A_672] {strides = array<i32>} : memref<16x100x32xf32, #tpu.memory_space<vmem>>, vector<1x1x16xf32>,
        %get3A_674 = vector.shape_cast %get3A_673 : vector<1x1x16xf32> to vector<16xf32>
        %add3A_675 = arith.addf %add3A_639, %get3A_674 : vector<16xf32>
        %add3A_676 = arith.constant 28 : i32
        %add3A_677 = arith.addi %mul3A_154, %add3A_676 : i32
        %add3A_678 = arith.constant 1 : i32
        %add3A_679 = arith.addi %add3A_677, %add3A_678 : i32
        %get3A_680 = arith.index_cast %select_n3A_137 : i32 to index
        %get3A_681 = arith.index_cast %add3A_679 : i32 to index
        %get3A_682 = arith.constant 16 : index
        %get3A_683 = tpu.vector_load %arg6[%get3A_680, %get3A_681, %get3A_682] {strides = array<i32>} : memref<16x100x32xf32, #tpu.memory_space<vmem>>, vector<1x1x16xf32>,
        %get3A_684 = vector.shape_cast %get3A_683 : vector<1x1x16xf32> to vector<16xf32>
        %add3A_685 = arith.addf %add3A_649, %get3A_684 : vector<16xf32>
        %add3A_686 = arith.constant 30 : i32
        %add3A_687 = arith.addi %mul3A_154, %add3A_686 : i32
        %get3A_688 = arith.index_cast %select_n3A_137 : i32 to index
        %get3A_689 = arith.index_cast %add3A_687 : i32 to index
        %get3A_690 = arith.constant 0 : index
        %get3A_691 = tpu.vector_load %arg6[%get3A_688, %get3A_689, %get3A_690] {strides = array<i32>} : memref<16x100x32xf32, #tpu.memory_space<vmem>>, vector<1x1x16xf32>,
        %get3A_692 = vector.shape_cast %get3A_691 : vector<1x1x16xf32> to vector<16xf32>
        %add3A_693 = arith.addf %add3A_657, %get3A_692 : vector<16xf32>
        %add3A_694 = arith.constant 30 : i32
        %add3A_695 = arith.addi %mul3A_154, %add3A_694 : i32
        %get3A_696 = arith.index_cast %select_n3A_137 : i32 to index
        %get3A_697 = arith.index_cast %add3A_695 : i32 to index
        %get3A_698 = arith.constant 16 : index
        %get3A_699 = tpu.vector_load %arg6[%get3A_696, %get3A_697, %get3A_698] {strides = array<i32>} : memref<16x100x32xf32, #tpu.memory_space<vmem>>, vector<1x1x16xf32>,
        %get3A_700 = vector.shape_cast %get3A_699 : vector<1x1x16xf32> to vector<16xf32>
        %add3A_701 = arith.addf %add3A_665, %get3A_700 : vector<16xf32>
        %add3A_702 = arith.constant 30 : i32
        %add3A_703 = arith.addi %mul3A_154, %add3A_702 : i32
        %add3A_704 = arith.constant 1 : i32
        %add3A_705 = arith.addi %add3A_703, %add3A_704 : i32
        %get3A_706 = arith.index_cast %select_n3A_137 : i32 to index
        %get3A_707 = arith.index_cast %add3A_705 : i32 to index
        %get3A_708 = arith.constant 0 : index
        %get3A_709 = tpu.vector_load %arg6[%get3A_706, %get3A_707, %get3A_708] {strides = array<i32>} : memref<16x100x32xf32, #tpu.memory_space<vmem>>, vector<1x1x16xf32>,
        %get3A_710 = vector.shape_cast %get3A_709 : vector<1x1x16xf32> to vector<16xf32>
        %add3A_711 = arith.addf %add3A_675, %get3A_710 : vector<16xf32>
        %add3A_712 = arith.constant 30 : i32
        %add3A_713 = arith.addi %mul3A_154, %add3A_712 : i32
        %add3A_714 = arith.constant 1 : i32
        %add3A_715 = arith.addi %add3A_713, %add3A_714 : i32
        %get3A_716 = arith.index_cast %select_n3A_137 : i32 to index
        %get3A_717 = arith.index_cast %add3A_715 : i32 to index
        %get3A_718 = arith.constant 16 : index
        %get3A_719 = tpu.vector_load %arg6[%get3A_716, %get3A_717, %get3A_718] {strides = array<i32>} : memref<16x100x32xf32, #tpu.memory_space<vmem>>, vector<1x1x16xf32>,
        %get3A_720 = vector.shape_cast %get3A_719 : vector<1x1x16xf32> to vector<16xf32>
        %add3A_721 = arith.addf %add3A_685, %get3A_720 : vector<16xf32>
        %add3A_722 = arith.constant 32 : i32
        %add3A_723 = arith.addi %mul3A_154, %add3A_722 : i32
        %get3A_724 = arith.index_cast %select_n3A_137 : i32 to index
        %get3A_725 = arith.index_cast %add3A_723 : i32 to index
        %get3A_726 = arith.constant 0 : index
        %get3A_727 = tpu.vector_load %arg6[%get3A_724, %get3A_725, %get3A_726] {strides = array<i32>} : memref<16x100x32xf32, #tpu.memory_space<vmem>>, vector<1x1x16xf32>,
        %get3A_728 = vector.shape_cast %get3A_727 : vector<1x1x16xf32> to vector<16xf32>
        %add3A_729 = arith.addf %add3A_693, %get3A_728 : vector<16xf32>
        %add3A_730 = arith.constant 32 : i32
        %add3A_731 = arith.addi %mul3A_154, %add3A_730 : i32
        %get3A_732 = arith.index_cast %select_n3A_137 : i32 to index
        %get3A_733 = arith.index_cast %add3A_731 : i32 to index
        %get3A_734 = arith.constant 16 : index
        %get3A_735 = tpu.vector_load %arg6[%get3A_732, %get3A_733, %get3A_734] {strides = array<i32>} : memref<16x100x32xf32, #tpu.memory_space<vmem>>, vector<1x1x16xf32>,
        %get3A_736 = vector.shape_cast %get3A_735 : vector<1x1x16xf32> to vector<16xf32>
        %add3A_737 = arith.addf %add3A_701, %get3A_736 : vector<16xf32>
        %add3A_738 = arith.constant 32 : i32
        %add3A_739 = arith.addi %mul3A_154, %add3A_738 : i32
        %add3A_740 = arith.constant 1 : i32
        %add3A_741 = arith.addi %add3A_739, %add3A_740 : i32
        %get3A_742 = arith.index_cast %select_n3A_137 : i32 to index
        %get3A_743 = arith.index_cast %add3A_741 : i32 to index
        %get3A_744 = arith.constant 0 : index
        %get3A_745 = tpu.vector_load %arg6[%get3A_742, %get3A_743, %get3A_744] {strides = array<i32>} : memref<16x100x32xf32, #tpu.memory_space<vmem>>, vector<1x1x16xf32>,
        %get3A_746 = vector.shape_cast %get3A_745 : vector<1x1x16xf32> to vector<16xf32>
        %add3A_747 = arith.addf %add3A_711, %get3A_746 : vector<16xf32>
        %add3A_748 = arith.constant 32 : i32
        %add3A_749 = arith.addi %mul3A_154, %add3A_748 : i32
        %add3A_750 = arith.constant 1 : i32
        %add3A_751 = arith.addi %add3A_749, %add3A_750 : i32
        %get3A_752 = arith.index_cast %select_n3A_137 : i32 to index
        %get3A_753 = arith.index_cast %add3A_751 : i32 to index
        %get3A_754 = arith.constant 16 : index
        %get3A_755 = tpu.vector_load %arg6[%get3A_752, %get3A_753, %get3A_754] {strides = array<i32>} : memref<16x100x32xf32, #tpu.memory_space<vmem>>, vector<1x1x16xf32>,
        %get3A_756 = vector.shape_cast %get3A_755 : vector<1x1x16xf32> to vector<16xf32>
        %add3A_757 = arith.addf %add3A_721, %get3A_756 : vector<16xf32>
        %add3A_758 = arith.constant 34 : i32
        %add3A_759 = arith.addi %mul3A_154, %add3A_758 : i32
        %get3A_760 = arith.index_cast %select_n3A_137 : i32 to index
        %get3A_761 = arith.index_cast %add3A_759 : i32 to index
        %get3A_762 = arith.constant 0 : index
        %get3A_763 = tpu.vector_load %arg6[%get3A_760, %get3A_761, %get3A_762] {strides = array<i32>} : memref<16x100x32xf32, #tpu.memory_space<vmem>>, vector<1x1x16xf32>,
        %get3A_764 = vector.shape_cast %get3A_763 : vector<1x1x16xf32> to vector<16xf32>
        %add3A_765 = arith.addf %add3A_729, %get3A_764 : vector<16xf32>
        %add3A_766 = arith.constant 34 : i32
        %add3A_767 = arith.addi %mul3A_154, %add3A_766 : i32
        %get3A_768 = arith.index_cast %select_n3A_137 : i32 to index
        %get3A_769 = arith.index_cast %add3A_767 : i32 to index
        %get3A_770 = arith.constant 16 : index
        %get3A_771 = tpu.vector_load %arg6[%get3A_768, %get3A_769, %get3A_770] {strides = array<i32>} : memref<16x100x32xf32, #tpu.memory_space<vmem>>, vector<1x1x16xf32>,
        %get3A_772 = vector.shape_cast %get3A_771 : vector<1x1x16xf32> to vector<16xf32>
        %add3A_773 = arith.addf %add3A_737, %get3A_772 : vector<16xf32>
        %add3A_774 = arith.constant 34 : i32
        %add3A_775 = arith.addi %mul3A_154, %add3A_774 : i32
        %add3A_776 = arith.constant 1 : i32
        %add3A_777 = arith.addi %add3A_775, %add3A_776 : i32
        %get3A_778 = arith.index_cast %select_n3A_137 : i32 to index
        %get3A_779 = arith.index_cast %add3A_777 : i32 to index
        %get3A_780 = arith.constant 0 : index
        %get3A_781 = tpu.vector_load %arg6[%get3A_778, %get3A_779, %get3A_780] {strides = array<i32>} : memref<16x100x32xf32, #tpu.memory_space<vmem>>, vector<1x1x16xf32>,
        %get3A_782 = vector.shape_cast %get3A_781 : vector<1x1x16xf32> to vector<16xf32>
        %add3A_783 = arith.addf %add3A_747, %get3A_782 : vector<16xf32>
        %add3A_784 = arith.constant 34 : i32
        %add3A_785 = arith.addi %mul3A_154, %add3A_784 : i32
        %add3A_786 = arith.constant 1 : i32
        %add3A_787 = arith.addi %add3A_785, %add3A_786 : i32
        %get3A_788 = arith.index_cast %select_n3A_137 : i32 to index
        %get3A_789 = arith.index_cast %add3A_787 : i32 to index
        %get3A_790 = arith.constant 16 : index
        %get3A_791 = tpu.vector_load %arg6[%get3A_788, %get3A_789, %get3A_790] {strides = array<i32>} : memref<16x100x32xf32, #tpu.memory_space<vmem>>, vector<1x1x16xf32>,
        %get3A_792 = vector.shape_cast %get3A_791 : vector<1x1x16xf32> to vector<16xf32>
        %add3A_793 = arith.addf %add3A_757, %get3A_792 : vector<16xf32>
        %add3A_794 = arith.constant 36 : i32
        %add3A_795 = arith.addi %mul3A_154, %add3A_794 : i32
        %get3A_796 = arith.index_cast %select_n3A_137 : i32 to index
        %get3A_797 = arith.index_cast %add3A_795 : i32 to index
        %get3A_798 = arith.constant 0 : index
        %get3A_799 = tpu.vector_load %arg6[%get3A_796, %get3A_797, %get3A_798] {strides = array<i32>} : memref<16x100x32xf32, #tpu.memory_space<vmem>>, vector<1x1x16xf32>,
        %get3A_800 = vector.shape_cast %get3A_799 : vector<1x1x16xf32> to vector<16xf32>
        %add3A_801 = arith.addf %add3A_765, %get3A_800 : vector<16xf32>
        %add3A_802 = arith.constant 36 : i32
        %add3A_803 = arith.addi %mul3A_154, %add3A_802 : i32
        %get3A_804 = arith.index_cast %select_n3A_137 : i32 to index
        %get3A_805 = arith.index_cast %add3A_803 : i32 to index
        %get3A_806 = arith.constant 16 : index
        %get3A_807 = tpu.vector_load %arg6[%get3A_804, %get3A_805, %get3A_806] {strides = array<i32>} : memref<16x100x32xf32, #tpu.memory_space<vmem>>, vector<1x1x16xf32>,
        %get3A_808 = vector.shape_cast %get3A_807 : vector<1x1x16xf32> to vector<16xf32>
        %add3A_809 = arith.addf %add3A_773, %get3A_808 : vector<16xf32>
        %add3A_810 = arith.constant 36 : i32
        %add3A_811 = arith.addi %mul3A_154, %add3A_810 : i32
        %add3A_812 = arith.constant 1 : i32
        %add3A_813 = arith.addi %add3A_811, %add3A_812 : i32
        %get3A_814 = arith.index_cast %select_n3A_137 : i32 to index
        %get3A_815 = arith.index_cast %add3A_813 : i32 to index
        %get3A_816 = arith.constant 0 : index
        %get3A_817 = tpu.vector_load %arg6[%get3A_814, %get3A_815, %get3A_816] {strides = array<i32>} : memref<16x100x32xf32, #tpu.memory_space<vmem>>, vector<1x1x16xf32>,
        %get3A_818 = vector.shape_cast %get3A_817 : vector<1x1x16xf32> to vector<16xf32>
        %add3A_819 = arith.addf %add3A_783, %get3A_818 : vector<16xf32>
        %add3A_820 = arith.constant 36 : i32
        %add3A_821 = arith.addi %mul3A_154, %add3A_820 : i32
        %add3A_822 = arith.constant 1 : i32
        %add3A_823 = arith.addi %add3A_821, %add3A_822 : i32
        %get3A_824 = arith.index_cast %select_n3A_137 : i32 to index
        %get3A_825 = arith.index_cast %add3A_823 : i32 to index
        %get3A_826 = arith.constant 16 : index
        %get3A_827 = tpu.vector_load %arg6[%get3A_824, %get3A_825, %get3A_826] {strides = array<i32>} : memref<16x100x32xf32, #tpu.memory_space<vmem>>, vector<1x1x16xf32>,
        %get3A_828 = vector.shape_cast %get3A_827 : vector<1x1x16xf32> to vector<16xf32>
        %add3A_829 = arith.addf %add3A_793, %get3A_828 : vector<16xf32>
        %add3A_830 = arith.constant 38 : i32
        %add3A_831 = arith.addi %mul3A_154, %add3A_830 : i32
        %get3A_832 = arith.index_cast %select_n3A_137 : i32 to index
        %get3A_833 = arith.index_cast %add3A_831 : i32 to index
        %get3A_834 = arith.constant 0 : index
        %get3A_835 = tpu.vector_load %arg6[%get3A_832, %get3A_833, %get3A_834] {strides = array<i32>} : memref<16x100x32xf32, #tpu.memory_space<vmem>>, vector<1x1x16xf32>,
        %get3A_836 = vector.shape_cast %get3A_835 : vector<1x1x16xf32> to vector<16xf32>
        %add3A_837 = arith.addf %add3A_801, %get3A_836 : vector<16xf32>
        %add3A_838 = arith.constant 38 : i32
        %add3A_839 = arith.addi %mul3A_154, %add3A_838 : i32
        %get3A_840 = arith.index_cast %select_n3A_137 : i32 to index
        %get3A_841 = arith.index_cast %add3A_839 : i32 to index
        %get3A_842 = arith.constant 16 : index
        %get3A_843 = tpu.vector_load %arg6[%get3A_840, %get3A_841, %get3A_842] {strides = array<i32>} : memref<16x100x32xf32, #tpu.memory_space<vmem>>, vector<1x1x16xf32>,
        %get3A_844 = vector.shape_cast %get3A_843 : vector<1x1x16xf32> to vector<16xf32>
        %add3A_845 = arith.addf %add3A_809, %get3A_844 : vector<16xf32>
        %add3A_846 = arith.constant 38 : i32
        %add3A_847 = arith.addi %mul3A_154, %add3A_846 : i32
        %add3A_848 = arith.constant 1 : i32
        %add3A_849 = arith.addi %add3A_847, %add3A_848 : i32
        %get3A_850 = arith.index_cast %select_n3A_137 : i32 to index
        %get3A_851 = arith.index_cast %add3A_849 : i32 to index
        %get3A_852 = arith.constant 0 : index
        %get3A_853 = tpu.vector_load %arg6[%get3A_850, %get3A_851, %get3A_852] {strides = array<i32>} : memref<16x100x32xf32, #tpu.memory_space<vmem>>, vector<1x1x16xf32>,
        %get3A_854 = vector.shape_cast %get3A_853 : vector<1x1x16xf32> to vector<16xf32>
        %add3A_855 = arith.addf %add3A_819, %get3A_854 : vector<16xf32>
        %add3A_856 = arith.constant 38 : i32
        %add3A_857 = arith.addi %mul3A_154, %add3A_856 : i32
        %add3A_858 = arith.constant 1 : i32
        %add3A_859 = arith.addi %add3A_857, %add3A_858 : i32
        %get3A_860 = arith.index_cast %select_n3A_137 : i32 to index
        %get3A_861 = arith.index_cast %add3A_859 : i32 to index
        %get3A_862 = arith.constant 16 : index
        %get3A_863 = tpu.vector_load %arg6[%get3A_860, %get3A_861, %get3A_862] {strides = array<i32>} : memref<16x100x32xf32, #tpu.memory_space<vmem>>, vector<1x1x16xf32>,
        %get3A_864 = vector.shape_cast %get3A_863 : vector<1x1x16xf32> to vector<16xf32>
        %add3A_865 = arith.addf %add3A_829, %get3A_864 : vector<16xf32>
        %add3A_866 = arith.constant 40 : i32
        %add3A_867 = arith.addi %mul3A_154, %add3A_866 : i32
        %get3A_868 = arith.index_cast %select_n3A_137 : i32 to index
        %get3A_869 = arith.index_cast %add3A_867 : i32 to index
        %get3A_870 = arith.constant 0 : index
        %get3A_871 = tpu.vector_load %arg6[%get3A_868, %get3A_869, %get3A_870] {strides = array<i32>} : memref<16x100x32xf32, #tpu.memory_space<vmem>>, vector<1x1x16xf32>,
        %get3A_872 = vector.shape_cast %get3A_871 : vector<1x1x16xf32> to vector<16xf32>
        %add3A_873 = arith.addf %add3A_837, %get3A_872 : vector<16xf32>
        %add3A_874 = arith.constant 40 : i32
        %add3A_875 = arith.addi %mul3A_154, %add3A_874 : i32
        %get3A_876 = arith.index_cast %select_n3A_137 : i32 to index
        %get3A_877 = arith.index_cast %add3A_875 : i32 to index
        %get3A_878 = arith.constant 16 : index
        %get3A_879 = tpu.vector_load %arg6[%get3A_876, %get3A_877, %get3A_878] {strides = array<i32>} : memref<16x100x32xf32, #tpu.memory_space<vmem>>, vector<1x1x16xf32>,
        %get3A_880 = vector.shape_cast %get3A_879 : vector<1x1x16xf32> to vector<16xf32>
        %add3A_881 = arith.addf %add3A_845, %get3A_880 : vector<16xf32>
        %add3A_882 = arith.constant 40 : i32
        %add3A_883 = arith.addi %mul3A_154, %add3A_882 : i32
        %add3A_884 = arith.constant 1 : i32
        %add3A_885 = arith.addi %add3A_883, %add3A_884 : i32
        %get3A_886 = arith.index_cast %select_n3A_137 : i32 to index
        %get3A_887 = arith.index_cast %add3A_885 : i32 to index
        %get3A_888 = arith.constant 0 : index
        %get3A_889 = tpu.vector_load %arg6[%get3A_886, %get3A_887, %get3A_888] {strides = array<i32>} : memref<16x100x32xf32, #tpu.memory_space<vmem>>, vector<1x1x16xf32>,
        %get3A_890 = vector.shape_cast %get3A_889 : vector<1x1x16xf32> to vector<16xf32>
        %add3A_891 = arith.addf %add3A_855, %get3A_890 : vector<16xf32>
        %add3A_892 = arith.constant 40 : i32
        %add3A_893 = arith.addi %mul3A_154, %add3A_892 : i32
        %add3A_894 = arith.constant 1 : i32
        %add3A_895 = arith.addi %add3A_893, %add3A_894 : i32
        %get3A_896 = arith.index_cast %select_n3A_137 : i32 to index
        %get3A_897 = arith.index_cast %add3A_895 : i32 to index
        %get3A_898 = arith.constant 16 : index
        %get3A_899 = tpu.vector_load %arg6[%get3A_896, %get3A_897, %get3A_898] {strides = array<i32>} : memref<16x100x32xf32, #tpu.memory_space<vmem>>, vector<1x1x16xf32>,
        %get3A_900 = vector.shape_cast %get3A_899 : vector<1x1x16xf32> to vector<16xf32>
        %add3A_901 = arith.addf %add3A_865, %get3A_900 : vector<16xf32>
        %add3A_902 = arith.constant 42 : i32
        %add3A_903 = arith.addi %mul3A_154, %add3A_902 : i32
        %get3A_904 = arith.index_cast %select_n3A_137 : i32 to index
        %get3A_905 = arith.index_cast %add3A_903 : i32 to index
        %get3A_906 = arith.constant 0 : index
        %get3A_907 = tpu.vector_load %arg6[%get3A_904, %get3A_905, %get3A_906] {strides = array<i32>} : memref<16x100x32xf32, #tpu.memory_space<vmem>>, vector<1x1x16xf32>,
        %get3A_908 = vector.shape_cast %get3A_907 : vector<1x1x16xf32> to vector<16xf32>
        %add3A_909 = arith.addf %add3A_873, %get3A_908 : vector<16xf32>
        %add3A_910 = arith.constant 42 : i32
        %add3A_911 = arith.addi %mul3A_154, %add3A_910 : i32
        %get3A_912 = arith.index_cast %select_n3A_137 : i32 to index
        %get3A_913 = arith.index_cast %add3A_911 : i32 to index
        %get3A_914 = arith.constant 16 : index
        %get3A_915 = tpu.vector_load %arg6[%get3A_912, %get3A_913, %get3A_914] {strides = array<i32>} : memref<16x100x32xf32, #tpu.memory_space<vmem>>, vector<1x1x16xf32>,
        %get3A_916 = vector.shape_cast %get3A_915 : vector<1x1x16xf32> to vector<16xf32>
        %add3A_917 = arith.addf %add3A_881, %get3A_916 : vector<16xf32>
        %add3A_918 = arith.constant 42 : i32
        %add3A_919 = arith.addi %mul3A_154, %add3A_918 : i32
        %add3A_920 = arith.constant 1 : i32
        %add3A_921 = arith.addi %add3A_919, %add3A_920 : i32
        %get3A_922 = arith.index_cast %select_n3A_137 : i32 to index
        %get3A_923 = arith.index_cast %add3A_921 : i32 to index
        %get3A_924 = arith.constant 0 : index
        %get3A_925 = tpu.vector_load %arg6[%get3A_922, %get3A_923, %get3A_924] {strides = array<i32>} : memref<16x100x32xf32, #tpu.memory_space<vmem>>, vector<1x1x16xf32>,
        %get3A_926 = vector.shape_cast %get3A_925 : vector<1x1x16xf32> to vector<16xf32>
        %add3A_927 = arith.addf %add3A_891, %get3A_926 : vector<16xf32>
        %add3A_928 = arith.constant 42 : i32
        %add3A_929 = arith.addi %mul3A_154, %add3A_928 : i32
        %add3A_930 = arith.constant 1 : i32
        %add3A_931 = arith.addi %add3A_929, %add3A_930 : i32
        %get3A_932 = arith.index_cast %select_n3A_137 : i32 to index
        %get3A_933 = arith.index_cast %add3A_931 : i32 to index
        %get3A_934 = arith.constant 16 : index
        %get3A_935 = tpu.vector_load %arg6[%get3A_932, %get3A_933, %get3A_934] {strides = array<i32>} : memref<16x100x32xf32, #tpu.memory_space<vmem>>, vector<1x1x16xf32>,
        %get3A_936 = vector.shape_cast %get3A_935 : vector<1x1x16xf32> to vector<16xf32>
        %add3A_937 = arith.addf %add3A_901, %get3A_936 : vector<16xf32>
        %add3A_938 = arith.constant 44 : i32
        %add3A_939 = arith.addi %mul3A_154, %add3A_938 : i32
        %get3A_940 = arith.index_cast %select_n3A_137 : i32 to index
        %get3A_941 = arith.index_cast %add3A_939 : i32 to index
        %get3A_942 = arith.constant 0 : index
        %get3A_943 = tpu.vector_load %arg6[%get3A_940, %get3A_941, %get3A_942] {strides = array<i32>} : memref<16x100x32xf32, #tpu.memory_space<vmem>>, vector<1x1x16xf32>,
        %get3A_944 = vector.shape_cast %get3A_943 : vector<1x1x16xf32> to vector<16xf32>
        %add3A_945 = arith.addf %add3A_909, %get3A_944 : vector<16xf32>
        %add3A_946 = arith.constant 44 : i32
        %add3A_947 = arith.addi %mul3A_154, %add3A_946 : i32
        %get3A_948 = arith.index_cast %select_n3A_137 : i32 to index
        %get3A_949 = arith.index_cast %add3A_947 : i32 to index
        %get3A_950 = arith.constant 16 : index
        %get3A_951 = tpu.vector_load %arg6[%get3A_948, %get3A_949, %get3A_950] {strides = array<i32>} : memref<16x100x32xf32, #tpu.memory_space<vmem>>, vector<1x1x16xf32>,
        %get3A_952 = vector.shape_cast %get3A_951 : vector<1x1x16xf32> to vector<16xf32>
        %add3A_953 = arith.addf %add3A_917, %get3A_952 : vector<16xf32>
        %add3A_954 = arith.constant 44 : i32
        %add3A_955 = arith.addi %mul3A_154, %add3A_954 : i32
        %add3A_956 = arith.constant 1 : i32
        %add3A_957 = arith.addi %add3A_955, %add3A_956 : i32
        %get3A_958 = arith.index_cast %select_n3A_137 : i32 to index
        %get3A_959 = arith.index_cast %add3A_957 : i32 to index
        %get3A_960 = arith.constant 0 : index
        %get3A_961 = tpu.vector_load %arg6[%get3A_958, %get3A_959, %get3A_960] {strides = array<i32>} : memref<16x100x32xf32, #tpu.memory_space<vmem>>, vector<1x1x16xf32>,
        %get3A_962 = vector.shape_cast %get3A_961 : vector<1x1x16xf32> to vector<16xf32>
        %add3A_963 = arith.addf %add3A_927, %get3A_962 : vector<16xf32>
        %add3A_964 = arith.constant 44 : i32
        %add3A_965 = arith.addi %mul3A_154, %add3A_964 : i32
        %add3A_966 = arith.constant 1 : i32
        %add3A_967 = arith.addi %add3A_965, %add3A_966 : i32
        %get3A_968 = arith.index_cast %select_n3A_137 : i32 to index
        %get3A_969 = arith.index_cast %add3A_967 : i32 to index
        %get3A_970 = arith.constant 16 : index
        %get3A_971 = tpu.vector_load %arg6[%get3A_968, %get3A_969, %get3A_970] {strides = array<i32>} : memref<16x100x32xf32, #tpu.memory_space<vmem>>, vector<1x1x16xf32>,
        %get3A_972 = vector.shape_cast %get3A_971 : vector<1x1x16xf32> to vector<16xf32>
        %add3A_973 = arith.addf %add3A_937, %get3A_972 : vector<16xf32>
        %add3A_974 = arith.constant 46 : i32
        %add3A_975 = arith.addi %mul3A_154, %add3A_974 : i32
        %get3A_976 = arith.index_cast %select_n3A_137 : i32 to index
        %get3A_977 = arith.index_cast %add3A_975 : i32 to index
        %get3A_978 = arith.constant 0 : index
        %get3A_979 = tpu.vector_load %arg6[%get3A_976, %get3A_977, %get3A_978] {strides = array<i32>} : memref<16x100x32xf32, #tpu.memory_space<vmem>>, vector<1x1x16xf32>,
        %get3A_980 = vector.shape_cast %get3A_979 : vector<1x1x16xf32> to vector<16xf32>
        %add3A_981 = arith.addf %add3A_945, %get3A_980 : vector<16xf32>
        %add3A_982 = arith.constant 46 : i32
        %add3A_983 = arith.addi %mul3A_154, %add3A_982 : i32
        %get3A_984 = arith.index_cast %select_n3A_137 : i32 to index
        %get3A_985 = arith.index_cast %add3A_983 : i32 to index
        %get3A_986 = arith.constant 16 : index
        %get3A_987 = tpu.vector_load %arg6[%get3A_984, %get3A_985, %get3A_986] {strides = array<i32>} : memref<16x100x32xf32, #tpu.memory_space<vmem>>, vector<1x1x16xf32>,
        %get3A_988 = vector.shape_cast %get3A_987 : vector<1x1x16xf32> to vector<16xf32>
        %add3A_989 = arith.addf %add3A_953, %get3A_988 : vector<16xf32>
        %add3A_990 = arith.constant 46 : i32
        %add3A_991 = arith.addi %mul3A_154, %add3A_990 : i32
        %add3A_992 = arith.constant 1 : i32
        %add3A_993 = arith.addi %add3A_991, %add3A_992 : i32
        %get3A_994 = arith.index_cast %select_n3A_137 : i32 to index
        %get3A_995 = arith.index_cast %add3A_993 : i32 to index
        %get3A_996 = arith.constant 0 : index
        %get3A_997 = tpu.vector_load %arg6[%get3A_994, %get3A_995, %get3A_996] {strides = array<i32>} : memref<16x100x32xf32, #tpu.memory_space<vmem>>, vector<1x1x16xf32>,
        %get3A_998 = vector.shape_cast %get3A_997 : vector<1x1x16xf32> to vector<16xf32>
        %add3A_999 = arith.addf %add3A_963, %get3A_998 : vector<16xf32>
        %add3A_1000 = arith.constant 46 : i32
        %add3A_1001 = arith.addi %mul3A_154, %add3A_1000 : i32
        %add3A_1002 = arith.constant 1 : i32
        %add3A_1003 = arith.addi %add3A_1001, %add3A_1002 : i32
        %get3A_1004 = arith.index_cast %select_n3A_137 : i32 to index
        %get3A_1005 = arith.index_cast %add3A_1003 : i32 to index
        %get3A_1006 = arith.constant 16 : index
        %get3A_1007 = tpu.vector_load %arg6[%get3A_1004, %get3A_1005, %get3A_1006] {strides = array<i32>} : memref<16x100x32xf32, #tpu.memory_space<vmem>>, vector<1x1x16xf32>,
        %get3A_1008 = vector.shape_cast %get3A_1007 : vector<1x1x16xf32> to vector<16xf32>
        %add3A_1009 = arith.addf %add3A_973, %get3A_1008 : vector<16xf32>
        %add3A_1010 = arith.constant 48 : i32
        %add3A_1011 = arith.addi %mul3A_154, %add3A_1010 : i32
        %get3A_1012 = arith.index_cast %select_n3A_137 : i32 to index
        %get3A_1013 = arith.index_cast %add3A_1011 : i32 to index
        %get3A_1014 = arith.constant 0 : index
        %get3A_1015 = tpu.vector_load %arg6[%get3A_1012, %get3A_1013, %get3A_1014] {strides = array<i32>} : memref<16x100x32xf32, #tpu.memory_space<vmem>>, vector<1x1x16xf32>,
        %get3A_1016 = vector.shape_cast %get3A_1015 : vector<1x1x16xf32> to vector<16xf32>
        %add3A_1017 = arith.addf %add3A_981, %get3A_1016 : vector<16xf32>
        %add3A_1018 = arith.constant 48 : i32
        %add3A_1019 = arith.addi %mul3A_154, %add3A_1018 : i32
        %get3A_1020 = arith.index_cast %select_n3A_137 : i32 to index
        %get3A_1021 = arith.index_cast %add3A_1019 : i32 to index
        %get3A_1022 = arith.constant 16 : index
        %get3A_1023 = tpu.vector_load %arg6[%get3A_1020, %get3A_1021, %get3A_1022] {strides = array<i32>} : memref<16x100x32xf32, #tpu.memory_space<vmem>>, vector<1x1x16xf32>,
        %get3A_1024 = vector.shape_cast %get3A_1023 : vector<1x1x16xf32> to vector<16xf32>
        %add3A_1025 = arith.addf %add3A_989, %get3A_1024 : vector<16xf32>
        %add3A_1026 = arith.constant 48 : i32
        %add3A_1027 = arith.addi %mul3A_154, %add3A_1026 : i32
        %add3A_1028 = arith.constant 1 : i32
        %add3A_1029 = arith.addi %add3A_1027, %add3A_1028 : i32
        %get3A_1030 = arith.index_cast %select_n3A_137 : i32 to index
        %get3A_1031 = arith.index_cast %add3A_1029 : i32 to index
        %get3A_1032 = arith.constant 0 : index
        %get3A_1033 = tpu.vector_load %arg6[%get3A_1030, %get3A_1031, %get3A_1032] {strides = array<i32>} : memref<16x100x32xf32, #tpu.memory_space<vmem>>, vector<1x1x16xf32>,
        %get3A_1034 = vector.shape_cast %get3A_1033 : vector<1x1x16xf32> to vector<16xf32>
        %add3A_1035 = arith.addf %add3A_999, %get3A_1034 : vector<16xf32>
        %add3A_1036 = arith.constant 48 : i32
        %add3A_1037 = arith.addi %mul3A_154, %add3A_1036 : i32
        %add3A_1038 = arith.constant 1 : i32
        %add3A_1039 = arith.addi %add3A_1037, %add3A_1038 : i32
        %get3A_1040 = arith.index_cast %select_n3A_137 : i32 to index
        %get3A_1041 = arith.index_cast %add3A_1039 : i32 to index
        %get3A_1042 = arith.constant 16 : index
        %get3A_1043 = tpu.vector_load %arg6[%get3A_1040, %get3A_1041, %get3A_1042] {strides = array<i32>} : memref<16x100x32xf32, #tpu.memory_space<vmem>>, vector<1x1x16xf32>,
        %get3A_1044 = vector.shape_cast %get3A_1043 : vector<1x1x16xf32> to vector<16xf32>
        %add3A_1045 = arith.addf %add3A_1009, %get3A_1044 : vector<16xf32>
        %add3A_1046 = arith.addf %add3A_1017, %add3A_1035 : vector<16xf32>
        %mul3A_1047 = arith.constant 32 : i32
        %mul3A_1048 = arith.muli %scan3A_113, %mul3A_1047 : i32
        %swap3A = arith.index_cast %mul3A_1048 : i32 to index
        %swap3A_1049 = tpu.vector_load %arg8[%swap3A] {strides = array<i32>} : memref<1024xf32, #tpu.memory_space<vmem>>, vector<16xf32>,
        %swap3A_1050 = vector.shape_cast %swap3A_1049 : vector<16xf32> to vector<16xf32>
        %swap3A_1051 = vector.shape_cast %add3A_1046 : vector<16xf32> to vector<16xf32>
        tpu.vector_store %arg8[%swap3A], %swap3A_1051 {strides = array<i32>} : memref<1024xf32, #tpu.memory_space<vmem>>, vector<16xf32>,
        %add3A_1052 = arith.addf %add3A_1025, %add3A_1045 : vector<16xf32>
        %mul3A_1053 = arith.constant 32 : i32
        %mul3A_1054 = arith.muli %scan3A_113, %mul3A_1053 : i32
        %add3A_1055 = arith.constant 16 : i32
        %add3A_1056 = arith.addi %mul3A_1054, %add3A_1055 : i32
        %swap3A_1057 = arith.index_cast %add3A_1056 : i32 to index
        %swap3A_1058 = tpu.vector_load %arg8[%swap3A_1057] {strides = array<i32>} : memref<1024xf32, #tpu.memory_space<vmem>>, vector<16xf32>,
        %swap3A_1059 = vector.shape_cast %swap3A_1058 : vector<16xf32> to vector<16xf32>
        %swap3A_1060 = vector.shape_cast %add3A_1052 : vector<16xf32> to vector<16xf32>
        tpu.vector_store %arg8[%swap3A_1057], %swap3A_1060 {strides = array<i32>} : memref<1024xf32, #tpu.memory_space<vmem>>, vector<16xf32>,
      }
      %scan3A_86 = arith.constant 32 : i32
      %mul3A_87 = arith.constant 32 : i32
      %mul3A_88 = arith.muli %mul3A_36, %mul3A_87 : i32
      %add3A_89 = arith.addi %mul3A_2, %mul3A_88 : i32
      %mul3A_90 = arith.constant 32 : i32
      %mul3A_91 = arith.muli %add3A_89, %mul3A_90 : i32
      "tpu.region"() ({
        %run_scoped3A_113 = tpu.sem_alloc : memref<!tpu.dma_semaphore, #tpu.memory_space<semaphore_mem>>
        %dma_start3A = tpu.memref_slice %arg4[%mul3A_91] : memref<524288xf32, #tpu.memory_space<hbm>> -> memref<1024xf32, #tpu.memory_space<hbm>>
        %dma_start3A_114 = tpu.memref_slice %arg4[%mul3A_91] : memref<524288xf32, #tpu.memory_space<hbm>> -> memref<1024xf32, #tpu.memory_space<hbm>>
        tpu.enqueue_dma source(%arg8 : memref<1024xf32, #tpu.memory_space<vmem>>) target(%dma_start3A_114 : memref<1024xf32, #tpu.memory_space<hbm>>) target_semaphore(%run_scoped3A_113 : memref<!tpu.dma_semaphore, #tpu.memory_space<semaphore_mem>>)
        %dma_wait3A = tpu.memref_slice %arg4[%mul3A_91] : memref<524288xf32, #tpu.memory_space<hbm>> -> memref<1024xf32, #tpu.memory_space<hbm>>
        %dma_wait3A_115 = tpu.memref_slice %arg4[%mul3A_91] : memref<524288xf32, #tpu.memory_space<hbm>> -> memref<1024xf32, #tpu.memory_space<hbm>>
        tpu.wait_dma2 semaphore(%run_scoped3A_113 : memref<!tpu.dma_semaphore, #tpu.memory_space<semaphore_mem>>) src(%arg8 : memref<1024xf32, #tpu.memory_space<vmem>>) dst(%dma_wait3A_115 : memref<1024xf32, #tpu.memory_space<hbm>>)
        tpu.yield
      }) : () -> ()
      %lt3A = arith.constant 7 : i32
      %lt3A_92 = arith.cmpi slt, %scan3A_34, %lt3A : i32
      %convert_element_type3A = arith.extui %lt3A_92 : i1 to i32
      %cond3A = arith.constant 0 : i32
      %cond3A_93 = arith.cmpi ne, %convert_element_type3A, %cond3A : i32
      scf.if %cond3A_93 {
        %add3A_113 = arith.constant 2 : i32
        %add3A_114 = arith.addi %mul3A_36, %add3A_113 : i32
        %mul3A_115 = arith.constant 32 : i32
        %mul3A_116 = arith.muli %add3A_114, %mul3A_115 : i32
        %add3A_117 = arith.addi %mul3A_2, %mul3A_116 : i32
        %mul3A_118 = arith.constant 50 : i32
        %mul3A_119 = arith.muli %add3A_117, %mul3A_118 : i32
        %jit3A_120 = arith.constant 100 : i32
        %div3A_121 = arith.divsi %mul3A_119, %jit3A_120 : i32
        %sign3A_122 = arith.constant 0 : i32
        %sign3A_123 = arith.cmpi sgt, %mul3A_119, %sign3A_122 : i32
        %sign3A_124 = arith.extui %sign3A_123 : i1 to i32
        %sign3A_125 = arith.constant 0 : i32
        %sign3A_126 = arith.cmpi slt, %mul3A_119, %sign3A_125 : i32
        %sign3A_127 = arith.extui %sign3A_126 : i1 to i32
        %sign3A_128 = arith.subi %sign3A_124, %sign3A_127 : i32
        %sign3A_129 = arith.constant 0 : i32
        %sign3A_130 = arith.cmpi sgt, %jit3A_120, %sign3A_129 : i32
        %sign3A_131 = arith.extui %sign3A_130 : i1 to i32
        %sign3A_132 = arith.constant 0 : i32
        %sign3A_133 = arith.cmpi slt, %jit3A_120, %sign3A_132 : i32
        %sign3A_134 = arith.extui %sign3A_133 : i1 to i32
        %sign3A_135 = arith.subi %sign3A_131, %sign3A_134 : i32
        %ne3A_136 = arith.cmpi ne, %sign3A_128, %sign3A_135 : i32
        %rem3A_137 = arith.remsi %mul3A_119, %jit3A_120 : i32
        %ne3A_138 = arith.constant 0 : i32
        %ne3A_139 = arith.cmpi ne, %rem3A_137, %ne3A_138 : i32
        %and3A_140 = arith.andi %ne3A_136, %ne3A_139 : i1
        %sub3A_141 = arith.constant 1 : i32
        %sub3A_142 = arith.subi %div3A_121, %sub3A_141 : i32
        %select_n3A_143 = arith.select %and3A_140, %sub3A_142, %div3A_121 : i32
        %run_scoped3A_144 = arith.constant 0 : i32
        "tpu.region"() ({
          %run_scoped3A_151 = tpu.sem_alloc : memref<!tpu.dma_semaphore, #tpu.memory_space<semaphore_mem>>
          %dma_start3A = arith.constant 0 : i32
          %dma_start3A_152 = arith.constant 0 : i32
          %dma_start3A_153 = tpu.memref_slice %arg5[%run_scoped3A_144, %dma_start3A, %dma_start3A_152] : memref<2x16x100xi32, #tpu.memory_space<vmem>> -> memref<1x16x100xi32, #tpu.memory_space<vmem>>
          %dma_start3A_154 = tpu.memref_squeeze %dma_start3A_153 : memref<1x16x100xi32, #tpu.memory_space<vmem>> -> memref<16x100xi32, #tpu.memory_space<vmem>>
          %dma_start3A_155 = arith.constant 0 : i32
          %dma_start3A_156 = tpu.memref_slice %arg2[%select_n3A_143, %dma_start3A_155] : memref<8192x100xi32, #tpu.memory_space<hbm>> -> memref<16x100xi32, #tpu.memory_space<hbm>>
          %dma_start3A_157 = arith.constant 0 : i32
          %dma_start3A_158 = arith.constant 0 : i32
          %dma_start3A_159 = tpu.memref_slice %arg5[%run_scoped3A_144, %dma_start3A_157, %dma_start3A_158] : memref<2x16x100xi32, #tpu.memory_space<vmem>> -> memref<1x16x100xi32, #tpu.memory_space<vmem>>
          %dma_start3A_160 = tpu.memref_squeeze %dma_start3A_159 : memref<1x16x100xi32, #tpu.memory_space<vmem>> -> memref<16x100xi32, #tpu.memory_space<vmem>>
          %dma_start3A_161 = arith.constant 0 : i32
          %dma_start3A_162 = tpu.memref_slice %arg2[%select_n3A_143, %dma_start3A_161] : memref<8192x100xi32, #tpu.memory_space<hbm>> -> memref<16x100xi32, #tpu.memory_space<hbm>>
          tpu.enqueue_dma source(%dma_start3A_162 : memref<16x100xi32, #tpu.memory_space<hbm>>) target(%dma_start3A_160 : memref<16x100xi32, #tpu.memory_space<vmem>>) target_semaphore(%run_scoped3A_151 : memref<!tpu.dma_semaphore, #tpu.memory_space<semaphore_mem>>)
          %dma_wait3A = arith.constant 0 : i32
          %dma_wait3A_163 = arith.constant 0 : i32
          %dma_wait3A_164 = tpu.memref_slice %arg5[%run_scoped3A_144, %dma_wait3A, %dma_wait3A_163] : memref<2x16x100xi32, #tpu.memory_space<vmem>> -> memref<1x16x100xi32, #tpu.memory_space<vmem>>
          %dma_wait3A_165 = tpu.memref_squeeze %dma_wait3A_164 : memref<1x16x100xi32, #tpu.memory_space<vmem>> -> memref<16x100xi32, #tpu.memory_space<vmem>>
          %dma_wait3A_166 = arith.constant 0 : i32
          %dma_wait3A_167 = tpu.memref_slice %arg2[%select_n3A_143, %dma_wait3A_166] : memref<8192x100xi32, #tpu.memory_space<hbm>> -> memref<16x100xi32, #tpu.memory_space<hbm>>
          %dma_wait3A_168 = arith.constant 0 : i32
          %dma_wait3A_169 = arith.constant 0 : i32
          %dma_wait3A_170 = tpu.memref_slice %arg5[%run_scoped3A_144, %dma_wait3A_168, %dma_wait3A_169] : memref<2x16x100xi32, #tpu.memory_space<vmem>> -> memref<1x16x100xi32, #tpu.memory_space<vmem>>
          %dma_wait3A_171 = tpu.memref_squeeze %dma_wait3A_170 : memref<1x16x100xi32, #tpu.memory_space<vmem>> -> memref<16x100xi32, #tpu.memory_space<vmem>>
          %dma_wait3A_172 = arith.constant 0 : i32
          %dma_wait3A_173 = tpu.memref_slice %arg2[%select_n3A_143, %dma_wait3A_172] : memref<8192x100xi32, #tpu.memory_space<hbm>> -> memref<16x100xi32, #tpu.memory_space<hbm>>
          tpu.wait_dma2 semaphore(%run_scoped3A_151 : memref<!tpu.dma_semaphore, #tpu.memory_space<semaphore_mem>>) src(%dma_wait3A_173 : memref<16x100xi32, #tpu.memory_space<hbm>>) dst(%dma_wait3A_171 : memref<16x100xi32, #tpu.memory_space<vmem>>)
          tpu.yield
        }) : () -> ()
        %scan3A_145 = arith.constant 0 : i32
        %scan3A_146 = arith.constant 0 : i32
        %scan3A_147 = arith.constant 16 : i32
        %scan3A_148 = arith.addi %scan3A_146, %scan3A_147 : i32
        %scan3A_149 = arith.constant 1 : i32
        scf.for %scan3A_151 = %scan3A_146 to %scan3A_148 step %scan3A_149  : i32 {
          %dma_start3A = arith.constant 0 : i32
          %dma_start3A_152 = arith.constant 0 : i32
          %dma_start3A_153 = arith.constant 0 : i32
          %dma_start3A_154 = tpu.memref_slice %arg6[%scan3A_151, %dma_start3A_152, %dma_start3A_153] : memref<16x100x32xf32, #tpu.memory_space<vmem>> -> memref<1x100x32xf32, #tpu.memory_space<vmem>>
          %dma_start3A_155 = tpu.memref_squeeze %dma_start3A_154 : memref<1x100x32xf32, #tpu.memory_space<vmem>> -> memref<100x32xf32, #tpu.memory_space<vmem>>
          %dma_start3A_156 = arith.constant 0 : i32
          %dma_start3A_157 = tpu.memref_slice %arg5[%dma_start3A, %scan3A_151, %dma_start3A_156] : memref<2x16x100xi32, #tpu.memory_space<vmem>> -> memref<1x1x100xi32, #tpu.memory_space<vmem>>
          %dma_start3A_158 = tpu.memref_squeeze %dma_start3A_157 : memref<1x1x100xi32, #tpu.memory_space<vmem>> -> memref<100xi32, #tpu.memory_space<vmem>>
          %dma_start3A_159 = arith.constant 0 : i32
          %dma_start3A_160 = arith.constant 0 : i32
          %dma_start3A_161 = tpu.memref_slice %arg3[%dma_start3A_159, %dma_start3A_160] : memref<1000000x32xf32, #tpu.memory_space<hbm>> -> memref<1000000x32xf32, #tpu.memory_space<hbm>>
          tpu.enqueue_indirect_dma source(%dma_start3A_161 : memref<1000000x32xf32, #tpu.memory_space<hbm>>) target(%dma_start3A_155 : memref<100x32xf32, #tpu.memory_space<vmem>>) offsets(%dma_start3A_158 : memref<100xi32, #tpu.memory_space<vmem>>) semaphore(%arg9 : memref<!tpu.dma_semaphore, #tpu.memory_space<semaphore_mem>>)
        }
        %scan3A_150 = arith.constant 16 : i32
      } else {
      }
      %scan3A_94 = arith.constant 0 : i32
      %scan3A_95 = arith.constant 0 : i32
      %scan3A_96 = arith.constant 16 : i32
      %scan3A_97 = arith.addi %scan3A_95, %scan3A_96 : i32
      %scan3A_98 = arith.constant 1 : i32
      scf.for %scan3A_113 = %scan3A_95 to %scan3A_97 step %scan3A_98  : i32 {
        %dma_wait3A = arith.constant 0 : i32
        %dma_wait3A_114 = arith.constant 0 : i32
        %dma_wait3A_115 = tpu.memref_slice %arg7[%scan3A_113, %dma_wait3A, %dma_wait3A_114] : memref<16x100x32xf32, #tpu.memory_space<vmem>> -> memref<1x100x32xf32, #tpu.memory_space<vmem>>
        %dma_wait3A_116 = tpu.memref_squeeze %dma_wait3A_115 : memref<1x100x32xf32, #tpu.memory_space<vmem>> -> memref<100x32xf32, #tpu.memory_space<vmem>>
        %dma_wait3A_117 = arith.constant 0 : i32
        %dma_wait3A_118 = arith.constant 0 : i32
        %dma_wait3A_119 = tpu.memref_slice %arg3[%dma_wait3A_117, %dma_wait3A_118] : memref<1000000x32xf32, #tpu.memory_space<hbm>> -> memref<100x32xf32, #tpu.memory_space<hbm>>
        %dma_wait3A_120 = arith.constant 0 : i32
        %dma_wait3A_121 = arith.constant 0 : i32
        %dma_wait3A_122 = tpu.memref_slice %arg7[%scan3A_113, %dma_wait3A_120, %dma_wait3A_121] : memref<16x100x32xf32, #tpu.memory_space<vmem>> -> memref<1x100x32xf32, #tpu.memory_space<vmem>>
        %dma_wait3A_123 = tpu.memref_squeeze %dma_wait3A_122 : memref<1x100x32xf32, #tpu.memory_space<vmem>> -> memref<100x32xf32, #tpu.memory_space<vmem>>
        %dma_wait3A_124 = arith.constant 0 : i32
        %dma_wait3A_125 = arith.constant 0 : i32
        %dma_wait3A_126 = tpu.memref_slice %arg3[%dma_wait3A_124, %dma_wait3A_125] : memref<1000000x32xf32, #tpu.memory_space<hbm>> -> memref<100x32xf32, #tpu.memory_space<hbm>>
        tpu.wait_dma2 semaphore(%arg10 : memref<!tpu.dma_semaphore, #tpu.memory_space<semaphore_mem>>) src(%dma_wait3A_126 : memref<100x32xf32, #tpu.memory_space<hbm>>) dst(%dma_wait3A_123 : memref<100x32xf32, #tpu.memory_space<vmem>>)
      }
      %scan3A_99 = arith.constant 16 : i32
      %add3A_100 = arith.constant 1 : i32
      %add3A_101 = arith.addi %mul3A_36, %add3A_100 : i32
      %scan3A_102 = arith.constant 0 : i32
      %scan3A_103 = arith.constant 0 : i32
      %scan3A_104 = arith.constant 32 : i32
      %scan3A_105 = arith.addi %scan3A_103, %scan3A_104 : i32
      %scan3A_106 = arith.constant 1 : i32
      scf.for %scan3A_113 = %scan3A_103 to %scan3A_105 step %scan3A_106  : i32 {
        %jit3A_114 = arith.constant 2 : i32
        %div3A_115 = arith.divsi %scan3A_113, %jit3A_114 : i32
        %sign3A_116 = arith.constant 0 : i32
        %sign3A_117 = arith.cmpi sgt, %scan3A_113, %sign3A_116 : i32
        %sign3A_118 = arith.extui %sign3A_117 : i1 to i32
        %sign3A_119 = arith.constant 0 : i32
        %sign3A_120 = arith.cmpi slt, %scan3A_113, %sign3A_119 : i32
        %sign3A_121 = arith.extui %sign3A_120 : i1 to i32
        %sign3A_122 = arith.subi %sign3A_118, %sign3A_121 : i32
        %sign3A_123 = arith.constant 0 : i32
        %sign3A_124 = arith.cmpi sgt, %jit3A_114, %sign3A_123 : i32
        %sign3A_125 = arith.extui %sign3A_124 : i1 to i32
        %sign3A_126 = arith.constant 0 : i32
        %sign3A_127 = arith.cmpi slt, %jit3A_114, %sign3A_126 : i32
        %sign3A_128 = arith.extui %sign3A_127 : i1 to i32
        %sign3A_129 = arith.subi %sign3A_125, %sign3A_128 : i32
        %ne3A_130 = arith.cmpi ne, %sign3A_122, %sign3A_129 : i32
        %rem3A_131 = arith.remsi %scan3A_113, %jit3A_114 : i32
        %ne3A_132 = arith.constant 0 : i32
        %ne3A_133 = arith.cmpi ne, %rem3A_131, %ne3A_132 : i32
        %and3A_134 = arith.andi %ne3A_130, %ne3A_133 : i1
        %sub3A_135 = arith.constant 1 : i32
        %sub3A_136 = arith.subi %div3A_115, %sub3A_135 : i32
        %select_n3A_137 = arith.select %and3A_134, %sub3A_136, %div3A_115 : i32
        %jit3A_138 = arith.constant 2 : i32
        %eq3A = arith.constant 0 : i32
        %eq3A_139 = arith.cmpi eq, %jit3A_138, %eq3A : i32
        %jit3A_140 = arith.constant 1 : i32
        %select_n3A_141 = arith.select %eq3A_139, %jit3A_140, %jit3A_138 : i32
        %rem3A_142 = arith.remsi %scan3A_113, %select_n3A_141 : i32
        %ne3A_143 = arith.constant 0 : i32
        %ne3A_144 = arith.cmpi ne, %rem3A_142, %ne3A_143 : i32
        %lt3A_145 = arith.constant 0 : i32
        %lt3A_146 = arith.cmpi slt, %rem3A_142, %lt3A_145 : i32
        %lt3A_147 = arith.constant 0 : i32
        %lt3A_148 = arith.cmpi slt, %select_n3A_141, %lt3A_147 : i32
        %ne3A_149 = arith.xori %lt3A_146, %lt3A_148 : i1
        %and3A_150 = arith.andi %ne3A_149, %ne3A_144 : i1
        %add3A_151 = arith.addi %rem3A_142, %select_n3A_141 : i32
        %select_n3A_152 = arith.select %and3A_150, %add3A_151, %rem3A_142 : i32
        %mul3A_153 = arith.constant 50 : i32
        %mul3A_154 = arith.muli %select_n3A_152, %mul3A_153 : i32
        %add3A_155 = arith.constant 0 : i32
        %add3A_156 = arith.addi %mul3A_154, %add3A_155 : i32
        %get3A = arith.index_cast %select_n3A_137 : i32 to index
        %get3A_157 = arith.index_cast %add3A_156 : i32 to index
        %get3A_158 = arith.constant 0 : index
        %get3A_159 = tpu.vector_load %arg7[%get3A, %get3A_157, %get3A_158] {strides = array<i32>} : memref<16x100x32xf32, #tpu.memory_space<vmem>>, vector<1x1x16xf32>,
        %get3A_160 = vector.shape_cast %get3A_159 : vector<1x1x16xf32> to vector<16xf32>
        %add3A_161 = arith.constant 0 : i32
        %add3A_162 = arith.addi %mul3A_154, %add3A_161 : i32
        %get3A_163 = arith.index_cast %select_n3A_137 : i32 to index
        %get3A_164 = arith.index_cast %add3A_162 : i32 to index
        %get3A_165 = arith.constant 16 : index
        %get3A_166 = tpu.vector_load %arg7[%get3A_163, %get3A_164, %get3A_165] {strides = array<i32>} : memref<16x100x32xf32, #tpu.memory_space<vmem>>, vector<1x1x16xf32>,
        %get3A_167 = vector.shape_cast %get3A_166 : vector<1x1x16xf32> to vector<16xf32>
        %add3A_168 = arith.constant 1 : i32
        %add3A_169 = arith.addi %mul3A_154, %add3A_168 : i32
        %get3A_170 = arith.index_cast %select_n3A_137 : i32 to index
        %get3A_171 = arith.index_cast %add3A_169 : i32 to index
        %get3A_172 = arith.constant 0 : index
        %get3A_173 = tpu.vector_load %arg7[%get3A_170, %get3A_171, %get3A_172] {strides = array<i32>} : memref<16x100x32xf32, #tpu.memory_space<vmem>>, vector<1x1x16xf32>,
        %get3A_174 = vector.shape_cast %get3A_173 : vector<1x1x16xf32> to vector<16xf32>
        %add3A_175 = arith.constant 1 : i32
        %add3A_176 = arith.addi %mul3A_154, %add3A_175 : i32
        %get3A_177 = arith.index_cast %select_n3A_137 : i32 to index
        %get3A_178 = arith.index_cast %add3A_176 : i32 to index
        %get3A_179 = arith.constant 16 : index
        %get3A_180 = tpu.vector_load %arg7[%get3A_177, %get3A_178, %get3A_179] {strides = array<i32>} : memref<16x100x32xf32, #tpu.memory_space<vmem>>, vector<1x1x16xf32>,
        %get3A_181 = vector.shape_cast %get3A_180 : vector<1x1x16xf32> to vector<16xf32>
        %add3A_182 = arith.constant 2 : i32
        %add3A_183 = arith.addi %mul3A_154, %add3A_182 : i32
        %get3A_184 = arith.index_cast %select_n3A_137 : i32 to index
        %get3A_185 = arith.index_cast %add3A_183 : i32 to index
        %get3A_186 = arith.constant 0 : index
        %get3A_187 = tpu.vector_load %arg7[%get3A_184, %get3A_185, %get3A_186] {strides = array<i32>} : memref<16x100x32xf32, #tpu.memory_space<vmem>>, vector<1x1x16xf32>,
        %get3A_188 = vector.shape_cast %get3A_187 : vector<1x1x16xf32> to vector<16xf32>
        %add3A_189 = arith.addf %get3A_160, %get3A_188 : vector<16xf32>
        %add3A_190 = arith.constant 2 : i32
        %add3A_191 = arith.addi %mul3A_154, %add3A_190 : i32
        %get3A_192 = arith.index_cast %select_n3A_137 : i32 to index
        %get3A_193 = arith.index_cast %add3A_191 : i32 to index
        %get3A_194 = arith.constant 16 : index
        %get3A_195 = tpu.vector_load %arg7[%get3A_192, %get3A_193, %get3A_194] {strides = array<i32>} : memref<16x100x32xf32, #tpu.memory_space<vmem>>, vector<1x1x16xf32>,
        %get3A_196 = vector.shape_cast %get3A_195 : vector<1x1x16xf32> to vector<16xf32>
        %add3A_197 = arith.addf %get3A_167, %get3A_196 : vector<16xf32>
        %add3A_198 = arith.constant 2 : i32
        %add3A_199 = arith.addi %mul3A_154, %add3A_198 : i32
        %add3A_200 = arith.constant 1 : i32
        %add3A_201 = arith.addi %add3A_199, %add3A_200 : i32
        %get3A_202 = arith.index_cast %select_n3A_137 : i32 to index
        %get3A_203 = arith.index_cast %add3A_201 : i32 to index
        %get3A_204 = arith.constant 0 : index
        %get3A_205 = tpu.vector_load %arg7[%get3A_202, %get3A_203, %get3A_204] {strides = array<i32>} : memref<16x100x32xf32, #tpu.memory_space<vmem>>, vector<1x1x16xf32>,
        %get3A_206 = vector.shape_cast %get3A_205 : vector<1x1x16xf32> to vector<16xf32>
        %add3A_207 = arith.addf %get3A_174, %get3A_206 : vector<16xf32>
        %add3A_208 = arith.constant 2 : i32
        %add3A_209 = arith.addi %mul3A_154, %add3A_208 : i32
        %add3A_210 = arith.constant 1 : i32
        %add3A_211 = arith.addi %add3A_209, %add3A_210 : i32
        %get3A_212 = arith.index_cast %select_n3A_137 : i32 to index
        %get3A_213 = arith.index_cast %add3A_211 : i32 to index
        %get3A_214 = arith.constant 16 : index
        %get3A_215 = tpu.vector_load %arg7[%get3A_212, %get3A_213, %get3A_214] {strides = array<i32>} : memref<16x100x32xf32, #tpu.memory_space<vmem>>, vector<1x1x16xf32>,
        %get3A_216 = vector.shape_cast %get3A_215 : vector<1x1x16xf32> to vector<16xf32>
        %add3A_217 = arith.addf %get3A_181, %get3A_216 : vector<16xf32>
        %add3A_218 = arith.constant 4 : i32
        %add3A_219 = arith.addi %mul3A_154, %add3A_218 : i32
        %get3A_220 = arith.index_cast %select_n3A_137 : i32 to index
        %get3A_221 = arith.index_cast %add3A_219 : i32 to index
        %get3A_222 = arith.constant 0 : index
        %get3A_223 = tpu.vector_load %arg7[%get3A_220, %get3A_221, %get3A_222] {strides = array<i32>} : memref<16x100x32xf32, #tpu.memory_space<vmem>>, vector<1x1x16xf32>,
        %get3A_224 = vector.shape_cast %get3A_223 : vector<1x1x16xf32> to vector<16xf32>
        %add3A_225 = arith.addf %add3A_189, %get3A_224 : vector<16xf32>
        %add3A_226 = arith.constant 4 : i32
        %add3A_227 = arith.addi %mul3A_154, %add3A_226 : i32
        %get3A_228 = arith.index_cast %select_n3A_137 : i32 to index
        %get3A_229 = arith.index_cast %add3A_227 : i32 to index
        %get3A_230 = arith.constant 16 : index
        %get3A_231 = tpu.vector_load %arg7[%get3A_228, %get3A_229, %get3A_230] {strides = array<i32>} : memref<16x100x32xf32, #tpu.memory_space<vmem>>, vector<1x1x16xf32>,
        %get3A_232 = vector.shape_cast %get3A_231 : vector<1x1x16xf32> to vector<16xf32>
        %add3A_233 = arith.addf %add3A_197, %get3A_232 : vector<16xf32>
        %add3A_234 = arith.constant 4 : i32
        %add3A_235 = arith.addi %mul3A_154, %add3A_234 : i32
        %add3A_236 = arith.constant 1 : i32
        %add3A_237 = arith.addi %add3A_235, %add3A_236 : i32
        %get3A_238 = arith.index_cast %select_n3A_137 : i32 to index
        %get3A_239 = arith.index_cast %add3A_237 : i32 to index
        %get3A_240 = arith.constant 0 : index
        %get3A_241 = tpu.vector_load %arg7[%get3A_238, %get3A_239, %get3A_240] {strides = array<i32>} : memref<16x100x32xf32, #tpu.memory_space<vmem>>, vector<1x1x16xf32>,
        %get3A_242 = vector.shape_cast %get3A_241 : vector<1x1x16xf32> to vector<16xf32>
        %add3A_243 = arith.addf %add3A_207, %get3A_242 : vector<16xf32>
        %add3A_244 = arith.constant 4 : i32
        %add3A_245 = arith.addi %mul3A_154, %add3A_244 : i32
        %add3A_246 = arith.constant 1 : i32
        %add3A_247 = arith.addi %add3A_245, %add3A_246 : i32
        %get3A_248 = arith.index_cast %select_n3A_137 : i32 to index
        %get3A_249 = arith.index_cast %add3A_247 : i32 to index
        %get3A_250 = arith.constant 16 : index
        %get3A_251 = tpu.vector_load %arg7[%get3A_248, %get3A_249, %get3A_250] {strides = array<i32>} : memref<16x100x32xf32, #tpu.memory_space<vmem>>, vector<1x1x16xf32>,
        %get3A_252 = vector.shape_cast %get3A_251 : vector<1x1x16xf32> to vector<16xf32>
        %add3A_253 = arith.addf %add3A_217, %get3A_252 : vector<16xf32>
        %add3A_254 = arith.constant 6 : i32
        %add3A_255 = arith.addi %mul3A_154, %add3A_254 : i32
        %get3A_256 = arith.index_cast %select_n3A_137 : i32 to index
        %get3A_257 = arith.index_cast %add3A_255 : i32 to index
        %get3A_258 = arith.constant 0 : index
        %get3A_259 = tpu.vector_load %arg7[%get3A_256, %get3A_257, %get3A_258] {strides = array<i32>} : memref<16x100x32xf32, #tpu.memory_space<vmem>>, vector<1x1x16xf32>,
        %get3A_260 = vector.shape_cast %get3A_259 : vector<1x1x16xf32> to vector<16xf32>
        %add3A_261 = arith.addf %add3A_225, %get3A_260 : vector<16xf32>
        %add3A_262 = arith.constant 6 : i32
        %add3A_263 = arith.addi %mul3A_154, %add3A_262 : i32
        %get3A_264 = arith.index_cast %select_n3A_137 : i32 to index
        %get3A_265 = arith.index_cast %add3A_263 : i32 to index
        %get3A_266 = arith.constant 16 : index
        %get3A_267 = tpu.vector_load %arg7[%get3A_264, %get3A_265, %get3A_266] {strides = array<i32>} : memref<16x100x32xf32, #tpu.memory_space<vmem>>, vector<1x1x16xf32>,
        %get3A_268 = vector.shape_cast %get3A_267 : vector<1x1x16xf32> to vector<16xf32>
        %add3A_269 = arith.addf %add3A_233, %get3A_268 : vector<16xf32>
        %add3A_270 = arith.constant 6 : i32
        %add3A_271 = arith.addi %mul3A_154, %add3A_270 : i32
        %add3A_272 = arith.constant 1 : i32
        %add3A_273 = arith.addi %add3A_271, %add3A_272 : i32
        %get3A_274 = arith.index_cast %select_n3A_137 : i32 to index
        %get3A_275 = arith.index_cast %add3A_273 : i32 to index
        %get3A_276 = arith.constant 0 : index
        %get3A_277 = tpu.vector_load %arg7[%get3A_274, %get3A_275, %get3A_276] {strides = array<i32>} : memref<16x100x32xf32, #tpu.memory_space<vmem>>, vector<1x1x16xf32>,
        %get3A_278 = vector.shape_cast %get3A_277 : vector<1x1x16xf32> to vector<16xf32>
        %add3A_279 = arith.addf %add3A_243, %get3A_278 : vector<16xf32>
        %add3A_280 = arith.constant 6 : i32
        %add3A_281 = arith.addi %mul3A_154, %add3A_280 : i32
        %add3A_282 = arith.constant 1 : i32
        %add3A_283 = arith.addi %add3A_281, %add3A_282 : i32
        %get3A_284 = arith.index_cast %select_n3A_137 : i32 to index
        %get3A_285 = arith.index_cast %add3A_283 : i32 to index
        %get3A_286 = arith.constant 16 : index
        %get3A_287 = tpu.vector_load %arg7[%get3A_284, %get3A_285, %get3A_286] {strides = array<i32>} : memref<16x100x32xf32, #tpu.memory_space<vmem>>, vector<1x1x16xf32>,
        %get3A_288 = vector.shape_cast %get3A_287 : vector<1x1x16xf32> to vector<16xf32>
        %add3A_289 = arith.addf %add3A_253, %get3A_288 : vector<16xf32>
        %add3A_290 = arith.constant 8 : i32
        %add3A_291 = arith.addi %mul3A_154, %add3A_290 : i32
        %get3A_292 = arith.index_cast %select_n3A_137 : i32 to index
        %get3A_293 = arith.index_cast %add3A_291 : i32 to index
        %get3A_294 = arith.constant 0 : index
        %get3A_295 = tpu.vector_load %arg7[%get3A_292, %get3A_293, %get3A_294] {strides = array<i32>} : memref<16x100x32xf32, #tpu.memory_space<vmem>>, vector<1x1x16xf32>,
        %get3A_296 = vector.shape_cast %get3A_295 : vector<1x1x16xf32> to vector<16xf32>
        %add3A_297 = arith.addf %add3A_261, %get3A_296 : vector<16xf32>
        %add3A_298 = arith.constant 8 : i32
        %add3A_299 = arith.addi %mul3A_154, %add3A_298 : i32
        %get3A_300 = arith.index_cast %select_n3A_137 : i32 to index
        %get3A_301 = arith.index_cast %add3A_299 : i32 to index
        %get3A_302 = arith.constant 16 : index
        %get3A_303 = tpu.vector_load %arg7[%get3A_300, %get3A_301, %get3A_302] {strides = array<i32>} : memref<16x100x32xf32, #tpu.memory_space<vmem>>, vector<1x1x16xf32>,
        %get3A_304 = vector.shape_cast %get3A_303 : vector<1x1x16xf32> to vector<16xf32>
        %add3A_305 = arith.addf %add3A_269, %get3A_304 : vector<16xf32>
        %add3A_306 = arith.constant 8 : i32
        %add3A_307 = arith.addi %mul3A_154, %add3A_306 : i32
        %add3A_308 = arith.constant 1 : i32
        %add3A_309 = arith.addi %add3A_307, %add3A_308 : i32
        %get3A_310 = arith.index_cast %select_n3A_137 : i32 to index
        %get3A_311 = arith.index_cast %add3A_309 : i32 to index
        %get3A_312 = arith.constant 0 : index
        %get3A_313 = tpu.vector_load %arg7[%get3A_310, %get3A_311, %get3A_312] {strides = array<i32>} : memref<16x100x32xf32, #tpu.memory_space<vmem>>, vector<1x1x16xf32>,
        %get3A_314 = vector.shape_cast %get3A_313 : vector<1x1x16xf32> to vector<16xf32>
        %add3A_315 = arith.addf %add3A_279, %get3A_314 : vector<16xf32>
        %add3A_316 = arith.constant 8 : i32
        %add3A_317 = arith.addi %mul3A_154, %add3A_316 : i32
        %add3A_318 = arith.constant 1 : i32
        %add3A_319 = arith.addi %add3A_317, %add3A_318 : i32
        %get3A_320 = arith.index_cast %select_n3A_137 : i32 to index
        %get3A_321 = arith.index_cast %add3A_319 : i32 to index
        %get3A_322 = arith.constant 16 : index
        %get3A_323 = tpu.vector_load %arg7[%get3A_320, %get3A_321, %get3A_322] {strides = array<i32>} : memref<16x100x32xf32, #tpu.memory_space<vmem>>, vector<1x1x16xf32>,
        %get3A_324 = vector.shape_cast %get3A_323 : vector<1x1x16xf32> to vector<16xf32>
        %add3A_325 = arith.addf %add3A_289, %get3A_324 : vector<16xf32>
        %add3A_326 = arith.constant 10 : i32
        %add3A_327 = arith.addi %mul3A_154, %add3A_326 : i32
        %get3A_328 = arith.index_cast %select_n3A_137 : i32 to index
        %get3A_329 = arith.index_cast %add3A_327 : i32 to index
        %get3A_330 = arith.constant 0 : index
        %get3A_331 = tpu.vector_load %arg7[%get3A_328, %get3A_329, %get3A_330] {strides = array<i32>} : memref<16x100x32xf32, #tpu.memory_space<vmem>>, vector<1x1x16xf32>,
        %get3A_332 = vector.shape_cast %get3A_331 : vector<1x1x16xf32> to vector<16xf32>
        %add3A_333 = arith.addf %add3A_297, %get3A_332 : vector<16xf32>
        %add3A_334 = arith.constant 10 : i32
        %add3A_335 = arith.addi %mul3A_154, %add3A_334 : i32
        %get3A_336 = arith.index_cast %select_n3A_137 : i32 to index
        %get3A_337 = arith.index_cast %add3A_335 : i32 to index
        %get3A_338 = arith.constant 16 : index
        %get3A_339 = tpu.vector_load %arg7[%get3A_336, %get3A_337, %get3A_338] {strides = array<i32>} : memref<16x100x32xf32, #tpu.memory_space<vmem>>, vector<1x1x16xf32>,
        %get3A_340 = vector.shape_cast %get3A_339 : vector<1x1x16xf32> to vector<16xf32>
        %add3A_341 = arith.addf %add3A_305, %get3A_340 : vector<16xf32>
        %add3A_342 = arith.constant 10 : i32
        %add3A_343 = arith.addi %mul3A_154, %add3A_342 : i32
        %add3A_344 = arith.constant 1 : i32
        %add3A_345 = arith.addi %add3A_343, %add3A_344 : i32
        %get3A_346 = arith.index_cast %select_n3A_137 : i32 to index
        %get3A_347 = arith.index_cast %add3A_345 : i32 to index
        %get3A_348 = arith.constant 0 : index
        %get3A_349 = tpu.vector_load %arg7[%get3A_346, %get3A_347, %get3A_348] {strides = array<i32>} : memref<16x100x32xf32, #tpu.memory_space<vmem>>, vector<1x1x16xf32>,
        %get3A_350 = vector.shape_cast %get3A_349 : vector<1x1x16xf32> to vector<16xf32>
        %add3A_351 = arith.addf %add3A_315, %get3A_350 : vector<16xf32>
        %add3A_352 = arith.constant 10 : i32
        %add3A_353 = arith.addi %mul3A_154, %add3A_352 : i32
        %add3A_354 = arith.constant 1 : i32
        %add3A_355 = arith.addi %add3A_353, %add3A_354 : i32
        %get3A_356 = arith.index_cast %select_n3A_137 : i32 to index
        %get3A_357 = arith.index_cast %add3A_355 : i32 to index
        %get3A_358 = arith.constant 16 : index
        %get3A_359 = tpu.vector_load %arg7[%get3A_356, %get3A_357, %get3A_358] {strides = array<i32>} : memref<16x100x32xf32, #tpu.memory_space<vmem>>, vector<1x1x16xf32>,
        %get3A_360 = vector.shape_cast %get3A_359 : vector<1x1x16xf32> to vector<16xf32>
        %add3A_361 = arith.addf %add3A_325, %get3A_360 : vector<16xf32>
        %add3A_362 = arith.constant 12 : i32
        %add3A_363 = arith.addi %mul3A_154, %add3A_362 : i32
        %get3A_364 = arith.index_cast %select_n3A_137 : i32 to index
        %get3A_365 = arith.index_cast %add3A_363 : i32 to index
        %get3A_366 = arith.constant 0 : index
        %get3A_367 = tpu.vector_load %arg7[%get3A_364, %get3A_365, %get3A_366] {strides = array<i32>} : memref<16x100x32xf32, #tpu.memory_space<vmem>>, vector<1x1x16xf32>,
        %get3A_368 = vector.shape_cast %get3A_367 : vector<1x1x16xf32> to vector<16xf32>
        %add3A_369 = arith.addf %add3A_333, %get3A_368 : vector<16xf32>
        %add3A_370 = arith.constant 12 : i32
        %add3A_371 = arith.addi %mul3A_154, %add3A_370 : i32
        %get3A_372 = arith.index_cast %select_n3A_137 : i32 to index
        %get3A_373 = arith.index_cast %add3A_371 : i32 to index
        %get3A_374 = arith.constant 16 : index
        %get3A_375 = tpu.vector_load %arg7[%get3A_372, %get3A_373, %get3A_374] {strides = array<i32>} : memref<16x100x32xf32, #tpu.memory_space<vmem>>, vector<1x1x16xf32>,
        %get3A_376 = vector.shape_cast %get3A_375 : vector<1x1x16xf32> to vector<16xf32>
        %add3A_377 = arith.addf %add3A_341, %get3A_376 : vector<16xf32>
        %add3A_378 = arith.constant 12 : i32
        %add3A_379 = arith.addi %mul3A_154, %add3A_378 : i32
        %add3A_380 = arith.constant 1 : i32
        %add3A_381 = arith.addi %add3A_379, %add3A_380 : i32
        %get3A_382 = arith.index_cast %select_n3A_137 : i32 to index
        %get3A_383 = arith.index_cast %add3A_381 : i32 to index
        %get3A_384 = arith.constant 0 : index
        %get3A_385 = tpu.vector_load %arg7[%get3A_382, %get3A_383, %get3A_384] {strides = array<i32>} : memref<16x100x32xf32, #tpu.memory_space<vmem>>, vector<1x1x16xf32>,
        %get3A_386 = vector.shape_cast %get3A_385 : vector<1x1x16xf32> to vector<16xf32>
        %add3A_387 = arith.addf %add3A_351, %get3A_386 : vector<16xf32>
        %add3A_388 = arith.constant 12 : i32
        %add3A_389 = arith.addi %mul3A_154, %add3A_388 : i32
        %add3A_390 = arith.constant 1 : i32
        %add3A_391 = arith.addi %add3A_389, %add3A_390 : i32
        %get3A_392 = arith.index_cast %select_n3A_137 : i32 to index
        %get3A_393 = arith.index_cast %add3A_391 : i32 to index
        %get3A_394 = arith.constant 16 : index
        %get3A_395 = tpu.vector_load %arg7[%get3A_392, %get3A_393, %get3A_394] {strides = array<i32>} : memref<16x100x32xf32, #tpu.memory_space<vmem>>, vector<1x1x16xf32>,
        %get3A_396 = vector.shape_cast %get3A_395 : vector<1x1x16xf32> to vector<16xf32>
        %add3A_397 = arith.addf %add3A_361, %get3A_396 : vector<16xf32>
        %add3A_398 = arith.constant 14 : i32
        %add3A_399 = arith.addi %mul3A_154, %add3A_398 : i32
        %get3A_400 = arith.index_cast %select_n3A_137 : i32 to index
        %get3A_401 = arith.index_cast %add3A_399 : i32 to index
        %get3A_402 = arith.constant 0 : index
        %get3A_403 = tpu.vector_load %arg7[%get3A_400, %get3A_401, %get3A_402] {strides = array<i32>} : memref<16x100x32xf32, #tpu.memory_space<vmem>>, vector<1x1x16xf32>,
        %get3A_404 = vector.shape_cast %get3A_403 : vector<1x1x16xf32> to vector<16xf32>
        %add3A_405 = arith.addf %add3A_369, %get3A_404 : vector<16xf32>
        %add3A_406 = arith.constant 14 : i32
        %add3A_407 = arith.addi %mul3A_154, %add3A_406 : i32
        %get3A_408 = arith.index_cast %select_n3A_137 : i32 to index
        %get3A_409 = arith.index_cast %add3A_407 : i32 to index
        %get3A_410 = arith.constant 16 : index
        %get3A_411 = tpu.vector_load %arg7[%get3A_408, %get3A_409, %get3A_410] {strides = array<i32>} : memref<16x100x32xf32, #tpu.memory_space<vmem>>, vector<1x1x16xf32>,
        %get3A_412 = vector.shape_cast %get3A_411 : vector<1x1x16xf32> to vector<16xf32>
        %add3A_413 = arith.addf %add3A_377, %get3A_412 : vector<16xf32>
        %add3A_414 = arith.constant 14 : i32
        %add3A_415 = arith.addi %mul3A_154, %add3A_414 : i32
        %add3A_416 = arith.constant 1 : i32
        %add3A_417 = arith.addi %add3A_415, %add3A_416 : i32
        %get3A_418 = arith.index_cast %select_n3A_137 : i32 to index
        %get3A_419 = arith.index_cast %add3A_417 : i32 to index
        %get3A_420 = arith.constant 0 : index
        %get3A_421 = tpu.vector_load %arg7[%get3A_418, %get3A_419, %get3A_420] {strides = array<i32>} : memref<16x100x32xf32, #tpu.memory_space<vmem>>, vector<1x1x16xf32>,
        %get3A_422 = vector.shape_cast %get3A_421 : vector<1x1x16xf32> to vector<16xf32>
        %add3A_423 = arith.addf %add3A_387, %get3A_422 : vector<16xf32>
        %add3A_424 = arith.constant 14 : i32
        %add3A_425 = arith.addi %mul3A_154, %add3A_424 : i32
        %add3A_426 = arith.constant 1 : i32
        %add3A_427 = arith.addi %add3A_425, %add3A_426 : i32
        %get3A_428 = arith.index_cast %select_n3A_137 : i32 to index
        %get3A_429 = arith.index_cast %add3A_427 : i32 to index
        %get3A_430 = arith.constant 16 : index
        %get3A_431 = tpu.vector_load %arg7[%get3A_428, %get3A_429, %get3A_430] {strides = array<i32>} : memref<16x100x32xf32, #tpu.memory_space<vmem>>, vector<1x1x16xf32>,
        %get3A_432 = vector.shape_cast %get3A_431 : vector<1x1x16xf32> to vector<16xf32>
        %add3A_433 = arith.addf %add3A_397, %get3A_432 : vector<16xf32>
        %add3A_434 = arith.constant 16 : i32
        %add3A_435 = arith.addi %mul3A_154, %add3A_434 : i32
        %get3A_436 = arith.index_cast %select_n3A_137 : i32 to index
        %get3A_437 = arith.index_cast %add3A_435 : i32 to index
        %get3A_438 = arith.constant 0 : index
        %get3A_439 = tpu.vector_load %arg7[%get3A_436, %get3A_437, %get3A_438] {strides = array<i32>} : memref<16x100x32xf32, #tpu.memory_space<vmem>>, vector<1x1x16xf32>,
        %get3A_440 = vector.shape_cast %get3A_439 : vector<1x1x16xf32> to vector<16xf32>
        %add3A_441 = arith.addf %add3A_405, %get3A_440 : vector<16xf32>
        %add3A_442 = arith.constant 16 : i32
        %add3A_443 = arith.addi %mul3A_154, %add3A_442 : i32
        %get3A_444 = arith.index_cast %select_n3A_137 : i32 to index
        %get3A_445 = arith.index_cast %add3A_443 : i32 to index
        %get3A_446 = arith.constant 16 : index
        %get3A_447 = tpu.vector_load %arg7[%get3A_444, %get3A_445, %get3A_446] {strides = array<i32>} : memref<16x100x32xf32, #tpu.memory_space<vmem>>, vector<1x1x16xf32>,
        %get3A_448 = vector.shape_cast %get3A_447 : vector<1x1x16xf32> to vector<16xf32>
        %add3A_449 = arith.addf %add3A_413, %get3A_448 : vector<16xf32>
        %add3A_450 = arith.constant 16 : i32
        %add3A_451 = arith.addi %mul3A_154, %add3A_450 : i32
        %add3A_452 = arith.constant 1 : i32
        %add3A_453 = arith.addi %add3A_451, %add3A_452 : i32
        %get3A_454 = arith.index_cast %select_n3A_137 : i32 to index
        %get3A_455 = arith.index_cast %add3A_453 : i32 to index
        %get3A_456 = arith.constant 0 : index
        %get3A_457 = tpu.vector_load %arg7[%get3A_454, %get3A_455, %get3A_456] {strides = array<i32>} : memref<16x100x32xf32, #tpu.memory_space<vmem>>, vector<1x1x16xf32>,
        %get3A_458 = vector.shape_cast %get3A_457 : vector<1x1x16xf32> to vector<16xf32>
        %add3A_459 = arith.addf %add3A_423, %get3A_458 : vector<16xf32>
        %add3A_460 = arith.constant 16 : i32
        %add3A_461 = arith.addi %mul3A_154, %add3A_460 : i32
        %add3A_462 = arith.constant 1 : i32
        %add3A_463 = arith.addi %add3A_461, %add3A_462 : i32
        %get3A_464 = arith.index_cast %select_n3A_137 : i32 to index
        %get3A_465 = arith.index_cast %add3A_463 : i32 to index
        %get3A_466 = arith.constant 16 : index
        %get3A_467 = tpu.vector_load %arg7[%get3A_464, %get3A_465, %get3A_466] {strides = array<i32>} : memref<16x100x32xf32, #tpu.memory_space<vmem>>, vector<1x1x16xf32>,
        %get3A_468 = vector.shape_cast %get3A_467 : vector<1x1x16xf32> to vector<16xf32>
        %add3A_469 = arith.addf %add3A_433, %get3A_468 : vector<16xf32>
        %add3A_470 = arith.constant 18 : i32
        %add3A_471 = arith.addi %mul3A_154, %add3A_470 : i32
        %get3A_472 = arith.index_cast %select_n3A_137 : i32 to index
        %get3A_473 = arith.index_cast %add3A_471 : i32 to index
        %get3A_474 = arith.constant 0 : index
        %get3A_475 = tpu.vector_load %arg7[%get3A_472, %get3A_473, %get3A_474] {strides = array<i32>} : memref<16x100x32xf32, #tpu.memory_space<vmem>>, vector<1x1x16xf32>,
        %get3A_476 = vector.shape_cast %get3A_475 : vector<1x1x16xf32> to vector<16xf32>
        %add3A_477 = arith.addf %add3A_441, %get3A_476 : vector<16xf32>
        %add3A_478 = arith.constant 18 : i32
        %add3A_479 = arith.addi %mul3A_154, %add3A_478 : i32
        %get3A_480 = arith.index_cast %select_n3A_137 : i32 to index
        %get3A_481 = arith.index_cast %add3A_479 : i32 to index
        %get3A_482 = arith.constant 16 : index
        %get3A_483 = tpu.vector_load %arg7[%get3A_480, %get3A_481, %get3A_482] {strides = array<i32>} : memref<16x100x32xf32, #tpu.memory_space<vmem>>, vector<1x1x16xf32>,
        %get3A_484 = vector.shape_cast %get3A_483 : vector<1x1x16xf32> to vector<16xf32>
        %add3A_485 = arith.addf %add3A_449, %get3A_484 : vector<16xf32>
        %add3A_486 = arith.constant 18 : i32
        %add3A_487 = arith.addi %mul3A_154, %add3A_486 : i32
        %add3A_488 = arith.constant 1 : i32
        %add3A_489 = arith.addi %add3A_487, %add3A_488 : i32
        %get3A_490 = arith.index_cast %select_n3A_137 : i32 to index
        %get3A_491 = arith.index_cast %add3A_489 : i32 to index
        %get3A_492 = arith.constant 0 : index
        %get3A_493 = tpu.vector_load %arg7[%get3A_490, %get3A_491, %get3A_492] {strides = array<i32>} : memref<16x100x32xf32, #tpu.memory_space<vmem>>, vector<1x1x16xf32>,
        %get3A_494 = vector.shape_cast %get3A_493 : vector<1x1x16xf32> to vector<16xf32>
        %add3A_495 = arith.addf %add3A_459, %get3A_494 : vector<16xf32>
        %add3A_496 = arith.constant 18 : i32
        %add3A_497 = arith.addi %mul3A_154, %add3A_496 : i32
        %add3A_498 = arith.constant 1 : i32
        %add3A_499 = arith.addi %add3A_497, %add3A_498 : i32
        %get3A_500 = arith.index_cast %select_n3A_137 : i32 to index
        %get3A_501 = arith.index_cast %add3A_499 : i32 to index
        %get3A_502 = arith.constant 16 : index
        %get3A_503 = tpu.vector_load %arg7[%get3A_500, %get3A_501, %get3A_502] {strides = array<i32>} : memref<16x100x32xf32, #tpu.memory_space<vmem>>, vector<1x1x16xf32>,
        %get3A_504 = vector.shape_cast %get3A_503 : vector<1x1x16xf32> to vector<16xf32>
        %add3A_505 = arith.addf %add3A_469, %get3A_504 : vector<16xf32>
        %add3A_506 = arith.constant 20 : i32
        %add3A_507 = arith.addi %mul3A_154, %add3A_506 : i32
        %get3A_508 = arith.index_cast %select_n3A_137 : i32 to index
        %get3A_509 = arith.index_cast %add3A_507 : i32 to index
        %get3A_510 = arith.constant 0 : index
        %get3A_511 = tpu.vector_load %arg7[%get3A_508, %get3A_509, %get3A_510] {strides = array<i32>} : memref<16x100x32xf32, #tpu.memory_space<vmem>>, vector<1x1x16xf32>,
        %get3A_512 = vector.shape_cast %get3A_511 : vector<1x1x16xf32> to vector<16xf32>
        %add3A_513 = arith.addf %add3A_477, %get3A_512 : vector<16xf32>
        %add3A_514 = arith.constant 20 : i32
        %add3A_515 = arith.addi %mul3A_154, %add3A_514 : i32
        %get3A_516 = arith.index_cast %select_n3A_137 : i32 to index
        %get3A_517 = arith.index_cast %add3A_515 : i32 to index
        %get3A_518 = arith.constant 16 : index
        %get3A_519 = tpu.vector_load %arg7[%get3A_516, %get3A_517, %get3A_518] {strides = array<i32>} : memref<16x100x32xf32, #tpu.memory_space<vmem>>, vector<1x1x16xf32>,
        %get3A_520 = vector.shape_cast %get3A_519 : vector<1x1x16xf32> to vector<16xf32>
        %add3A_521 = arith.addf %add3A_485, %get3A_520 : vector<16xf32>
        %add3A_522 = arith.constant 20 : i32
        %add3A_523 = arith.addi %mul3A_154, %add3A_522 : i32
        %add3A_524 = arith.constant 1 : i32
        %add3A_525 = arith.addi %add3A_523, %add3A_524 : i32
        %get3A_526 = arith.index_cast %select_n3A_137 : i32 to index
        %get3A_527 = arith.index_cast %add3A_525 : i32 to index
        %get3A_528 = arith.constant 0 : index
        %get3A_529 = tpu.vector_load %arg7[%get3A_526, %get3A_527, %get3A_528] {strides = array<i32>} : memref<16x100x32xf32, #tpu.memory_space<vmem>>, vector<1x1x16xf32>,
        %get3A_530 = vector.shape_cast %get3A_529 : vector<1x1x16xf32> to vector<16xf32>
        %add3A_531 = arith.addf %add3A_495, %get3A_530 : vector<16xf32>
        %add3A_532 = arith.constant 20 : i32
        %add3A_533 = arith.addi %mul3A_154, %add3A_532 : i32
        %add3A_534 = arith.constant 1 : i32
        %add3A_535 = arith.addi %add3A_533, %add3A_534 : i32
        %get3A_536 = arith.index_cast %select_n3A_137 : i32 to index
        %get3A_537 = arith.index_cast %add3A_535 : i32 to index
        %get3A_538 = arith.constant 16 : index
        %get3A_539 = tpu.vector_load %arg7[%get3A_536, %get3A_537, %get3A_538] {strides = array<i32>} : memref<16x100x32xf32, #tpu.memory_space<vmem>>, vector<1x1x16xf32>,
        %get3A_540 = vector.shape_cast %get3A_539 : vector<1x1x16xf32> to vector<16xf32>
        %add3A_541 = arith.addf %add3A_505, %get3A_540 : vector<16xf32>
        %add3A_542 = arith.constant 22 : i32
        %add3A_543 = arith.addi %mul3A_154, %add3A_542 : i32
        %get3A_544 = arith.index_cast %select_n3A_137 : i32 to index
        %get3A_545 = arith.index_cast %add3A_543 : i32 to index
        %get3A_546 = arith.constant 0 : index
        %get3A_547 = tpu.vector_load %arg7[%get3A_544, %get3A_545, %get3A_546] {strides = array<i32>} : memref<16x100x32xf32, #tpu.memory_space<vmem>>, vector<1x1x16xf32>,
        %get3A_548 = vector.shape_cast %get3A_547 : vector<1x1x16xf32> to vector<16xf32>
        %add3A_549 = arith.addf %add3A_513, %get3A_548 : vector<16xf32>
        %add3A_550 = arith.constant 22 : i32
        %add3A_551 = arith.addi %mul3A_154, %add3A_550 : i32
        %get3A_552 = arith.index_cast %select_n3A_137 : i32 to index
        %get3A_553 = arith.index_cast %add3A_551 : i32 to index
        %get3A_554 = arith.constant 16 : index
        %get3A_555 = tpu.vector_load %arg7[%get3A_552, %get3A_553, %get3A_554] {strides = array<i32>} : memref<16x100x32xf32, #tpu.memory_space<vmem>>, vector<1x1x16xf32>,
        %get3A_556 = vector.shape_cast %get3A_555 : vector<1x1x16xf32> to vector<16xf32>
        %add3A_557 = arith.addf %add3A_521, %get3A_556 : vector<16xf32>
        %add3A_558 = arith.constant 22 : i32
        %add3A_559 = arith.addi %mul3A_154, %add3A_558 : i32
        %add3A_560 = arith.constant 1 : i32
        %add3A_561 = arith.addi %add3A_559, %add3A_560 : i32
        %get3A_562 = arith.index_cast %select_n3A_137 : i32 to index
        %get3A_563 = arith.index_cast %add3A_561 : i32 to index
        %get3A_564 = arith.constant 0 : index
        %get3A_565 = tpu.vector_load %arg7[%get3A_562, %get3A_563, %get3A_564] {strides = array<i32>} : memref<16x100x32xf32, #tpu.memory_space<vmem>>, vector<1x1x16xf32>,
        %get3A_566 = vector.shape_cast %get3A_565 : vector<1x1x16xf32> to vector<16xf32>
        %add3A_567 = arith.addf %add3A_531, %get3A_566 : vector<16xf32>
        %add3A_568 = arith.constant 22 : i32
        %add3A_569 = arith.addi %mul3A_154, %add3A_568 : i32
        %add3A_570 = arith.constant 1 : i32
        %add3A_571 = arith.addi %add3A_569, %add3A_570 : i32
        %get3A_572 = arith.index_cast %select_n3A_137 : i32 to index
        %get3A_573 = arith.index_cast %add3A_571 : i32 to index
        %get3A_574 = arith.constant 16 : index
        %get3A_575 = tpu.vector_load %arg7[%get3A_572, %get3A_573, %get3A_574] {strides = array<i32>} : memref<16x100x32xf32, #tpu.memory_space<vmem>>, vector<1x1x16xf32>,
        %get3A_576 = vector.shape_cast %get3A_575 : vector<1x1x16xf32> to vector<16xf32>
        %add3A_577 = arith.addf %add3A_541, %get3A_576 : vector<16xf32>
        %add3A_578 = arith.constant 24 : i32
        %add3A_579 = arith.addi %mul3A_154, %add3A_578 : i32
        %get3A_580 = arith.index_cast %select_n3A_137 : i32 to index
        %get3A_581 = arith.index_cast %add3A_579 : i32 to index
        %get3A_582 = arith.constant 0 : index
        %get3A_583 = tpu.vector_load %arg7[%get3A_580, %get3A_581, %get3A_582] {strides = array<i32>} : memref<16x100x32xf32, #tpu.memory_space<vmem>>, vector<1x1x16xf32>,
        %get3A_584 = vector.shape_cast %get3A_583 : vector<1x1x16xf32> to vector<16xf32>
        %add3A_585 = arith.addf %add3A_549, %get3A_584 : vector<16xf32>
        %add3A_586 = arith.constant 24 : i32
        %add3A_587 = arith.addi %mul3A_154, %add3A_586 : i32
        %get3A_588 = arith.index_cast %select_n3A_137 : i32 to index
        %get3A_589 = arith.index_cast %add3A_587 : i32 to index
        %get3A_590 = arith.constant 16 : index
        %get3A_591 = tpu.vector_load %arg7[%get3A_588, %get3A_589, %get3A_590] {strides = array<i32>} : memref<16x100x32xf32, #tpu.memory_space<vmem>>, vector<1x1x16xf32>,
        %get3A_592 = vector.shape_cast %get3A_591 : vector<1x1x16xf32> to vector<16xf32>
        %add3A_593 = arith.addf %add3A_557, %get3A_592 : vector<16xf32>
        %add3A_594 = arith.constant 24 : i32
        %add3A_595 = arith.addi %mul3A_154, %add3A_594 : i32
        %add3A_596 = arith.constant 1 : i32
        %add3A_597 = arith.addi %add3A_595, %add3A_596 : i32
        %get3A_598 = arith.index_cast %select_n3A_137 : i32 to index
        %get3A_599 = arith.index_cast %add3A_597 : i32 to index
        %get3A_600 = arith.constant 0 : index
        %get3A_601 = tpu.vector_load %arg7[%get3A_598, %get3A_599, %get3A_600] {strides = array<i32>} : memref<16x100x32xf32, #tpu.memory_space<vmem>>, vector<1x1x16xf32>,
        %get3A_602 = vector.shape_cast %get3A_601 : vector<1x1x16xf32> to vector<16xf32>
        %add3A_603 = arith.addf %add3A_567, %get3A_602 : vector<16xf32>
        %add3A_604 = arith.constant 24 : i32
        %add3A_605 = arith.addi %mul3A_154, %add3A_604 : i32
        %add3A_606 = arith.constant 1 : i32
        %add3A_607 = arith.addi %add3A_605, %add3A_606 : i32
        %get3A_608 = arith.index_cast %select_n3A_137 : i32 to index
        %get3A_609 = arith.index_cast %add3A_607 : i32 to index
        %get3A_610 = arith.constant 16 : index
        %get3A_611 = tpu.vector_load %arg7[%get3A_608, %get3A_609, %get3A_610] {strides = array<i32>} : memref<16x100x32xf32, #tpu.memory_space<vmem>>, vector<1x1x16xf32>,
        %get3A_612 = vector.shape_cast %get3A_611 : vector<1x1x16xf32> to vector<16xf32>
        %add3A_613 = arith.addf %add3A_577, %get3A_612 : vector<16xf32>
        %add3A_614 = arith.constant 26 : i32
        %add3A_615 = arith.addi %mul3A_154, %add3A_614 : i32
        %get3A_616 = arith.index_cast %select_n3A_137 : i32 to index
        %get3A_617 = arith.index_cast %add3A_615 : i32 to index
        %get3A_618 = arith.constant 0 : index
        %get3A_619 = tpu.vector_load %arg7[%get3A_616, %get3A_617, %get3A_618] {strides = array<i32>} : memref<16x100x32xf32, #tpu.memory_space<vmem>>, vector<1x1x16xf32>,
        %get3A_620 = vector.shape_cast %get3A_619 : vector<1x1x16xf32> to vector<16xf32>
        %add3A_621 = arith.addf %add3A_585, %get3A_620 : vector<16xf32>
        %add3A_622 = arith.constant 26 : i32
        %add3A_623 = arith.addi %mul3A_154, %add3A_622 : i32
        %get3A_624 = arith.index_cast %select_n3A_137 : i32 to index
        %get3A_625 = arith.index_cast %add3A_623 : i32 to index
        %get3A_626 = arith.constant 16 : index
        %get3A_627 = tpu.vector_load %arg7[%get3A_624, %get3A_625, %get3A_626] {strides = array<i32>} : memref<16x100x32xf32, #tpu.memory_space<vmem>>, vector<1x1x16xf32>,
        %get3A_628 = vector.shape_cast %get3A_627 : vector<1x1x16xf32> to vector<16xf32>
        %add3A_629 = arith.addf %add3A_593, %get3A_628 : vector<16xf32>
        %add3A_630 = arith.constant 26 : i32
        %add3A_631 = arith.addi %mul3A_154, %add3A_630 : i32
        %add3A_632 = arith.constant 1 : i32
        %add3A_633 = arith.addi %add3A_631, %add3A_632 : i32
        %get3A_634 = arith.index_cast %select_n3A_137 : i32 to index
        %get3A_635 = arith.index_cast %add3A_633 : i32 to index
        %get3A_636 = arith.constant 0 : index
        %get3A_637 = tpu.vector_load %arg7[%get3A_634, %get3A_635, %get3A_636] {strides = array<i32>} : memref<16x100x32xf32, #tpu.memory_space<vmem>>, vector<1x1x16xf32>,
        %get3A_638 = vector.shape_cast %get3A_637 : vector<1x1x16xf32> to vector<16xf32>
        %add3A_639 = arith.addf %add3A_603, %get3A_638 : vector<16xf32>
        %add3A_640 = arith.constant 26 : i32
        %add3A_641 = arith.addi %mul3A_154, %add3A_640 : i32
        %add3A_642 = arith.constant 1 : i32
        %add3A_643 = arith.addi %add3A_641, %add3A_642 : i32
        %get3A_644 = arith.index_cast %select_n3A_137 : i32 to index
        %get3A_645 = arith.index_cast %add3A_643 : i32 to index
        %get3A_646 = arith.constant 16 : index
        %get3A_647 = tpu.vector_load %arg7[%get3A_644, %get3A_645, %get3A_646] {strides = array<i32>} : memref<16x100x32xf32, #tpu.memory_space<vmem>>, vector<1x1x16xf32>,
        %get3A_648 = vector.shape_cast %get3A_647 : vector<1x1x16xf32> to vector<16xf32>
        %add3A_649 = arith.addf %add3A_613, %get3A_648 : vector<16xf32>
        %add3A_650 = arith.constant 28 : i32
        %add3A_651 = arith.addi %mul3A_154, %add3A_650 : i32
        %get3A_652 = arith.index_cast %select_n3A_137 : i32 to index
        %get3A_653 = arith.index_cast %add3A_651 : i32 to index
        %get3A_654 = arith.constant 0 : index
        %get3A_655 = tpu.vector_load %arg7[%get3A_652, %get3A_653, %get3A_654] {strides = array<i32>} : memref<16x100x32xf32, #tpu.memory_space<vmem>>, vector<1x1x16xf32>,
        %get3A_656 = vector.shape_cast %get3A_655 : vector<1x1x16xf32> to vector<16xf32>
        %add3A_657 = arith.addf %add3A_621, %get3A_656 : vector<16xf32>
        %add3A_658 = arith.constant 28 : i32
        %add3A_659 = arith.addi %mul3A_154, %add3A_658 : i32
        %get3A_660 = arith.index_cast %select_n3A_137 : i32 to index
        %get3A_661 = arith.index_cast %add3A_659 : i32 to index
        %get3A_662 = arith.constant 16 : index
        %get3A_663 = tpu.vector_load %arg7[%get3A_660, %get3A_661, %get3A_662] {strides = array<i32>} : memref<16x100x32xf32, #tpu.memory_space<vmem>>, vector<1x1x16xf32>,
        %get3A_664 = vector.shape_cast %get3A_663 : vector<1x1x16xf32> to vector<16xf32>
        %add3A_665 = arith.addf %add3A_629, %get3A_664 : vector<16xf32>
        %add3A_666 = arith.constant 28 : i32
        %add3A_667 = arith.addi %mul3A_154, %add3A_666 : i32
        %add3A_668 = arith.constant 1 : i32
        %add3A_669 = arith.addi %add3A_667, %add3A_668 : i32
        %get3A_670 = arith.index_cast %select_n3A_137 : i32 to index
        %get3A_671 = arith.index_cast %add3A_669 : i32 to index
        %get3A_672 = arith.constant 0 : index
        %get3A_673 = tpu.vector_load %arg7[%get3A_670, %get3A_671, %get3A_672] {strides = array<i32>} : memref<16x100x32xf32, #tpu.memory_space<vmem>>, vector<1x1x16xf32>,
        %get3A_674 = vector.shape_cast %get3A_673 : vector<1x1x16xf32> to vector<16xf32>
        %add3A_675 = arith.addf %add3A_639, %get3A_674 : vector<16xf32>
        %add3A_676 = arith.constant 28 : i32
        %add3A_677 = arith.addi %mul3A_154, %add3A_676 : i32
        %add3A_678 = arith.constant 1 : i32
        %add3A_679 = arith.addi %add3A_677, %add3A_678 : i32
        %get3A_680 = arith.index_cast %select_n3A_137 : i32 to index
        %get3A_681 = arith.index_cast %add3A_679 : i32 to index
        %get3A_682 = arith.constant 16 : index
        %get3A_683 = tpu.vector_load %arg7[%get3A_680, %get3A_681, %get3A_682] {strides = array<i32>} : memref<16x100x32xf32, #tpu.memory_space<vmem>>, vector<1x1x16xf32>,
        %get3A_684 = vector.shape_cast %get3A_683 : vector<1x1x16xf32> to vector<16xf32>
        %add3A_685 = arith.addf %add3A_649, %get3A_684 : vector<16xf32>
        %add3A_686 = arith.constant 30 : i32
        %add3A_687 = arith.addi %mul3A_154, %add3A_686 : i32
        %get3A_688 = arith.index_cast %select_n3A_137 : i32 to index
        %get3A_689 = arith.index_cast %add3A_687 : i32 to index
        %get3A_690 = arith.constant 0 : index
        %get3A_691 = tpu.vector_load %arg7[%get3A_688, %get3A_689, %get3A_690] {strides = array<i32>} : memref<16x100x32xf32, #tpu.memory_space<vmem>>, vector<1x1x16xf32>,
        %get3A_692 = vector.shape_cast %get3A_691 : vector<1x1x16xf32> to vector<16xf32>
        %add3A_693 = arith.addf %add3A_657, %get3A_692 : vector<16xf32>
        %add3A_694 = arith.constant 30 : i32
        %add3A_695 = arith.addi %mul3A_154, %add3A_694 : i32
        %get3A_696 = arith.index_cast %select_n3A_137 : i32 to index
        %get3A_697 = arith.index_cast %add3A_695 : i32 to index
        %get3A_698 = arith.constant 16 : index
        %get3A_699 = tpu.vector_load %arg7[%get3A_696, %get3A_697, %get3A_698] {strides = array<i32>} : memref<16x100x32xf32, #tpu.memory_space<vmem>>, vector<1x1x16xf32>,
        %get3A_700 = vector.shape_cast %get3A_699 : vector<1x1x16xf32> to vector<16xf32>
        %add3A_701 = arith.addf %add3A_665, %get3A_700 : vector<16xf32>
        %add3A_702 = arith.constant 30 : i32
        %add3A_703 = arith.addi %mul3A_154, %add3A_702 : i32
        %add3A_704 = arith.constant 1 : i32
        %add3A_705 = arith.addi %add3A_703, %add3A_704 : i32
        %get3A_706 = arith.index_cast %select_n3A_137 : i32 to index
        %get3A_707 = arith.index_cast %add3A_705 : i32 to index
        %get3A_708 = arith.constant 0 : index
        %get3A_709 = tpu.vector_load %arg7[%get3A_706, %get3A_707, %get3A_708] {strides = array<i32>} : memref<16x100x32xf32, #tpu.memory_space<vmem>>, vector<1x1x16xf32>,
        %get3A_710 = vector.shape_cast %get3A_709 : vector<1x1x16xf32> to vector<16xf32>
        %add3A_711 = arith.addf %add3A_675, %get3A_710 : vector<16xf32>
        %add3A_712 = arith.constant 30 : i32
        %add3A_713 = arith.addi %mul3A_154, %add3A_712 : i32
        %add3A_714 = arith.constant 1 : i32
        %add3A_715 = arith.addi %add3A_713, %add3A_714 : i32
        %get3A_716 = arith.index_cast %select_n3A_137 : i32 to index
        %get3A_717 = arith.index_cast %add3A_715 : i32 to index
        %get3A_718 = arith.constant 16 : index
        %get3A_719 = tpu.vector_load %arg7[%get3A_716, %get3A_717, %get3A_718] {strides = array<i32>} : memref<16x100x32xf32, #tpu.memory_space<vmem>>, vector<1x1x16xf32>,
        %get3A_720 = vector.shape_cast %get3A_719 : vector<1x1x16xf32> to vector<16xf32>
        %add3A_721 = arith.addf %add3A_685, %get3A_720 : vector<16xf32>
        %add3A_722 = arith.constant 32 : i32
        %add3A_723 = arith.addi %mul3A_154, %add3A_722 : i32
        %get3A_724 = arith.index_cast %select_n3A_137 : i32 to index
        %get3A_725 = arith.index_cast %add3A_723 : i32 to index
        %get3A_726 = arith.constant 0 : index
        %get3A_727 = tpu.vector_load %arg7[%get3A_724, %get3A_725, %get3A_726] {strides = array<i32>} : memref<16x100x32xf32, #tpu.memory_space<vmem>>, vector<1x1x16xf32>,
        %get3A_728 = vector.shape_cast %get3A_727 : vector<1x1x16xf32> to vector<16xf32>
        %add3A_729 = arith.addf %add3A_693, %get3A_728 : vector<16xf32>
        %add3A_730 = arith.constant 32 : i32
        %add3A_731 = arith.addi %mul3A_154, %add3A_730 : i32
        %get3A_732 = arith.index_cast %select_n3A_137 : i32 to index
        %get3A_733 = arith.index_cast %add3A_731 : i32 to index
        %get3A_734 = arith.constant 16 : index
        %get3A_735 = tpu.vector_load %arg7[%get3A_732, %get3A_733, %get3A_734] {strides = array<i32>} : memref<16x100x32xf32, #tpu.memory_space<vmem>>, vector<1x1x16xf32>,
        %get3A_736 = vector.shape_cast %get3A_735 : vector<1x1x16xf32> to vector<16xf32>
        %add3A_737 = arith.addf %add3A_701, %get3A_736 : vector<16xf32>
        %add3A_738 = arith.constant 32 : i32
        %add3A_739 = arith.addi %mul3A_154, %add3A_738 : i32
        %add3A_740 = arith.constant 1 : i32
        %add3A_741 = arith.addi %add3A_739, %add3A_740 : i32
        %get3A_742 = arith.index_cast %select_n3A_137 : i32 to index
        %get3A_743 = arith.index_cast %add3A_741 : i32 to index
        %get3A_744 = arith.constant 0 : index
        %get3A_745 = tpu.vector_load %arg7[%get3A_742, %get3A_743, %get3A_744] {strides = array<i32>} : memref<16x100x32xf32, #tpu.memory_space<vmem>>, vector<1x1x16xf32>,
        %get3A_746 = vector.shape_cast %get3A_745 : vector<1x1x16xf32> to vector<16xf32>
        %add3A_747 = arith.addf %add3A_711, %get3A_746 : vector<16xf32>
        %add3A_748 = arith.constant 32 : i32
        %add3A_749 = arith.addi %mul3A_154, %add3A_748 : i32
        %add3A_750 = arith.constant 1 : i32
        %add3A_751 = arith.addi %add3A_749, %add3A_750 : i32
        %get3A_752 = arith.index_cast %select_n3A_137 : i32 to index
        %get3A_753 = arith.index_cast %add3A_751 : i32 to index
        %get3A_754 = arith.constant 16 : index
        %get3A_755 = tpu.vector_load %arg7[%get3A_752, %get3A_753, %get3A_754] {strides = array<i32>} : memref<16x100x32xf32, #tpu.memory_space<vmem>>, vector<1x1x16xf32>,
        %get3A_756 = vector.shape_cast %get3A_755 : vector<1x1x16xf32> to vector<16xf32>
        %add3A_757 = arith.addf %add3A_721, %get3A_756 : vector<16xf32>
        %add3A_758 = arith.constant 34 : i32
        %add3A_759 = arith.addi %mul3A_154, %add3A_758 : i32
        %get3A_760 = arith.index_cast %select_n3A_137 : i32 to index
        %get3A_761 = arith.index_cast %add3A_759 : i32 to index
        %get3A_762 = arith.constant 0 : index
        %get3A_763 = tpu.vector_load %arg7[%get3A_760, %get3A_761, %get3A_762] {strides = array<i32>} : memref<16x100x32xf32, #tpu.memory_space<vmem>>, vector<1x1x16xf32>,
        %get3A_764 = vector.shape_cast %get3A_763 : vector<1x1x16xf32> to vector<16xf32>
        %add3A_765 = arith.addf %add3A_729, %get3A_764 : vector<16xf32>
        %add3A_766 = arith.constant 34 : i32
        %add3A_767 = arith.addi %mul3A_154, %add3A_766 : i32
        %get3A_768 = arith.index_cast %select_n3A_137 : i32 to index
        %get3A_769 = arith.index_cast %add3A_767 : i32 to index
        %get3A_770 = arith.constant 16 : index
        %get3A_771 = tpu.vector_load %arg7[%get3A_768, %get3A_769, %get3A_770] {strides = array<i32>} : memref<16x100x32xf32, #tpu.memory_space<vmem>>, vector<1x1x16xf32>,
        %get3A_772 = vector.shape_cast %get3A_771 : vector<1x1x16xf32> to vector<16xf32>
        %add3A_773 = arith.addf %add3A_737, %get3A_772 : vector<16xf32>
        %add3A_774 = arith.constant 34 : i32
        %add3A_775 = arith.addi %mul3A_154, %add3A_774 : i32
        %add3A_776 = arith.constant 1 : i32
        %add3A_777 = arith.addi %add3A_775, %add3A_776 : i32
        %get3A_778 = arith.index_cast %select_n3A_137 : i32 to index
        %get3A_779 = arith.index_cast %add3A_777 : i32 to index
        %get3A_780 = arith.constant 0 : index
        %get3A_781 = tpu.vector_load %arg7[%get3A_778, %get3A_779, %get3A_780] {strides = array<i32>} : memref<16x100x32xf32, #tpu.memory_space<vmem>>, vector<1x1x16xf32>,
        %get3A_782 = vector.shape_cast %get3A_781 : vector<1x1x16xf32> to vector<16xf32>
        %add3A_783 = arith.addf %add3A_747, %get3A_782 : vector<16xf32>
        %add3A_784 = arith.constant 34 : i32
        %add3A_785 = arith.addi %mul3A_154, %add3A_784 : i32
        %add3A_786 = arith.constant 1 : i32
        %add3A_787 = arith.addi %add3A_785, %add3A_786 : i32
        %get3A_788 = arith.index_cast %select_n3A_137 : i32 to index
        %get3A_789 = arith.index_cast %add3A_787 : i32 to index
        %get3A_790 = arith.constant 16 : index
        %get3A_791 = tpu.vector_load %arg7[%get3A_788, %get3A_789, %get3A_790] {strides = array<i32>} : memref<16x100x32xf32, #tpu.memory_space<vmem>>, vector<1x1x16xf32>,
        %get3A_792 = vector.shape_cast %get3A_791 : vector<1x1x16xf32> to vector<16xf32>
        %add3A_793 = arith.addf %add3A_757, %get3A_792 : vector<16xf32>
        %add3A_794 = arith.constant 36 : i32
        %add3A_795 = arith.addi %mul3A_154, %add3A_794 : i32
        %get3A_796 = arith.index_cast %select_n3A_137 : i32 to index
        %get3A_797 = arith.index_cast %add3A_795 : i32 to index
        %get3A_798 = arith.constant 0 : index
        %get3A_799 = tpu.vector_load %arg7[%get3A_796, %get3A_797, %get3A_798] {strides = array<i32>} : memref<16x100x32xf32, #tpu.memory_space<vmem>>, vector<1x1x16xf32>,
        %get3A_800 = vector.shape_cast %get3A_799 : vector<1x1x16xf32> to vector<16xf32>
        %add3A_801 = arith.addf %add3A_765, %get3A_800 : vector<16xf32>
        %add3A_802 = arith.constant 36 : i32
        %add3A_803 = arith.addi %mul3A_154, %add3A_802 : i32
        %get3A_804 = arith.index_cast %select_n3A_137 : i32 to index
        %get3A_805 = arith.index_cast %add3A_803 : i32 to index
        %get3A_806 = arith.constant 16 : index
        %get3A_807 = tpu.vector_load %arg7[%get3A_804, %get3A_805, %get3A_806] {strides = array<i32>} : memref<16x100x32xf32, #tpu.memory_space<vmem>>, vector<1x1x16xf32>,
        %get3A_808 = vector.shape_cast %get3A_807 : vector<1x1x16xf32> to vector<16xf32>
        %add3A_809 = arith.addf %add3A_773, %get3A_808 : vector<16xf32>
        %add3A_810 = arith.constant 36 : i32
        %add3A_811 = arith.addi %mul3A_154, %add3A_810 : i32
        %add3A_812 = arith.constant 1 : i32
        %add3A_813 = arith.addi %add3A_811, %add3A_812 : i32
        %get3A_814 = arith.index_cast %select_n3A_137 : i32 to index
        %get3A_815 = arith.index_cast %add3A_813 : i32 to index
        %get3A_816 = arith.constant 0 : index
        %get3A_817 = tpu.vector_load %arg7[%get3A_814, %get3A_815, %get3A_816] {strides = array<i32>} : memref<16x100x32xf32, #tpu.memory_space<vmem>>, vector<1x1x16xf32>,
        %get3A_818 = vector.shape_cast %get3A_817 : vector<1x1x16xf32> to vector<16xf32>
        %add3A_819 = arith.addf %add3A_783, %get3A_818 : vector<16xf32>
        %add3A_820 = arith.constant 36 : i32
        %add3A_821 = arith.addi %mul3A_154, %add3A_820 : i32
        %add3A_822 = arith.constant 1 : i32
        %add3A_823 = arith.addi %add3A_821, %add3A_822 : i32
        %get3A_824 = arith.index_cast %select_n3A_137 : i32 to index
        %get3A_825 = arith.index_cast %add3A_823 : i32 to index
        %get3A_826 = arith.constant 16 : index
        %get3A_827 = tpu.vector_load %arg7[%get3A_824, %get3A_825, %get3A_826] {strides = array<i32>} : memref<16x100x32xf32, #tpu.memory_space<vmem>>, vector<1x1x16xf32>,
        %get3A_828 = vector.shape_cast %get3A_827 : vector<1x1x16xf32> to vector<16xf32>
        %add3A_829 = arith.addf %add3A_793, %get3A_828 : vector<16xf32>
        %add3A_830 = arith.constant 38 : i32
        %add3A_831 = arith.addi %mul3A_154, %add3A_830 : i32
        %get3A_832 = arith.index_cast %select_n3A_137 : i32 to index
        %get3A_833 = arith.index_cast %add3A_831 : i32 to index
        %get3A_834 = arith.constant 0 : index
        %get3A_835 = tpu.vector_load %arg7[%get3A_832, %get3A_833, %get3A_834] {strides = array<i32>} : memref<16x100x32xf32, #tpu.memory_space<vmem>>, vector<1x1x16xf32>,
        %get3A_836 = vector.shape_cast %get3A_835 : vector<1x1x16xf32> to vector<16xf32>
        %add3A_837 = arith.addf %add3A_801, %get3A_836 : vector<16xf32>
        %add3A_838 = arith.constant 38 : i32
        %add3A_839 = arith.addi %mul3A_154, %add3A_838 : i32
        %get3A_840 = arith.index_cast %select_n3A_137 : i32 to index
        %get3A_841 = arith.index_cast %add3A_839 : i32 to index
        %get3A_842 = arith.constant 16 : index
        %get3A_843 = tpu.vector_load %arg7[%get3A_840, %get3A_841, %get3A_842] {strides = array<i32>} : memref<16x100x32xf32, #tpu.memory_space<vmem>>, vector<1x1x16xf32>,
        %get3A_844 = vector.shape_cast %get3A_843 : vector<1x1x16xf32> to vector<16xf32>
        %add3A_845 = arith.addf %add3A_809, %get3A_844 : vector<16xf32>
        %add3A_846 = arith.constant 38 : i32
        %add3A_847 = arith.addi %mul3A_154, %add3A_846 : i32
        %add3A_848 = arith.constant 1 : i32
        %add3A_849 = arith.addi %add3A_847, %add3A_848 : i32
        %get3A_850 = arith.index_cast %select_n3A_137 : i32 to index
        %get3A_851 = arith.index_cast %add3A_849 : i32 to index
        %get3A_852 = arith.constant 0 : index
        %get3A_853 = tpu.vector_load %arg7[%get3A_850, %get3A_851, %get3A_852] {strides = array<i32>} : memref<16x100x32xf32, #tpu.memory_space<vmem>>, vector<1x1x16xf32>,
        %get3A_854 = vector.shape_cast %get3A_853 : vector<1x1x16xf32> to vector<16xf32>
        %add3A_855 = arith.addf %add3A_819, %get3A_854 : vector<16xf32>
        %add3A_856 = arith.constant 38 : i32
        %add3A_857 = arith.addi %mul3A_154, %add3A_856 : i32
        %add3A_858 = arith.constant 1 : i32
        %add3A_859 = arith.addi %add3A_857, %add3A_858 : i32
        %get3A_860 = arith.index_cast %select_n3A_137 : i32 to index
        %get3A_861 = arith.index_cast %add3A_859 : i32 to index
        %get3A_862 = arith.constant 16 : index
        %get3A_863 = tpu.vector_load %arg7[%get3A_860, %get3A_861, %get3A_862] {strides = array<i32>} : memref<16x100x32xf32, #tpu.memory_space<vmem>>, vector<1x1x16xf32>,
        %get3A_864 = vector.shape_cast %get3A_863 : vector<1x1x16xf32> to vector<16xf32>
        %add3A_865 = arith.addf %add3A_829, %get3A_864 : vector<16xf32>
        %add3A_866 = arith.constant 40 : i32
        %add3A_867 = arith.addi %mul3A_154, %add3A_866 : i32
        %get3A_868 = arith.index_cast %select_n3A_137 : i32 to index
        %get3A_869 = arith.index_cast %add3A_867 : i32 to index
        %get3A_870 = arith.constant 0 : index
        %get3A_871 = tpu.vector_load %arg7[%get3A_868, %get3A_869, %get3A_870] {strides = array<i32>} : memref<16x100x32xf32, #tpu.memory_space<vmem>>, vector<1x1x16xf32>,
        %get3A_872 = vector.shape_cast %get3A_871 : vector<1x1x16xf32> to vector<16xf32>
        %add3A_873 = arith.addf %add3A_837, %get3A_872 : vector<16xf32>
        %add3A_874 = arith.constant 40 : i32
        %add3A_875 = arith.addi %mul3A_154, %add3A_874 : i32
        %get3A_876 = arith.index_cast %select_n3A_137 : i32 to index
        %get3A_877 = arith.index_cast %add3A_875 : i32 to index
        %get3A_878 = arith.constant 16 : index
        %get3A_879 = tpu.vector_load %arg7[%get3A_876, %get3A_877, %get3A_878] {strides = array<i32>} : memref<16x100x32xf32, #tpu.memory_space<vmem>>, vector<1x1x16xf32>,
        %get3A_880 = vector.shape_cast %get3A_879 : vector<1x1x16xf32> to vector<16xf32>
        %add3A_881 = arith.addf %add3A_845, %get3A_880 : vector<16xf32>
        %add3A_882 = arith.constant 40 : i32
        %add3A_883 = arith.addi %mul3A_154, %add3A_882 : i32
        %add3A_884 = arith.constant 1 : i32
        %add3A_885 = arith.addi %add3A_883, %add3A_884 : i32
        %get3A_886 = arith.index_cast %select_n3A_137 : i32 to index
        %get3A_887 = arith.index_cast %add3A_885 : i32 to index
        %get3A_888 = arith.constant 0 : index
        %get3A_889 = tpu.vector_load %arg7[%get3A_886, %get3A_887, %get3A_888] {strides = array<i32>} : memref<16x100x32xf32, #tpu.memory_space<vmem>>, vector<1x1x16xf32>,
        %get3A_890 = vector.shape_cast %get3A_889 : vector<1x1x16xf32> to vector<16xf32>
        %add3A_891 = arith.addf %add3A_855, %get3A_890 : vector<16xf32>
        %add3A_892 = arith.constant 40 : i32
        %add3A_893 = arith.addi %mul3A_154, %add3A_892 : i32
        %add3A_894 = arith.constant 1 : i32
        %add3A_895 = arith.addi %add3A_893, %add3A_894 : i32
        %get3A_896 = arith.index_cast %select_n3A_137 : i32 to index
        %get3A_897 = arith.index_cast %add3A_895 : i32 to index
        %get3A_898 = arith.constant 16 : index
        %get3A_899 = tpu.vector_load %arg7[%get3A_896, %get3A_897, %get3A_898] {strides = array<i32>} : memref<16x100x32xf32, #tpu.memory_space<vmem>>, vector<1x1x16xf32>,
        %get3A_900 = vector.shape_cast %get3A_899 : vector<1x1x16xf32> to vector<16xf32>
        %add3A_901 = arith.addf %add3A_865, %get3A_900 : vector<16xf32>
        %add3A_902 = arith.constant 42 : i32
        %add3A_903 = arith.addi %mul3A_154, %add3A_902 : i32
        %get3A_904 = arith.index_cast %select_n3A_137 : i32 to index
        %get3A_905 = arith.index_cast %add3A_903 : i32 to index
        %get3A_906 = arith.constant 0 : index
        %get3A_907 = tpu.vector_load %arg7[%get3A_904, %get3A_905, %get3A_906] {strides = array<i32>} : memref<16x100x32xf32, #tpu.memory_space<vmem>>, vector<1x1x16xf32>,
        %get3A_908 = vector.shape_cast %get3A_907 : vector<1x1x16xf32> to vector<16xf32>
        %add3A_909 = arith.addf %add3A_873, %get3A_908 : vector<16xf32>
        %add3A_910 = arith.constant 42 : i32
        %add3A_911 = arith.addi %mul3A_154, %add3A_910 : i32
        %get3A_912 = arith.index_cast %select_n3A_137 : i32 to index
        %get3A_913 = arith.index_cast %add3A_911 : i32 to index
        %get3A_914 = arith.constant 16 : index
        %get3A_915 = tpu.vector_load %arg7[%get3A_912, %get3A_913, %get3A_914] {strides = array<i32>} : memref<16x100x32xf32, #tpu.memory_space<vmem>>, vector<1x1x16xf32>,
        %get3A_916 = vector.shape_cast %get3A_915 : vector<1x1x16xf32> to vector<16xf32>
        %add3A_917 = arith.addf %add3A_881, %get3A_916 : vector<16xf32>
        %add3A_918 = arith.constant 42 : i32
        %add3A_919 = arith.addi %mul3A_154, %add3A_918 : i32
        %add3A_920 = arith.constant 1 : i32
        %add3A_921 = arith.addi %add3A_919, %add3A_920 : i32
        %get3A_922 = arith.index_cast %select_n3A_137 : i32 to index
        %get3A_923 = arith.index_cast %add3A_921 : i32 to index
        %get3A_924 = arith.constant 0 : index
        %get3A_925 = tpu.vector_load %arg7[%get3A_922, %get3A_923, %get3A_924] {strides = array<i32>} : memref<16x100x32xf32, #tpu.memory_space<vmem>>, vector<1x1x16xf32>,
        %get3A_926 = vector.shape_cast %get3A_925 : vector<1x1x16xf32> to vector<16xf32>
        %add3A_927 = arith.addf %add3A_891, %get3A_926 : vector<16xf32>
        %add3A_928 = arith.constant 42 : i32
        %add3A_929 = arith.addi %mul3A_154, %add3A_928 : i32
        %add3A_930 = arith.constant 1 : i32
        %add3A_931 = arith.addi %add3A_929, %add3A_930 : i32
        %get3A_932 = arith.index_cast %select_n3A_137 : i32 to index
        %get3A_933 = arith.index_cast %add3A_931 : i32 to index
        %get3A_934 = arith.constant 16 : index
        %get3A_935 = tpu.vector_load %arg7[%get3A_932, %get3A_933, %get3A_934] {strides = array<i32>} : memref<16x100x32xf32, #tpu.memory_space<vmem>>, vector<1x1x16xf32>,
        %get3A_936 = vector.shape_cast %get3A_935 : vector<1x1x16xf32> to vector<16xf32>
        %add3A_937 = arith.addf %add3A_901, %get3A_936 : vector<16xf32>
        %add3A_938 = arith.constant 44 : i32
        %add3A_939 = arith.addi %mul3A_154, %add3A_938 : i32
        %get3A_940 = arith.index_cast %select_n3A_137 : i32 to index
        %get3A_941 = arith.index_cast %add3A_939 : i32 to index
        %get3A_942 = arith.constant 0 : index
        %get3A_943 = tpu.vector_load %arg7[%get3A_940, %get3A_941, %get3A_942] {strides = array<i32>} : memref<16x100x32xf32, #tpu.memory_space<vmem>>, vector<1x1x16xf32>,
        %get3A_944 = vector.shape_cast %get3A_943 : vector<1x1x16xf32> to vector<16xf32>
        %add3A_945 = arith.addf %add3A_909, %get3A_944 : vector<16xf32>
        %add3A_946 = arith.constant 44 : i32
        %add3A_947 = arith.addi %mul3A_154, %add3A_946 : i32
        %get3A_948 = arith.index_cast %select_n3A_137 : i32 to index
        %get3A_949 = arith.index_cast %add3A_947 : i32 to index
        %get3A_950 = arith.constant 16 : index
        %get3A_951 = tpu.vector_load %arg7[%get3A_948, %get3A_949, %get3A_950] {strides = array<i32>} : memref<16x100x32xf32, #tpu.memory_space<vmem>>, vector<1x1x16xf32>,
        %get3A_952 = vector.shape_cast %get3A_951 : vector<1x1x16xf32> to vector<16xf32>
        %add3A_953 = arith.addf %add3A_917, %get3A_952 : vector<16xf32>
        %add3A_954 = arith.constant 44 : i32
        %add3A_955 = arith.addi %mul3A_154, %add3A_954 : i32
        %add3A_956 = arith.constant 1 : i32
        %add3A_957 = arith.addi %add3A_955, %add3A_956 : i32
        %get3A_958 = arith.index_cast %select_n3A_137 : i32 to index
        %get3A_959 = arith.index_cast %add3A_957 : i32 to index
        %get3A_960 = arith.constant 0 : index
        %get3A_961 = tpu.vector_load %arg7[%get3A_958, %get3A_959, %get3A_960] {strides = array<i32>} : memref<16x100x32xf32, #tpu.memory_space<vmem>>, vector<1x1x16xf32>,
        %get3A_962 = vector.shape_cast %get3A_961 : vector<1x1x16xf32> to vector<16xf32>
        %add3A_963 = arith.addf %add3A_927, %get3A_962 : vector<16xf32>
        %add3A_964 = arith.constant 44 : i32
        %add3A_965 = arith.addi %mul3A_154, %add3A_964 : i32
        %add3A_966 = arith.constant 1 : i32
        %add3A_967 = arith.addi %add3A_965, %add3A_966 : i32
        %get3A_968 = arith.index_cast %select_n3A_137 : i32 to index
        %get3A_969 = arith.index_cast %add3A_967 : i32 to index
        %get3A_970 = arith.constant 16 : index
        %get3A_971 = tpu.vector_load %arg7[%get3A_968, %get3A_969, %get3A_970] {strides = array<i32>} : memref<16x100x32xf32, #tpu.memory_space<vmem>>, vector<1x1x16xf32>,
        %get3A_972 = vector.shape_cast %get3A_971 : vector<1x1x16xf32> to vector<16xf32>
        %add3A_973 = arith.addf %add3A_937, %get3A_972 : vector<16xf32>
        %add3A_974 = arith.constant 46 : i32
        %add3A_975 = arith.addi %mul3A_154, %add3A_974 : i32
        %get3A_976 = arith.index_cast %select_n3A_137 : i32 to index
        %get3A_977 = arith.index_cast %add3A_975 : i32 to index
        %get3A_978 = arith.constant 0 : index
        %get3A_979 = tpu.vector_load %arg7[%get3A_976, %get3A_977, %get3A_978] {strides = array<i32>} : memref<16x100x32xf32, #tpu.memory_space<vmem>>, vector<1x1x16xf32>,
        %get3A_980 = vector.shape_cast %get3A_979 : vector<1x1x16xf32> to vector<16xf32>
        %add3A_981 = arith.addf %add3A_945, %get3A_980 : vector<16xf32>
        %add3A_982 = arith.constant 46 : i32
        %add3A_983 = arith.addi %mul3A_154, %add3A_982 : i32
        %get3A_984 = arith.index_cast %select_n3A_137 : i32 to index
        %get3A_985 = arith.index_cast %add3A_983 : i32 to index
        %get3A_986 = arith.constant 16 : index
        %get3A_987 = tpu.vector_load %arg7[%get3A_984, %get3A_985, %get3A_986] {strides = array<i32>} : memref<16x100x32xf32, #tpu.memory_space<vmem>>, vector<1x1x16xf32>,
        %get3A_988 = vector.shape_cast %get3A_987 : vector<1x1x16xf32> to vector<16xf32>
        %add3A_989 = arith.addf %add3A_953, %get3A_988 : vector<16xf32>
        %add3A_990 = arith.constant 46 : i32
        %add3A_991 = arith.addi %mul3A_154, %add3A_990 : i32
        %add3A_992 = arith.constant 1 : i32
        %add3A_993 = arith.addi %add3A_991, %add3A_992 : i32
        %get3A_994 = arith.index_cast %select_n3A_137 : i32 to index
        %get3A_995 = arith.index_cast %add3A_993 : i32 to index
        %get3A_996 = arith.constant 0 : index
        %get3A_997 = tpu.vector_load %arg7[%get3A_994, %get3A_995, %get3A_996] {strides = array<i32>} : memref<16x100x32xf32, #tpu.memory_space<vmem>>, vector<1x1x16xf32>,
        %get3A_998 = vector.shape_cast %get3A_997 : vector<1x1x16xf32> to vector<16xf32>
        %add3A_999 = arith.addf %add3A_963, %get3A_998 : vector<16xf32>
        %add3A_1000 = arith.constant 46 : i32
        %add3A_1001 = arith.addi %mul3A_154, %add3A_1000 : i32
        %add3A_1002 = arith.constant 1 : i32
        %add3A_1003 = arith.addi %add3A_1001, %add3A_1002 : i32
        %get3A_1004 = arith.index_cast %select_n3A_137 : i32 to index
        %get3A_1005 = arith.index_cast %add3A_1003 : i32 to index
        %get3A_1006 = arith.constant 16 : index
        %get3A_1007 = tpu.vector_load %arg7[%get3A_1004, %get3A_1005, %get3A_1006] {strides = array<i32>} : memref<16x100x32xf32, #tpu.memory_space<vmem>>, vector<1x1x16xf32>,
        %get3A_1008 = vector.shape_cast %get3A_1007 : vector<1x1x16xf32> to vector<16xf32>
        %add3A_1009 = arith.addf %add3A_973, %get3A_1008 : vector<16xf32>
        %add3A_1010 = arith.constant 48 : i32
        %add3A_1011 = arith.addi %mul3A_154, %add3A_1010 : i32
        %get3A_1012 = arith.index_cast %select_n3A_137 : i32 to index
        %get3A_1013 = arith.index_cast %add3A_1011 : i32 to index
        %get3A_1014 = arith.constant 0 : index
        %get3A_1015 = tpu.vector_load %arg7[%get3A_1012, %get3A_1013, %get3A_1014] {strides = array<i32>} : memref<16x100x32xf32, #tpu.memory_space<vmem>>, vector<1x1x16xf32>,
        %get3A_1016 = vector.shape_cast %get3A_1015 : vector<1x1x16xf32> to vector<16xf32>
        %add3A_1017 = arith.addf %add3A_981, %get3A_1016 : vector<16xf32>
        %add3A_1018 = arith.constant 48 : i32
        %add3A_1019 = arith.addi %mul3A_154, %add3A_1018 : i32
        %get3A_1020 = arith.index_cast %select_n3A_137 : i32 to index
        %get3A_1021 = arith.index_cast %add3A_1019 : i32 to index
        %get3A_1022 = arith.constant 16 : index
        %get3A_1023 = tpu.vector_load %arg7[%get3A_1020, %get3A_1021, %get3A_1022] {strides = array<i32>} : memref<16x100x32xf32, #tpu.memory_space<vmem>>, vector<1x1x16xf32>,
        %get3A_1024 = vector.shape_cast %get3A_1023 : vector<1x1x16xf32> to vector<16xf32>
        %add3A_1025 = arith.addf %add3A_989, %get3A_1024 : vector<16xf32>
        %add3A_1026 = arith.constant 48 : i32
        %add3A_1027 = arith.addi %mul3A_154, %add3A_1026 : i32
        %add3A_1028 = arith.constant 1 : i32
        %add3A_1029 = arith.addi %add3A_1027, %add3A_1028 : i32
        %get3A_1030 = arith.index_cast %select_n3A_137 : i32 to index
        %get3A_1031 = arith.index_cast %add3A_1029 : i32 to index
        %get3A_1032 = arith.constant 0 : index
        %get3A_1033 = tpu.vector_load %arg7[%get3A_1030, %get3A_1031, %get3A_1032] {strides = array<i32>} : memref<16x100x32xf32, #tpu.memory_space<vmem>>, vector<1x1x16xf32>,
        %get3A_1034 = vector.shape_cast %get3A_1033 : vector<1x1x16xf32> to vector<16xf32>
        %add3A_1035 = arith.addf %add3A_999, %get3A_1034 : vector<16xf32>
        %add3A_1036 = arith.constant 48 : i32
        %add3A_1037 = arith.addi %mul3A_154, %add3A_1036 : i32
        %add3A_1038 = arith.constant 1 : i32
        %add3A_1039 = arith.addi %add3A_1037, %add3A_1038 : i32
        %get3A_1040 = arith.index_cast %select_n3A_137 : i32 to index
        %get3A_1041 = arith.index_cast %add3A_1039 : i32 to index
        %get3A_1042 = arith.constant 16 : index
        %get3A_1043 = tpu.vector_load %arg7[%get3A_1040, %get3A_1041, %get3A_1042] {strides = array<i32>} : memref<16x100x32xf32, #tpu.memory_space<vmem>>, vector<1x1x16xf32>,
        %get3A_1044 = vector.shape_cast %get3A_1043 : vector<1x1x16xf32> to vector<16xf32>
        %add3A_1045 = arith.addf %add3A_1009, %get3A_1044 : vector<16xf32>
        %add3A_1046 = arith.addf %add3A_1017, %add3A_1035 : vector<16xf32>
        %mul3A_1047 = arith.constant 32 : i32
        %mul3A_1048 = arith.muli %scan3A_113, %mul3A_1047 : i32
        %swap3A = arith.index_cast %mul3A_1048 : i32 to index
        %swap3A_1049 = tpu.vector_load %arg8[%swap3A] {strides = array<i32>} : memref<1024xf32, #tpu.memory_space<vmem>>, vector<16xf32>,
        %swap3A_1050 = vector.shape_cast %swap3A_1049 : vector<16xf32> to vector<16xf32>
        %swap3A_1051 = vector.shape_cast %add3A_1046 : vector<16xf32> to vector<16xf32>
        tpu.vector_store %arg8[%swap3A], %swap3A_1051 {strides = array<i32>} : memref<1024xf32, #tpu.memory_space<vmem>>, vector<16xf32>,
        %add3A_1052 = arith.addf %add3A_1025, %add3A_1045 : vector<16xf32>
        %mul3A_1053 = arith.constant 32 : i32
        %mul3A_1054 = arith.muli %scan3A_113, %mul3A_1053 : i32
        %add3A_1055 = arith.constant 16 : i32
        %add3A_1056 = arith.addi %mul3A_1054, %add3A_1055 : i32
        %swap3A_1057 = arith.index_cast %add3A_1056 : i32 to index
        %swap3A_1058 = tpu.vector_load %arg8[%swap3A_1057] {strides = array<i32>} : memref<1024xf32, #tpu.memory_space<vmem>>, vector<16xf32>,
        %swap3A_1059 = vector.shape_cast %swap3A_1058 : vector<16xf32> to vector<16xf32>
        %swap3A_1060 = vector.shape_cast %add3A_1052 : vector<16xf32> to vector<16xf32>
        tpu.vector_store %arg8[%swap3A_1057], %swap3A_1060 {strides = array<i32>} : memref<1024xf32, #tpu.memory_space<vmem>>, vector<16xf32>,
      }
      %scan3A_107 = arith.constant 32 : i32
      %mul3A_108 = arith.constant 32 : i32
      %mul3A_109 = arith.muli %add3A_101, %mul3A_108 : i32
      %add3A_110 = arith.addi %mul3A_2, %mul3A_109 : i32
      %mul3A_111 = arith.constant 32 : i32
      %mul3A_112 = arith.muli %add3A_110, %mul3A_111 : i32
      "tpu.region"() ({
        %run_scoped3A_113 = tpu.sem_alloc : memref<!tpu.dma_semaphore, #tpu.memory_space<semaphore_mem>>
        %dma_start3A = tpu.memref_slice %arg4[%mul3A_112] : memref<524288xf32, #tpu.memory_space<hbm>> -> memref<1024xf32, #tpu.memory_space<hbm>>
        %dma_start3A_114 = tpu.memref_slice %arg4[%mul3A_112] : memref<524288xf32, #tpu.memory_space<hbm>> -> memref<1024xf32, #tpu.memory_space<hbm>>
        tpu.enqueue_dma source(%arg8 : memref<1024xf32, #tpu.memory_space<vmem>>) target(%dma_start3A_114 : memref<1024xf32, #tpu.memory_space<hbm>>) target_semaphore(%run_scoped3A_113 : memref<!tpu.dma_semaphore, #tpu.memory_space<semaphore_mem>>)
        %dma_wait3A = tpu.memref_slice %arg4[%mul3A_112] : memref<524288xf32, #tpu.memory_space<hbm>> -> memref<1024xf32, #tpu.memory_space<hbm>>
        %dma_wait3A_115 = tpu.memref_slice %arg4[%mul3A_112] : memref<524288xf32, #tpu.memory_space<hbm>> -> memref<1024xf32, #tpu.memory_space<hbm>>
        tpu.wait_dma2 semaphore(%run_scoped3A_113 : memref<!tpu.dma_semaphore, #tpu.memory_space<semaphore_mem>>) src(%arg8 : memref<1024xf32, #tpu.memory_space<vmem>>) dst(%dma_wait3A_115 : memref<1024xf32, #tpu.memory_space<hbm>>)
        tpu.yield
      }) : () -> ()
    }
    %scan3A_33 = arith.constant 8 : i32
    return
  }
}

</mosaic_0001>

<sc_bundles>
// kernel: kernel.3.cloned.1.call-start
scs
__scs_entry_jumppad:
0x0: {  	(pc) =	sbr.rel $0x88, $3  }
0x1: {  	(tag) =	ssettag $0x0;
	lr =	simm.s32 $0x1  }
0x2: {  	[smem:$0x3F9F] =	sst lr;
	_ =	strace $0xD0000000  }
0x3: {  	_ = 	snop  }
0x4: {  	_ = 	snop  }
0x5: {  	_ = 	snop  }
0x6: {  	_ = 	snop  }
0x7: {  	_ = 	snop  }
__scs_overlays_trampoline_lowered:
0x8: {  	[smem:$0x3FAE] =	sst s0  }
0x9: {  	[smem:$0x3FAF] =	sst s1  }
0xa: {  	[smem:$0x3FB0] =	sst s2  }
0xb: {  	[smem:$0x3FB1] =	sst s3  }
0xc: {  	[smem:$0x3FB2] =	sst s4  }
0xd: {  	[smem:$0x3FB3] =	sst s5  }
0xe: {  	[smem:$0x3FB4] =	sst s6  }
0xf: {  	[smem:$0x3FB5] =	sst s7  }
0x10: {  	[smem:$0x3FB6] =	sst s8  }
0x11: {  	[smem:$0x3FB7] =	sst s9;
	s0 =	simm.s32 @!p0 $0x0  }
0x12: {  	s1 =	sld [smem:$0x3F9D];
	s0 =	simm.s32 @p0 $0x1  }
0x13: {  	[smem:$0x3FB8] =	sst s0;
	s0 =	simm.s32 @!p1 $0x0  }
0x14: {  	s2 =	sld [smem:$0x3F9C];
	s0 =	simm.s32 @p1 $0x1  }
0x15: {  	[smem:$0x3FB9] =	sst s0;
	s0 =	simm.s32 @!p2 $0x0  }
0x16: {  	s3 =	sld [smem:$0x3FDB];
	s0 =	simm.s32 @p2 $0x1  }
0x17: {  	s4 =	simm.s32 $0x1BF5;
	[smem:$0x3FBB] =	sst s0  }
0x18: {  	s0 =	sld [smem:$0x3F9E];
	_ =	swait.ge [sflag:s4], $0x0  }
0x19: {  	s7 =	sld [smem:$0x3F9F]  }
0x1a: {  	s8 =	sadd.s32 $0xFFFFE003, lr  }
0x1b: {  	s9 =	sadd.s32 $0xFFFFFEF7, lr;
	s5 =	simm.s32 $0xFFFFFFFF;
	p2 =	slt.u32 s8, $0xFFFFF086  }
0x1c: {  	p1 =	slt.u32 s9, $0xF7A;
	s5 =	simm.s32 @!p2 $0x0  }
0x1d: {  	s5 =	simm.s32 @p1 $0x1;
	p0 =	seq.s32 s7, s2  }
0x1e: {  	s7 =	smul.u32 @!p0 $0xF7A, s2;
	p2 =	seq.s32 @!p0 s5, $0x0  }
0x1f: {  	s9 =	smul.u32 $0xF7A, s1;
	s8 =	simm.s32 @!p0 $0x1BF5;
	p2 =	por !p2, p0  }
0x20: {  	[sflag:s8] =	ssyncset.s32 @!p0 $0xFFFFF086;
	s6 =	sadd.s32 @!p0 s3, s7;
	s7 =	simm.s32 @!p0 $0x108  }
0x21: {  	s3 =	sadd.s32 s3, s9;
	s6 =	sadd.s32 @!p0 $0x88, s6;
	s7 =	simm.s32 @p2 $0x1082  }
0x22: {  	[simem:s7], [sflag:s8] =	dma.local @!p0 [hbm:s6], $0xF7A  }
0x23: {  	s9 =	sor.u32 $0xD0000000, s2;
	s6 =	simm.s32 $0x108;
	_ =	swait.ge @!p0 [sflag:s8], $0x0  }
0x24: {  	s3 =	sadd.s32 $0x88, s3;
	s6 =	simm.s32 @!p1 $0x1082;
	[sflag:s4] =	ssyncset.s32 $0xFFFFF086  }
0x25: {  	[simem:s6], [sflag:s4] =	dma.local [hbm:s3], $0xF7A  }
0x26: {  	[smem:$0x3F9F] =	sst s1;
	(tag) =	ssettag s2;
	_ =	strace s9  }
0x27: {  	s1 =	sld [smem:$0x3FAF]  }
0x28: {  	s2 =	sld [smem:$0x3FB0]  }
0x29: {  	s4 =	sld [smem:$0x3FB2]  }
0x2a: {  	p0 =	seq.s32 s5, $0x0;
	s5 =	sld [smem:$0x3FB3]  }
0x2b: {  	s6 =	sld [smem:$0x3FB4]  }
0x2c: {  	s7 =	sld [smem:$0x3FB5]  }
0x2d: {  	s3 =	simm.s32 $0x108;
	s8 =	sld [smem:$0x3FB6]  }
0x2e: {  	s3 =	simm.s32 @!p0 $0x1082;
	s9 =	sld [smem:$0x3FB7]  }
0x2f: {  	lr =	sadd.s32 s0, s3;
	s0 =	sld [smem:$0x3FAE]  }
0x30: {  	s3 =	sld [smem:$0x3FB1]  }
0x31: {  	[smem:$0x3FBA] =	sst s10  }
0x32: {  	s10 =	sld [smem:$0x3FB8];
	_ =	sdelay $0x3  }
0x33: {  	p0 =	seq.s32 s10, $0x1;
	s10 =	sld [smem:$0x3FBA];
	_ =	sdelay $0x3  }
0x34: {  	[smem:$0x3FBA] =	sst s10  }
0x35: {  	s10 =	sld [smem:$0x3FB9];
	_ =	sdelay $0x3  }
0x36: {  	p1 =	seq.s32 s10, $0x1;
	s10 =	sld [smem:$0x3FBA];
	_ =	sdelay $0x3  }
0x37: {  	[smem:$0x3FBA] =	sst s10  }
0x38: {  	s10 =	sld [smem:$0x3FBB]  }
0x39: {  	_ = 	snop;
	(pc) =	sbr.ind lr, $3  }
0x3a: {  	_ = 	snop  }
0x3b: {  	_ = 	snop  }
0x3c: {  	p2 =	seq.s32 s10, $0x1;
	s10 =	sld [smem:$0x3FBA]  }
0x3d: {  	_ =	shalt  }
0x3e: {  	_ =	shalt  }
0x3f: {  	_ =	shalt  }
0x40: {  	_ =	shalt  }
0x41: {  	_ =	shalt  }
0x42: {  	_ =	shalt  }
0x43: {  	_ =	shalt  }
0x44: {  	_ =	shalt  }
0x45: {  	_ =	shalt  }
0x46: {  	_ =	shalt  }
0x47: {  	_ =	shalt  }
0x48: {  	_ =	shalt  }
0x49: {  	_ =	shalt  }
0x4a: {  	_ =	shalt  }
0x4b: {  	_ =	shalt  }
0x4c: {  	_ =	shalt  }
0x4d: {  	_ =	shalt  }
0x4e: {  	_ =	shalt  }
0x4f: {  	_ =	shalt  }
0x50: {  	_ =	shalt  }
0x51: {  	_ =	shalt  }
0x52: {  	_ =	shalt  }
0x53: {  	_ =	shalt  }
0x54: {  	_ =	shalt  }
0x55: {  	_ =	shalt  }
0x56: {  	_ =	shalt  }
0x57: {  	_ =	shalt  }
0x58: {  	_ =	shalt  }
0x59: {  	_ =	shalt  }
0x5a: {  	_ =	shalt  }
0x5b: {  	_ =	shalt  }
0x5c: {  	_ =	shalt  }
0x5d: {  	_ =	shalt  }
0x5e: {  	_ =	shalt  }
0x5f: {  	_ =	shalt  }
0x60: {  	_ =	shalt  }
0x61: {  	_ =	shalt  }
0x62: {  	_ =	shalt  }
0x63: {  	_ =	shalt  }
0x64: {  	_ =	shalt  }
0x65: {  	_ =	shalt  }
0x66: {  	_ =	shalt  }
0x67: {  	_ =	shalt  }
0x68: {  	_ =	shalt  }
0x69: {  	_ =	shalt  }
0x6a: {  	_ =	shalt  }
0x6b: {  	_ =	shalt  }
0x6c: {  	_ =	shalt  }
0x6d: {  	_ =	shalt  }
0x6e: {  	_ =	shalt  }
0x6f: {  	_ =	shalt  }
0x70: {  	_ =	shalt  }
0x71: {  	_ =	shalt  }
0x72: {  	_ =	shalt  }
0x73: {  	_ =	shalt  }
0x74: {  	_ =	shalt  }
0x75: {  	_ =	shalt  }
0x76: {  	_ =	shalt  }
0x77: {  	_ =	shalt  }
0x78: {  	_ =	shalt  }
0x79: {  	_ =	shalt  }
0x7a: {  	_ =	shalt  }
0x7b: {  	_ =	shalt  }
0x7c: {  	_ =	shalt  }
0x7d: {  	_ =	shalt  }
0x7e: {  	_ =	shalt  }
0x7f: {  	_ =	shalt  }
0x80: {  	_ =	shalt  }
0x81: {  	_ =	shalt  }
0x82: {  	_ =	shalt  }
0x83: {  	_ =	shalt  }
0x84: {  	_ =	shalt  }
0x85: {  	_ =	shalt  }
0x86: {  	_ =	shalt  }
0x87: {  	_ =	shalt  }
.Lfunc_end0:
.L_simem_size_0:
called_computation_lowered:
.L_overlay_start_0:
0x88: {  	s2 =	sld [smem:$0x3FD9]  }
0x89: {  	s3 =	sld [smem:$0x3FFE];
	_ =	sdelay $0x1  }
0x8a: {  	s1 =	srdreg.scid  }
0x8b: {  	s0 =	sand.u32 $0x1, s1  }
0x8c: {  	s17 =	sshll.u32 s0, $0xA;
	s2 =	sadd.s32 s3, s2  }
0x8d: {  	s2 =	sadd.s32 s2, s17  }
0x8e: {  	[smem:$0x3FC6] =	sst s2  }
0x8f: {  	_ = 	snop  }
0x90: {  	s2 =	sld [smem:$0x3FD0];
	(tm) =	ssettm $0x1  }
0x91: {  	s18 =	sld [smem:$0x3FFB];
	_ =	sdelay $0x3  }
0x92: {  	_ =	strace s18  }
0x93: {  	s3 =	sld [smem:$0x3FFC];
	_ =	sdelay $0x3  }
0x94: {  	_ =	strace s3  }
0x95: {  	s3 =	sld [smem:$0x3FFD];
	_ =	sdelay $0x3  }
0x96: {  	_ =	strace s3  }
0x97: {  	_ =	strace $0x8FFFFFFF  }
0x98: {  	s19 =	sld [smem:$0x3FDB];
	_ =	sdelay $0x1  }
0x99: {  	s4 =	simm.s32 $_scs_section_size  }
0x9a: {  	s5 =	simm.s32 $_size__tile_overlayer_lowered;
	s6 =	simm.s32 $_tile_overlayer_lowered  }
0x9b: {  	s22 =	simm.s32 $0x1BFF;
	s21 =	sshll.u32 s6, $0x1;
	s3 =	sadd.s32 s4, s19  }
0x9c: {  	s7 =	simm.s32 $0x0;
	s20 =	sshll.u32 s5, $0x1;
	s5 =	sadd.s32 s21, s3  }
0x9d: {  	[timem:s7], [sflag:s22] =	dma.local [hbm:s5], s20  }
0x9e: {  	_ =	swait.ge [sflag:s22], s20  }
0x9f: {  	s4 =	ssub.s32 $0x0, s20;
	[sflag:s22] =	ssyncset.done $0x0  }
0xa0: {  	[sflag:s22] =	ssyncadd.s32 s4;
	_ =	sdelay $0x1  }
0xa1: {  	s23 =	simm.s32 $0x1B8B  }
0xa2: {  	_ =	swait.ge [sflag:s23], $0x1  }
0xa3: {  	[sflag:s23] =	ssyncset.done $0x0  }
0xa4: {  	s25 =	simm.s32 $0x1B8E;
	s24 =	sld [smem:$0x3FFE];
	[sflag:s23] =	ssyncadd.s32 $0xFFFFFFFF  }
0xa5: {  	s26 =	simm.s32 $execute0_lowered;
	[smem:$0x3FD2] =	sst s25  }
0xa6: {  	s5 =	sshll.u32 s26, $0x1;
	_ =	strace $0x80000046;
	[dreg:$0x1] =	wrdreg $0xFFFFFFFF  }
0xa7: {  	s28 =	simm.s32 $_size_execute0_lowered;
	s3 =	sadd.s32 s3, s5;
	[dreg:$0x0] =	wrdreg $0x0  }
0xa8: {  	s5 =	sshll.u32 s28, $0x1;
	[dreg:$0x2] =	wrdreg s3  }
0xa9: {  	[dreg:$0x3] =	wrdreg s5  }
0xaa: {  	[dreg:$0x4] =	wrdreg $0xC0  }
0xab: {  	_ =	task [dreg:s7], $0x5FFFF  }
0xac: {  	[dreg:$0x1] =	wrdreg $0xFFFFFFFF  }
0xad: {  	[dreg:$0x0] =	wrdreg $0x60  }
0xae: {  	[dreg:$0x2] =	wrdreg s24  }
0xaf: {  	[dreg:$0x3] =	wrdreg s2  }
0xb0: {  	[dreg:$0x4] =	wrdreg $0x9  }
0xb1: {  	_ =	task.clear_ibuf [dreg:s7], $0x5FFFF;
	_ =	strace $0x90000046  }
0xb2: {  	s29 =	simm.s32 $0x9;
	_ =	strace $0x80000048  }
0xb3: {  	_ =	swait.ge [sflag:s29], $0x1  }
0xb4: {  	[sflag:s29] =	ssyncadd.s32 $0xFFFFFFFF  }
0xb5: {  	_ =	strace $0x90000048  }
0xb6: {  	_ =	sfence  }
0xb7: {  	s30 =	sld [smem:$0x0];
	_ =	sdelay $0x2  }
0xb8: {  	s31 =	sshll.u32 s1, $0xD;
	s1 =	sshrl.u32 s1, $0x2  }
0xb9: {  	s3 =	sand.u32 $0x4000, s31;
	s1 =	sadd.s32 s1, s30  }
0xba: {  	s0 =	sor.u32 s3, s0;
	s1 =	sshll.u32 s1, $0x11  }
0xbb: {  	s0 =	sor.u32 s1, s0  }
0xbc: {  	s0 =	sadd.s32 $0x8F2B, s0  }
0xbd: {  	[sflag:s0] =	ssyncadd.remote.s32 $0x1  }
0xbe: {  	_ =	sfence.sel $0xFFFF  }
0xbf: {  	[dreg:$0x0] =	wrdreg $0xFFFFFFFF;
	(pc) =	sbr.abs _section_cstart, $3  }
0xc0: {  	[dreg:$0x1] =	wrdreg $0xFFFFFFFF  }
0xc1: {  	_ =	task.clear_ibuf [dreg:s7], $0x2FFFF;
	_ =	strace $0x9FFFFFFF  }
0xc2: {  	(tm) =	ssettm $0x7FFFFFFF  }
0xc3: {  	_ =	shalt  }
tec
execute0_lowered:
.L_overlay_start_1:
0x0: {  	(tag) =	ssettag $0x1  }
0x1: {  	s0 =	rddreg [dreg:$0x0]  }
0x2: {  	s8 =	rddreg [dreg:$0x1]  }
0x3: {  	s3 =	simm.s32 $0x0;
	s1 =	srdreg.scid;
	s2 =	stileid.u32  }
0x4: {  	s11 =	simm.s32 $0x3;
	s12 =	simm.s32 $0x64;
	s9 =	simm.s32 $0x15200  }
0x5: {  	s28 =	simm.s32 $0x16B00;
	s29 =	simm.s32 $0xBC8;
	s30 =	simm.s32 $0x17780  }
0x6: {  	s31 =	simm.s32 $0xC30;
	s13 =	simm.s32 $0x19080;
	s14 =	simm.s32 $0x1  }
0x7: {  	s15 =	simm.s32 $0x19D00;
	s16 =	simm.s32 $0x2;
	s18 =	simm.s32 $0x0  }
0x8: {  	[smem:$0x7FF] =	sst s3;
	s1 =	sand.u32 $0x1, s1;
	s2 =	sshll.u32 s2, $0x1  }
0x9: {  	s4 =	sadd.s32 $0x600, s0;
	s5 =	sadd.s32 $0xF42A00, s0;
	s6 =	ssub.s32 $0x2, s1  }
0xa: {  	_ =	strace $0x80000047;
	s1 =	sor.u32 s1, s2;
	s23 =	sshrl.u32 s6, $0x1  }
0xb: {  	s7 =	smul.u32 $0xD00, s1;
	s25 =	sshll.u32 s1, $0xB;
	s1 =	sshll.u32 s1, $0x9  }
0xc: {  	s2 =	simm.s32 $0xAF8;
	s24 =	ssub.s32 s6, s23;
	s10 =	sor.u32 $0x20, s1  }
0xd: {  	s6 =	simm.s32 $0xA90;
	s26 =	sadd.s32 s4, s7;
	s7 =	sadd.s32 s8, s25  }
0xe: {  	s8 =	sor.u32 $0x40, s1;
	s0 =	smax.u32 s24, $0x1;
	s24 =	simm.s32 $0x680  }
0xf: {  	s25 =	simm.s32 $0x15E80;
	s1 =	simm.s32 $0xC98;
	[dreg:$0x3] =	wrdreg s26  }
0x10: {  	[dreg:$0x4] =	wrdreg s0;
	s26 =	simm.s32 $0xB60;
	s0 =	simm.s32 $0x18400  }
.LBB2_1:
0x11: {  	[dreg:$0x5] =	wrdreg s18  }
0x12: {  	s17 =	rddreg [dreg:$0x3]  }
0x13: {  	[tilespmem:s3], [sflag:$0x3] =	stream.linear.gather [hbm4b:s17+s3], $0x680, $0x38;
	[tilespmem:$0x1A100] =	vst v63  }
0x14: {  	_ =	swait.ge [sflag:s11], $0x680  }
0x15: {  	[sflag:s11] =	ssyncset.done $0x0  }
0x16: {  	s23 =	simm.s32 $0xD00;
	[sflag:s11] =	ssyncadd.s32 $0xFFFFF980  }
0x17: {  	[tilespmem:s23], [sflag:$0x1] =	stream.indirect.gather [hbm4b:s5+s12], $0x20, s3, s12, $0xb8;
	[tilespmem:$0x1A100] =	vst v63  }
0x18: {  	s18 =	simm.s32 $0x68;
	s19 =	simm.s32 $0x1980  }
0x19: {  	[tilespmem:s19], [sflag:$0x1] =	stream.indirect.gather [hbm4b:s5+s12], $0x20, s18, s12, $0xb8;
	[tilespmem:$0x1A100] =	vst v63  }
0x1a: {  	s20 =	simm.s32 $0xD0;
	s21 =	simm.s32 $0x2600  }
0x1b: {  	[tilespmem:s21], [sflag:$0x1] =	stream.indirect.gather [hbm4b:s5+s12], $0x20, s20, s12, $0xb8;
	[tilespmem:$0x1A100] =	vst v63  }
0x1c: {  	s22 =	simm.s32 $0x138;
	s23 =	simm.s32 $0x3280  }
0x1d: {  	[tilespmem:s23], [sflag:$0x1] =	stream.indirect.gather [hbm4b:s5+s12], $0x20, s22, s12, $0xb8;
	[tilespmem:$0x1A100] =	vst v63  }
0x1e: {  	s18 =	simm.s32 $0x1A0;
	s19 =	simm.s32 $0x3F00  }
0x1f: {  	[tilespmem:s19], [sflag:$0x1] =	stream.indirect.gather [hbm4b:s5+s12], $0x20, s18, s12, $0xb8;
	[tilespmem:$0x1A100] =	vst v63  }
0x20: {  	s20 =	simm.s32 $0x208;
	s21 =	simm.s32 $0x4B80  }
0x21: {  	[tilespmem:s21], [sflag:$0x1] =	stream.indirect.gather [hbm4b:s5+s12], $0x20, s20, s12, $0xb8;
	[tilespmem:$0x1A100] =	vst v63  }
0x22: {  	s22 =	simm.s32 $0x270;
	s23 =	simm.s32 $0x5800  }
0x23: {  	[tilespmem:s23], [sflag:$0x1] =	stream.indirect.gather [hbm4b:s5+s12], $0x20, s22, s12, $0xb8;
	[tilespmem:$0x1A100] =	vst v63  }
0x24: {  	s18 =	simm.s32 $0x2D8;
	s19 =	simm.s32 $0x6480  }
0x25: {  	[tilespmem:s19], [sflag:$0x1] =	stream.indirect.gather [hbm4b:s5+s12], $0x20, s18, s12, $0xb8;
	[tilespmem:$0x1A100] =	vst v63  }
0x26: {  	s20 =	simm.s32 $0x340;
	s21 =	simm.s32 $0x7100  }
0x27: {  	[tilespmem:s21], [sflag:$0x1] =	stream.indirect.gather [hbm4b:s5+s12], $0x20, s20, s12, $0xb8;
	[tilespmem:$0x1A100] =	vst v63  }
0x28: {  	s22 =	simm.s32 $0x3A8;
	s23 =	simm.s32 $0x7D80  }
0x29: {  	[tilespmem:s23], [sflag:$0x1] =	stream.indirect.gather [hbm4b:s5+s12], $0x20, s22, s12, $0xb8;
	[tilespmem:$0x1A100] =	vst v63  }
0x2a: {  	s18 =	simm.s32 $0x410;
	s19 =	simm.s32 $0x8A00  }
0x2b: {  	[tilespmem:s19], [sflag:$0x1] =	stream.indirect.gather [hbm4b:s5+s12], $0x20, s18, s12, $0xb8;
	[tilespmem:$0x1A100] =	vst v63  }
0x2c: {  	s20 =	simm.s32 $0x478;
	s21 =	simm.s32 $0x9680  }
0x2d: {  	[tilespmem:s21], [sflag:$0x1] =	stream.indirect.gather [hbm4b:s5+s12], $0x20, s20, s12, $0xb8;
	[tilespmem:$0x1A100] =	vst v63  }
0x2e: {  	s22 =	simm.s32 $0x4E0;
	s23 =	simm.s32 $0xA300  }
0x2f: {  	[tilespmem:s23], [sflag:$0x1] =	stream.indirect.gather [hbm4b:s5+s12], $0x20, s22, s12, $0xb8;
	[tilespmem:$0x1A100] =	vst v63  }
0x30: {  	s18 =	simm.s32 $0x548;
	s19 =	simm.s32 $0xAF80  }
0x31: {  	[tilespmem:s19], [sflag:$0x1] =	stream.indirect.gather [hbm4b:s5+s12], $0x20, s18, s12, $0xb8;
	[tilespmem:$0x1A100] =	vst v63  }
0x32: {  	s20 =	simm.s32 $0x5B0;
	s21 =	simm.s32 $0xBC00  }
0x33: {  	[tilespmem:s21], [sflag:$0x1] =	stream.indirect.gather [hbm4b:s5+s12], $0x20, s20, s12, $0xb8;
	[tilespmem:$0x1A100] =	vst v63  }
0x34: {  	s17 =	simm.s32 $0x0;
	s22 =	simm.s32 $0x618;
	s23 =	simm.s32 $0xC880  }
0x35: {  	[tilespmem:s23], [sflag:$0x1] =	stream.indirect.gather [hbm4b:s5+s12], $0x20, s22, s12, $0xb8;
	[tilespmem:$0x1A100] =	vst v63  }
.LBB2_2:
0x36: {  	s19 =	sshll.u32 s17, $0x6  }
0x37: {  	s18 =	sor.u32 s10, s19  }
0x38: {  	s20 =	sshrl.u32 s18, $0x1  }
0x39: {  	s20 =	smul.u32 $0xD, s20;
	_ =	sdelay $0x1  }
0x3a: {  	s21 =	sadd.s32 s4, s20;
	s20 =	simm.s32 $0x0  }
0x3b: {  	[tilespmem:s24], [sflag:$0x3] =	stream.linear.gather [hbm4b:s21+s20], $0x680, $0x38;
	[tilespmem:$0x1A100] =	vst v63  }
0x3c: {  	_ =	swait.ge [sflag:s11], $0x680  }
0x3d: {  	[sflag:s11] =	ssyncset.done $0x0  }
0x3e: {  	s22 =	simm.s32 $0xD500;
	[sflag:s11] =	ssyncadd.s32 $0xFFFFF980  }
0x3f: {  	[tilespmem:s22], [sflag:$0x2] =	stream.indirect.gather [hbm4b:s5+s12], $0x20, s24, s12, $0xb8;
	[tilespmem:$0x1A100] =	vst v63  }
0x40: {  	s23 =	simm.s32 $0x6E8;
	s22 =	simm.s32 $0xE180  }
0x41: {  	[tilespmem:s22], [sflag:$0x2] =	stream.indirect.gather [hbm4b:s5+s12], $0x20, s23, s12, $0xb8;
	[tilespmem:$0x1A100] =	vst v63  }
0x42: {  	s22 =	simm.s32 $0x750;
	s23 =	simm.s32 $0xEE00  }
0x43: {  	[tilespmem:s23], [sflag:$0x2] =	stream.indirect.gather [hbm4b:s5+s12], $0x20, s22, s12, $0xb8;
	[tilespmem:$0x1A100] =	vst v63  }
0x44: {  	s22 =	simm.s32 $0x7B8;
	s23 =	simm.s32 $0xFA80  }
0x45: {  	[tilespmem:s23], [sflag:$0x2] =	stream.indirect.gather [hbm4b:s5+s12], $0x20, s22, s12, $0xb8;
	[tilespmem:$0x1A100] =	vst v63  }
0x46: {  	s22 =	simm.s32 $0x820;
	s23 =	simm.s32 $0x10700  }
0x47: {  	[tilespmem:s23], [sflag:$0x2] =	stream.indirect.gather [hbm4b:s5+s12], $0x20, s22, s12, $0xb8;
	[tilespmem:$0x1A100] =	vst v63  }
0x48: {  	s22 =	simm.s32 $0x888;
	s23 =	simm.s32 $0x11380  }
0x49: {  	[tilespmem:s23], [sflag:$0x2] =	stream.indirect.gather [hbm4b:s5+s12], $0x20, s22, s12, $0xb8;
	[tilespmem:$0x1A100] =	vst v63  }
0x4a: {  	s22 =	simm.s32 $0x8F0;
	s23 =	simm.s32 $0x12000  }
0x4b: {  	[tilespmem:s23], [sflag:$0x2] =	stream.indirect.gather [hbm4b:s5+s12], $0x20, s22, s12, $0xb8;
	[tilespmem:$0x1A100] =	vst v63  }
0x4c: {  	s22 =	simm.s32 $0x958;
	s23 =	simm.s32 $0x12C80  }
0x4d: {  	[tilespmem:s23], [sflag:$0x2] =	stream.indirect.gather [hbm4b:s5+s12], $0x20, s22, s12, $0xb8;
	[tilespmem:$0x1A100] =	vst v63  }
0x4e: {  	s22 =	simm.s32 $0x9C0;
	s23 =	simm.s32 $0x13900  }
0x4f: {  	[tilespmem:s23], [sflag:$0x2] =	stream.indirect.gather [hbm4b:s5+s12], $0x20, s22, s12, $0xb8;
	[tilespmem:$0x1A100] =	vst v63  }
0x50: {  	s22 =	simm.s32 $0xA28;
	s23 =	simm.s32 $0x14580  }
0x51: {  	[tilespmem:s23], [sflag:$0x2] =	stream.indirect.gather [hbm4b:s5+s12], $0x20, s22, s12, $0xb8;
	[tilespmem:$0x1A100] =	vst v63  }
0x52: {  	_ = 	snop  }
0x53: {  	[tilespmem:s9], [sflag:$0x2] =	stream.indirect.gather [hbm4b:s5+s12], $0x20, s6, s12, $0xb8;
	[tilespmem:$0x1A100] =	vst v63  }
0x54: {  	_ = 	snop  }
0x55: {  	[tilespmem:s25], [sflag:$0x2] =	stream.indirect.gather [hbm4b:s5+s12], $0x20, s2, s12, $0xb8;
	[tilespmem:$0x1A100] =	vst v63  }
0x56: {  	_ = 	snop  }
0x57: {  	[tilespmem:s28], [sflag:$0x2] =	stream.indirect.gather [hbm4b:s5+s12], $0x20, s26, s12, $0xb8;
	[tilespmem:$0x1A100] =	vst v63  }
0x58: {  	_ = 	snop  }
0x59: {  	[tilespmem:s30], [sflag:$0x2] =	stream.indirect.gather [hbm4b:s5+s12], $0x20, s29, s12, $0xb8;
	[tilespmem:$0x1A100] =	vst v63  }
0x5a: {  	_ = 	snop  }
0x5b: {  	[tilespmem:s0], [sflag:$0x2] =	stream.indirect.gather [hbm4b:s5+s12], $0x20, s31, s12, $0xb8;
	[tilespmem:$0x1A100] =	vst v63  }
0x5c: {  	_ = 	snop  }
0x5d: {  	[tilespmem:s13], [sflag:$0x2] =	stream.indirect.gather [hbm4b:s5+s12], $0x20, s1, s12, $0xb8;
	[tilespmem:$0x1A100] =	vst v63  }
0x5e: {  	_ =	swait.ge [sflag:s14], $0xC80  }
0x5f: {  	[sflag:s14] =	ssyncset.done $0x0  }
0x60: {  	[sflag:s14] =	ssyncadd.s32 $0xFFFFF380  }
0x61: {  	_ =	swait.ge [sflag:s14], $0xC80  }
0x62: {  	[sflag:s14] =	ssyncset.done $0x0  }
0x63: {  	[sflag:s14] =	ssyncadd.s32 $0xFFFFF380  }
0x64: {  	_ =	swait.ge [sflag:s14], $0xC80  }
0x65: {  	[sflag:s14] =	ssyncset.done $0x0  }
0x66: {  	[sflag:s14] =	ssyncadd.s32 $0xFFFFF380  }
0x67: {  	_ =	swait.ge [sflag:s14], $0xC80  }
0x68: {  	[sflag:s14] =	ssyncset.done $0x0  }
0x69: {  	[sflag:s14] =	ssyncadd.s32 $0xFFFFF380  }
0x6a: {  	_ =	swait.ge [sflag:s14], $0xC80  }
0x6b: {  	[sflag:s14] =	ssyncset.done $0x0  }
0x6c: {  	[sflag:s14] =	ssyncadd.s32 $0xFFFFF380  }
0x6d: {  	_ =	swait.ge [sflag:s14], $0xC80  }
0x6e: {  	[sflag:s14] =	ssyncset.done $0x0  }
0x6f: {  	[sflag:s14] =	ssyncadd.s32 $0xFFFFF380  }
0x70: {  	_ =	swait.ge [sflag:s14], $0xC80  }
0x71: {  	[sflag:s14] =	ssyncset.done $0x0  }
0x72: {  	[sflag:s14] =	ssyncadd.s32 $0xFFFFF380  }
0x73: {  	_ =	swait.ge [sflag:s14], $0xC80  }
0x74: {  	[sflag:s14] =	ssyncset.done $0x0  }
0x75: {  	[sflag:s14] =	ssyncadd.s32 $0xFFFFF380  }
0x76: {  	_ =	swait.ge [sflag:s14], $0xC80  }
0x77: {  	[sflag:s14] =	ssyncset.done $0x0  }
0x78: {  	[sflag:s14] =	ssyncadd.s32 $0xFFFFF380  }
0x79: {  	_ =	swait.ge [sflag:s14], $0xC80  }
0x7a: {  	[sflag:s14] =	ssyncset.done $0x0  }
0x7b: {  	[sflag:s14] =	ssyncadd.s32 $0xFFFFF380  }
0x7c: {  	_ =	swait.ge [sflag:s14], $0xC80  }
0x7d: {  	[sflag:s14] =	ssyncset.done $0x0  }
0x7e: {  	[sflag:s14] =	ssyncadd.s32 $0xFFFFF380  }
0x7f: {  	_ =	swait.ge [sflag:s14], $0xC80  }
0x80: {  	[sflag:s14] =	ssyncset.done $0x0  }
0x81: {  	[sflag:s14] =	ssyncadd.s32 $0xFFFFF380  }
0x82: {  	_ =	swait.ge [sflag:s14], $0xC80  }
0x83: {  	[sflag:s14] =	ssyncset.done $0x0  }
0x84: {  	[sflag:s14] =	ssyncadd.s32 $0xFFFFF380  }
0x85: {  	_ =	swait.ge [sflag:s14], $0xC80  }
0x86: {  	[sflag:s14] =	ssyncset.done $0x0  }
0x87: {  	[sflag:s14] =	ssyncadd.s32 $0xFFFFF380  }
0x88: {  	_ =	swait.ge [sflag:s14], $0xC80  }
0x89: {  	[sflag:s14] =	ssyncset.done $0x0  }
0x8a: {  	[sflag:s14] =	ssyncadd.s32 $0xFFFFF380  }
0x8b: {  	_ =	swait.ge [sflag:s14], $0xC80  }
0x8c: {  	[sflag:s14] =	ssyncset.done $0x0  }
0x8d: {  	s21 =	simm.s32 $0x19D10;
	[sflag:s14] =	ssyncadd.s32 $0xFFFFF380  }
.LBB2_3:
0x8e: {  	s22 =	sshrl.u32 s20, $0x1  }
0x8f: {  	s23 =	sand.u32 $0x1, s20;
	s22 =	smul.u32 $0x3200, s22  }
0x90: {  	p0 =	seq.s32 s23, $0x1;
	s23 =	simm.s32 $0x640  }
0x91: {  	s23 =	simm.s32 @!p0 $0x0;
	s22 =	sshra.s32 s22, $0x2  }
0x92: {  	s22 =	sadd.s32 s23, s22  }
0x93: {  	v0 =	vld [tilespmem:s22+$0xD00]  }
0x94: {  	v1 =	vld [tilespmem:s22+$0xD10]  }
0x95: {  	v2 =	vld [tilespmem:s22+$0xD20]  }
0x96: {  	v3 =	vld [tilespmem:s22+$0xD30]  }
0x97: {  	v4 =	vld [tilespmem:s22+$0xD40]  }
0x98: {  	v5 =	vld [tilespmem:s22+$0xD50]  }
0x99: {  	v6 =	vld [tilespmem:s22+$0xD60]  }
0x9a: {  	v7 =	vld [tilespmem:s22+$0xD70]  }
0x9b: {  	v8 =	vld [tilespmem:s22+$0xD80]  }
0x9c: {  	v9 =	vld [tilespmem:s22+$0xD90]  }
0x9d: {  	v10 =	vld [tilespmem:s22+$0xDA0]  }
0x9e: {  	v11 =	vld [tilespmem:s22+$0xDB0]  }
0x9f: {  	v12 =	vld [tilespmem:s22+$0xDC0]  }
0xa0: {  	v13 =	vld [tilespmem:s22+$0xDD0]  }
0xa1: {  	v14 =	vld [tilespmem:s22+$0xDE0]  }
0xa2: {  	v15 =	vld [tilespmem:s22+$0xDF0]  }
0xa3: {  	v16 =	vld [tilespmem:s22+$0xE00]  }
0xa4: {  	v17 =	vld [tilespmem:s22+$0xE10]  }
0xa5: {  	v18 =	vld [tilespmem:s22+$0xE20]  }
0xa6: {  	v19 =	vld [tilespmem:s22+$0xE30]  }
0xa7: {  	v20 =	vld [tilespmem:s22+$0xE40]  }
0xa8: {  	v21 =	vld [tilespmem:s22+$0xE50]  }
0xa9: {  	v22 =	vld [tilespmem:s22+$0xE60]  }
0xaa: {  	v23 =	vld [tilespmem:s22+$0xE70]  }
0xab: {  	v24 =	vld [tilespmem:s22+$0xE80]  }
0xac: {  	v25 =	vld [tilespmem:s22+$0xE90]  }
0xad: {  	v26 =	vld [tilespmem:s22+$0xEA0]  }
0xae: {  	v27 =	vld [tilespmem:s22+$0xEB0]  }
0xaf: {  	v28 =	vld [tilespmem:s22+$0xEC0]  }
0xb0: {  	v29 =	vld [tilespmem:s22+$0xED0]  }
0xb1: {  	v30 =	vld [tilespmem:s22+$0xEE0]  }
0xb2: {  	v31 =	vld [tilespmem:s22+$0xEF0]  }
0xb3: {  	v32 =	vld [tilespmem:s22+$0xF00]  }
0xb4: {  	v33 =	vld [tilespmem:s22+$0xF10]  }
0xb5: {  	v34 =	vld [tilespmem:s22+$0xF20]  }
0xb6: {  	v35 =	vld [tilespmem:s22+$0xF30]  }
0xb7: {  	v36 =	vld [tilespmem:s22+$0xF40]  }
0xb8: {  	v37 =	vld [tilespmem:s22+$0xF50]  }
0xb9: {  	v38 =	vld [tilespmem:s22+$0xF60]  }
0xba: {  	v39 =	vld [tilespmem:s22+$0xF70]  }
0xbb: {  	v40 =	vld [tilespmem:s22+$0xF80]  }
0xbc: {  	v41 =	vld [tilespmem:s22+$0xF90]  }
0xbd: {  	v42 =	vld [tilespmem:s22+$0xFA0]  }
0xbe: {  	v43 =	vld [tilespmem:s22+$0xFB0]  }
0xbf: {  	v44 =	vld [tilespmem:s22+$0xFC0]  }
0xc0: {  	v45 =	vld [tilespmem:s22+$0xFD0]  }
0xc1: {  	v46 =	vld [tilespmem:s22+$0xFE0]  }
0xc2: {  	v47 =	vld [tilespmem:s22+$0xFF0]  }
0xc3: {  	v48 =	vld [tilespmem:s22+$0x1000]  }
0xc4: {  	v49 =	vld [tilespmem:s22+$0x1010]  }
0xc5: {  	v50 =	vld [tilespmem:s22+$0x1020]  }
0xc6: {  	v51 =	vld [tilespmem:s22+$0x1030]  }
0xc7: {  	v52 =	vld [tilespmem:s22+$0x1040]  }
0xc8: {  	v53 =	vld [tilespmem:s22+$0x1050]  }
0xc9: {  	v54 =	vld [tilespmem:s22+$0x1060]  }
0xca: {  	v55 =	vld [tilespmem:s22+$0x1070]  }
0xcb: {  	v56 =	vld [tilespmem:s22+$0x1080]  }
0xcc: {  	v57 =	vld [tilespmem:s22+$0x1100];
	v0 =	vadd.f32 v4, v0;
	v2 =	vadd.f32 v6, v2  }
0xcd: {  	v58 =	vld [tilespmem:s22+$0x1110];
	v1 =	vadd.f32 v5, v1;
	v3 =	vadd.f32 v7, v3  }
0xce: {  	v59 =	vld [tilespmem:s22+$0x1120];
	v0 =	vadd.f32 v8, v0;
	v2 =	vadd.f32 v10, v2  }
0xcf: {  	v60 =	vld [tilespmem:s22+$0x1130];
	v1 =	vadd.f32 v9, v1;
	v3 =	vadd.f32 v11, v3  }
0xd0: {  	v61 =	vld [tilespmem:s22+$0x1140];
	v0 =	vadd.f32 v12, v0;
	v2 =	vadd.f32 v14, v2  }
0xd1: {  	v62 =	vld [tilespmem:s22+$0x1150];
	v1 =	vadd.f32 v13, v1;
	v3 =	vadd.f32 v15, v3  }
0xd2: {  	v63 =	vld [tilespmem:s22+$0x1160];
	v0 =	vadd.f32 v16, v0;
	v2 =	vadd.f32 v18, v2  }
0xd3: {  	v4 =	vld [tilespmem:s22+$0x1090];
	v1 =	vadd.f32 v17, v1;
	v3 =	vadd.f32 v19, v3  }
0xd4: {  	v5 =	vld [tilespmem:s22+$0x10A0];
	v0 =	vadd.f32 v20, v0;
	v2 =	vadd.f32 v22, v2  }
0xd5: {  	v6 =	vld [tilespmem:s22+$0x10B0];
	v1 =	vadd.f32 v21, v1;
	v3 =	vadd.f32 v23, v3  }
0xd6: {  	v7 =	vld [tilespmem:s22+$0x10C0];
	v0 =	vadd.f32 v24, v0;
	v2 =	vadd.f32 v26, v2  }
0xd7: {  	v8 =	vld [tilespmem:s22+$0x10D0];
	v1 =	vadd.f32 v25, v1;
	v3 =	vadd.f32 v27, v3  }
0xd8: {  	v9 =	vld [tilespmem:s22+$0x10E0];
	v0 =	vadd.f32 v28, v0;
	v2 =	vadd.f32 v30, v2  }
0xd9: {  	v10 =	vld [tilespmem:s22+$0x10F0];
	v1 =	vadd.f32 v29, v1;
	v3 =	vadd.f32 v31, v3  }
0xda: {  	v0 =	vadd.f32 v32, v0;
	v2 =	vadd.f32 v34, v2;
	v34 =	vld [tilespmem:s22+$0x1170]  }
0xdb: {  	v1 =	vadd.f32 v33, v1;
	v3 =	vadd.f32 v35, v3;
	v35 =	vld [tilespmem:s22+$0x1180]  }
0xdc: {  	v0 =	vadd.f32 v36, v0;
	v2 =	vadd.f32 v38, v2;
	v36 =	vld [tilespmem:s22+$0x1190]  }
0xdd: {  	v1 =	vadd.f32 v37, v1;
	v3 =	vadd.f32 v39, v3;
	v38 =	vld [tilespmem:s22+$0x11A0]  }
0xde: {  	v39 =	vld [tilespmem:s22+$0x11B0];
	v0 =	vadd.f32 v40, v0;
	v2 =	vadd.f32 v42, v2  }
0xdf: {  	v1 =	vadd.f32 v41, v1;
	v3 =	vadd.f32 v43, v3;
	v40 =	vld [tilespmem:s22+$0x11C0]  }
0xe0: {  	v41 =	vld [tilespmem:s22+$0x11D0];
	v0 =	vadd.f32 v44, v0;
	v2 =	vadd.f32 v46, v2  }
0xe1: {  	v42 =	vld [tilespmem:s22+$0x11E0];
	v1 =	vadd.f32 v45, v1;
	v3 =	vadd.f32 v47, v3  }
0xe2: {  	v43 =	vld [tilespmem:s22+$0x11F0];
	v0 =	vadd.f32 v48, v0;
	v2 =	vadd.f32 v50, v2  }
0xe3: {  	v44 =	vld [tilespmem:s22+$0x1200];
	v1 =	vadd.f32 v49, v1;
	v3 =	vadd.f32 v51, v3  }
0xe4: {  	v45 =	vld [tilespmem:s22+$0x1210];
	v0 =	vadd.f32 v52, v0;
	v2 =	vadd.f32 v54, v2  }
0xe5: {  	v46 =	vld [tilespmem:s22+$0x1220];
	v1 =	vadd.f32 v53, v1;
	v3 =	vadd.f32 v55, v3  }
0xe6: {  	v47 =	vld [tilespmem:s22+$0x1230];
	v0 =	vadd.f32 v56, v0;
	v2 =	vadd.f32 v5, v2  }
0xe7: {  	v48 =	vld [tilespmem:s22+$0x1240];
	v1 =	vadd.f32 v4, v1;
	v3 =	vadd.f32 v6, v3  }
0xe8: {  	v49 =	vld [tilespmem:s22+$0x1250];
	v0 =	vadd.f32 v7, v0;
	v2 =	vadd.f32 v9, v2  }
0xe9: {  	v50 =	vld [tilespmem:s22+$0x1260];
	v1 =	vadd.f32 v8, v1;
	v3 =	vadd.f32 v10, v3  }
0xea: {  	v51 =	vld [tilespmem:s22+$0x1270];
	v0 =	vadd.f32 v57, v0;
	v2 =	vadd.f32 v59, v2  }
0xeb: {  	v52 =	vld [tilespmem:s22+$0x1280];
	v1 =	vadd.f32 v58, v1;
	v3 =	vadd.f32 v60, v3  }
0xec: {  	v53 =	vld [tilespmem:s22+$0x1290];
	v0 =	vadd.f32 v61, v0;
	v2 =	vadd.f32 v63, v2  }
0xed: {  	v54 =	vld [tilespmem:s22+$0x12A0];
	v1 =	vadd.f32 v62, v1;
	v3 =	vadd.f32 v34, v3  }
0xee: {  	v55 =	vld [tilespmem:s22+$0x12B0];
	v0 =	vadd.f32 v35, v0;
	v2 =	vadd.f32 v38, v2  }
0xef: {  	v56 =	vld [tilespmem:s22+$0x12C0];
	v1 =	vadd.f32 v36, v1;
	v3 =	vadd.f32 v39, v3  }
0xf0: {  	v57 =	vld [tilespmem:s22+$0x12D0];
	v0 =	vadd.f32 v40, v0;
	v2 =	vadd.f32 v42, v2  }
0xf1: {  	v58 =	vld [tilespmem:s22+$0x12E0];
	v1 =	vadd.f32 v41, v1;
	v3 =	vadd.f32 v43, v3  }
0xf2: {  	v59 =	vld [tilespmem:s22+$0x12F0];
	v0 =	vadd.f32 v44, v0;
	v2 =	vadd.f32 v46, v2  }
0xf3: {  	v60 =	vld [tilespmem:s22+$0x1300];
	v1 =	vadd.f32 v45, v1;
	v3 =	vadd.f32 v47, v3  }
0xf4: {  	v61 =	vld [tilespmem:s22+$0x1310];
	v0 =	vadd.f32 v48, v0;
	v2 =	vadd.f32 v50, v2  }
0xf5: {  	v62 =	vld [tilespmem:s22+$0x1320];
	v1 =	vadd.f32 v49, v1;
	v3 =	vadd.f32 v51, v3  }
0xf6: {  	v63 =	vld [tilespmem:s22+$0x1330];
	v0 =	vadd.f32 v52, v0;
	v2 =	vadd.f32 v54, v2  }
0xf7: {  	v1 =	vadd.f32 v53, v1;
	v3 =	vadd.f32 v55, v3  }
0xf8: {  	v0 =	vadd.f32 v56, v0;
	v2 =	vadd.f32 v58, v2  }
0xf9: {  	v1 =	vadd.f32 v57, v1;
	v3 =	vadd.f32 v59, v3  }
0xfa: {  	p0 =	sne.s32 s20, $0x1F;
	v0 =	vadd.f32 v60, v0;
	v2 =	vadd.f32 v62, v2  }
.Ltmp0:
0xfb: {  	v1 =	vadd.f32 v61, v1;
	v3 =	vadd.f32 v63, v3;
	(pc) =	sbr.rel @p0 .LBB2_3-.Ltmp0, $4  }
0xfc: {  	v0 =	vadd.f32 v2, v0  }
0xfd: {  	v1 =	vadd.f32 v3, v1  }
0xfe: {  	[tilespmem:s21+$0xFFFFFFF0] =	vst v0  }
0xff: {  	s20 =	sadd.s32 $0x1, s20;
	[tilespmem:s21+$0x0] =	vst v1;
	s21 =	sadd.s32 $0x20, s21  }
0x100: {  	s20 =	sshll.u32 s17, $0x8;
	p0 =	seq.s32 s17, $0x7  }
0x101: {  	s20 =	sadd.s32 s20, s7;
	s19 =	sadd.s32 @!p0 s19, s8  }
0x102: {  	[hbm4b:s20+s3] =	stream.linear.scatter [tilespmem:s15], [sflag:$0x3], $0x400, $0x38;
	[tilespmem:$0x1A100] =	vst v63  }
0x103: {  	s19 =	sshrl.u32 @!p0 s19, $0x1  }
0x104: {  	_ =	swait.ge [sflag:s11], $0x400;
	s19 =	smul.u32 @!p0 $0xD, s19  }
0x105: {  	[sflag:s11] =	ssyncset.done $0x0  }
0x106: {  	s20 =	simm.s32 @!p0 $0x0;
	[sflag:s11] =	ssyncadd.s32 $0xFFFFFC00;
	s19 =	sadd.s32 @!p0 s4, s19  }
0x107: {  	[tilespmem:s20], [sflag:$0x3] =	stream.linear.gather @!p0 [hbm4b:s19+s20], $0x680, $0x38;
	[tilespmem:$0x1A100] =	vst v63  }
0x108: {  	s19 =	simm.s32 @!p0 $0x3  }
0x109: {  	_ =	swait.ge @!p0 [sflag:s19], $0x680  }
0x10a: {  	[sflag:s19] =	ssyncset.done @!p0 $0x0  }
0x10b: {  	s21 =	simm.s32 @!p0 $0xD00;
	[sflag:s19] =	ssyncadd.s32 @!p0 $0xFFFFF980;
	s19 =	simm.s32 @!p0 $0x64  }
0x10c: {  	[tilespmem:s21], [sflag:$0x1] =	stream.indirect.gather @!p0 [hbm4b:s5+s19], $0x20, s20, s19, $0xb8;
	[tilespmem:$0x1A100] =	vst v63  }
0x10d: {  	s20 =	simm.s32 @!p0 $0x68;
	s21 =	simm.s32 @!p0 $0x1980  }
0x10e: {  	[tilespmem:s21], [sflag:$0x1] =	stream.indirect.gather @!p0 [hbm4b:s5+s19], $0x20, s20, s19, $0xb8;
	[tilespmem:$0x1A100] =	vst v63  }
0x10f: {  	s20 =	simm.s32 @!p0 $0xD0;
	s21 =	simm.s32 @!p0 $0x2600  }
0x110: {  	[tilespmem:s21], [sflag:$0x1] =	stream.indirect.gather @!p0 [hbm4b:s5+s19], $0x20, s20, s19, $0xb8;
	[tilespmem:$0x1A100] =	vst v63  }
0x111: {  	s20 =	simm.s32 @!p0 $0x138;
	s21 =	simm.s32 @!p0 $0x3280  }
0x112: {  	[tilespmem:s21], [sflag:$0x1] =	stream.indirect.gather @!p0 [hbm4b:s5+s19], $0x20, s20, s19, $0xb8;
	[tilespmem:$0x1A100] =	vst v63  }
0x113: {  	s20 =	simm.s32 @!p0 $0x1A0;
	s21 =	simm.s32 @!p0 $0x3F00  }
0x114: {  	[tilespmem:s21], [sflag:$0x1] =	stream.indirect.gather @!p0 [hbm4b:s5+s19], $0x20, s20, s19, $0xb8;
	[tilespmem:$0x1A100] =	vst v63  }
0x115: {  	s20 =	simm.s32 @!p0 $0x208;
	s21 =	simm.s32 @!p0 $0x4B80  }
0x116: {  	[tilespmem:s21], [sflag:$0x1] =	stream.indirect.gather @!p0 [hbm4b:s5+s19], $0x20, s20, s19, $0xb8;
	[tilespmem:$0x1A100] =	vst v63  }
0x117: {  	s20 =	simm.s32 @!p0 $0x270;
	s21 =	simm.s32 @!p0 $0x5800  }
0x118: {  	[tilespmem:s21], [sflag:$0x1] =	stream.indirect.gather @!p0 [hbm4b:s5+s19], $0x20, s20, s19, $0xb8;
	[tilespmem:$0x1A100] =	vst v63  }
0x119: {  	s20 =	simm.s32 @!p0 $0x2D8;
	s21 =	simm.s32 @!p0 $0x6480  }
0x11a: {  	[tilespmem:s21], [sflag:$0x1] =	stream.indirect.gather @!p0 [hbm4b:s5+s19], $0x20, s20, s19, $0xb8;
	[tilespmem:$0x1A100] =	vst v63  }
0x11b: {  	s20 =	simm.s32 @!p0 $0x340;
	s21 =	simm.s32 @!p0 $0x7100  }
0x11c: {  	[tilespmem:s21], [sflag:$0x1] =	stream.indirect.gather @!p0 [hbm4b:s5+s19], $0x20, s20, s19, $0xb8;
	[tilespmem:$0x1A100] =	vst v63  }
0x11d: {  	s20 =	simm.s32 @!p0 $0x3A8;
	s21 =	simm.s32 @!p0 $0x7D80  }
0x11e: {  	[tilespmem:s21], [sflag:$0x1] =	stream.indirect.gather @!p0 [hbm4b:s5+s19], $0x20, s20, s19, $0xb8;
	[tilespmem:$0x1A100] =	vst v63  }
0x11f: {  	s20 =	simm.s32 @!p0 $0x410;
	s21 =	simm.s32 @!p0 $0x8A00  }
0x120: {  	[tilespmem:s21], [sflag:$0x1] =	stream.indirect.gather @!p0 [hbm4b:s5+s19], $0x20, s20, s19, $0xb8;
	[tilespmem:$0x1A100] =	vst v63  }
0x121: {  	s20 =	simm.s32 @!p0 $0x478;
	s21 =	simm.s32 @!p0 $0x9680  }
0x122: {  	[tilespmem:s21], [sflag:$0x1] =	stream.indirect.gather @!p0 [hbm4b:s5+s19], $0x20, s20, s19, $0xb8;
	[tilespmem:$0x1A100] =	vst v63  }
0x123: {  	s20 =	simm.s32 @!p0 $0x4E0;
	s21 =	simm.s32 @!p0 $0xA300  }
0x124: {  	[tilespmem:s21], [sflag:$0x1] =	stream.indirect.gather @!p0 [hbm4b:s5+s19], $0x20, s20, s19, $0xb8;
	[tilespmem:$0x1A100] =	vst v63  }
0x125: {  	s20 =	simm.s32 @!p0 $0x548;
	s21 =	simm.s32 @!p0 $0xAF80  }
0x126: {  	[tilespmem:s21], [sflag:$0x1] =	stream.indirect.gather @!p0 [hbm4b:s5+s19], $0x20, s20, s19, $0xb8;
	[tilespmem:$0x1A100] =	vst v63  }
0x127: {  	s20 =	simm.s32 @!p0 $0x5B0;
	s21 =	simm.s32 @!p0 $0xBC00  }
0x128: {  	[tilespmem:s21], [sflag:$0x1] =	stream.indirect.gather @!p0 [hbm4b:s5+s19], $0x20, s20, s19, $0xb8;
	[tilespmem:$0x1A100] =	vst v63  }
0x129: {  	s20 =	simm.s32 @!p0 $0x618;
	s21 =	simm.s32 @!p0 $0xC880  }
0x12a: {  	[tilespmem:s21], [sflag:$0x1] =	stream.indirect.gather @!p0 [hbm4b:s5+s19], $0x20, s20, s19, $0xb8;
	[tilespmem:$0x1A100] =	vst v63  }
0x12b: {  	_ =	swait.ge [sflag:s16], $0xC80  }
0x12c: {  	[sflag:s16] =	ssyncset.done $0x0  }
0x12d: {  	[sflag:s16] =	ssyncadd.s32 $0xFFFFF380  }
0x12e: {  	_ =	swait.ge [sflag:s16], $0xC80  }
0x12f: {  	[sflag:s16] =	ssyncset.done $0x0  }
0x130: {  	[sflag:s16] =	ssyncadd.s32 $0xFFFFF380  }
0x131: {  	_ =	swait.ge [sflag:s16], $0xC80  }
0x132: {  	[sflag:s16] =	ssyncset.done $0x0  }
0x133: {  	[sflag:s16] =	ssyncadd.s32 $0xFFFFF380  }
0x134: {  	_ =	swait.ge [sflag:s16], $0xC80  }
0x135: {  	[sflag:s16] =	ssyncset.done $0x0  }
0x136: {  	[sflag:s16] =	ssyncadd.s32 $0xFFFFF380  }
0x137: {  	_ =	swait.ge [sflag:s16], $0xC80  }
0x138: {  	[sflag:s16] =	ssyncset.done $0x0  }
0x139: {  	[sflag:s16] =	ssyncadd.s32 $0xFFFFF380  }
0x13a: {  	_ =	swait.ge [sflag:s16], $0xC80  }
0x13b: {  	[sflag:s16] =	ssyncset.done $0x0  }
0x13c: {  	[sflag:s16] =	ssyncadd.s32 $0xFFFFF380  }
0x13d: {  	_ =	swait.ge [sflag:s16], $0xC80  }
0x13e: {  	[sflag:s16] =	ssyncset.done $0x0  }
0x13f: {  	[sflag:s16] =	ssyncadd.s32 $0xFFFFF380  }
0x140: {  	_ =	swait.ge [sflag:s16], $0xC80  }
0x141: {  	[sflag:s16] =	ssyncset.done $0x0  }
0x142: {  	[sflag:s16] =	ssyncadd.s32 $0xFFFFF380  }
0x143: {  	_ =	swait.ge [sflag:s16], $0xC80  }
0x144: {  	[sflag:s16] =	ssyncset.done $0x0  }
0x145: {  	[sflag:s16] =	ssyncadd.s32 $0xFFFFF380  }
0x146: {  	_ =	swait.ge [sflag:s16], $0xC80  }
0x147: {  	[sflag:s16] =	ssyncset.done $0x0  }
0x148: {  	[sflag:s16] =	ssyncadd.s32 $0xFFFFF380  }
0x149: {  	_ =	swait.ge [sflag:s16], $0xC80  }
0x14a: {  	[sflag:s16] =	ssyncset.done $0x0  }
0x14b: {  	[sflag:s16] =	ssyncadd.s32 $0xFFFFF380  }
0x14c: {  	_ =	swait.ge [sflag:s16], $0xC80  }
0x14d: {  	[sflag:s16] =	ssyncset.done $0x0  }
0x14e: {  	[sflag:s16] =	ssyncadd.s32 $0xFFFFF380  }
0x14f: {  	_ =	swait.ge [sflag:s16], $0xC80  }
0x150: {  	[sflag:s16] =	ssyncset.done $0x0  }
0x151: {  	[sflag:s16] =	ssyncadd.s32 $0xFFFFF380  }
0x152: {  	_ =	swait.ge [sflag:s16], $0xC80  }
0x153: {  	[sflag:s16] =	ssyncset.done $0x0  }
0x154: {  	[sflag:s16] =	ssyncadd.s32 $0xFFFFF380  }
0x155: {  	_ =	swait.ge [sflag:s16], $0xC80  }
0x156: {  	[sflag:s16] =	ssyncset.done $0x0  }
0x157: {  	[sflag:s16] =	ssyncadd.s32 $0xFFFFF380  }
0x158: {  	_ =	swait.ge [sflag:s16], $0xC80  }
0x159: {  	[sflag:s16] =	ssyncset.done $0x0  }
0x15a: {  	s19 =	simm.s32 $0x0;
	s20 =	simm.s32 $0x19D10;
	[sflag:s16] =	ssyncadd.s32 $0xFFFFF380  }
.LBB2_5:
0x15b: {  	s21 =	sshrl.u32 s19, $0x1  }
0x15c: {  	s22 =	sand.u32 $0x1, s19;
	s21 =	smul.u32 $0x3200, s21  }
0x15d: {  	p0 =	seq.s32 s22, $0x1;
	s22 =	simm.s32 $0x640  }
0x15e: {  	s22 =	simm.s32 @!p0 $0x0;
	s21 =	sshra.s32 s21, $0x2  }
0x15f: {  	s21 =	sadd.s32 s22, s21  }
0x160: {  	v0 =	vld [tilespmem:s21+$0xD500]  }
0x161: {  	v1 =	vld [tilespmem:s21+$0xD510]  }
0x162: {  	v2 =	vld [tilespmem:s21+$0xD520]  }
0x163: {  	v3 =	vld [tilespmem:s21+$0xD530]  }
0x164: {  	v4 =	vld [tilespmem:s21+$0xD540]  }
0x165: {  	v5 =	vld [tilespmem:s21+$0xD550]  }
0x166: {  	v6 =	vld [tilespmem:s21+$0xD560]  }
0x167: {  	v7 =	vld [tilespmem:s21+$0xD570]  }
0x168: {  	v8 =	vld [tilespmem:s21+$0xD580]  }
0x169: {  	v9 =	vld [tilespmem:s21+$0xD590]  }
0x16a: {  	v10 =	vld [tilespmem:s21+$0xD5A0]  }
0x16b: {  	v11 =	vld [tilespmem:s21+$0xD5B0]  }
0x16c: {  	v12 =	vld [tilespmem:s21+$0xD5C0]  }
0x16d: {  	v13 =	vld [tilespmem:s21+$0xD5D0]  }
0x16e: {  	v14 =	vld [tilespmem:s21+$0xD5E0]  }
0x16f: {  	v15 =	vld [tilespmem:s21+$0xD5F0]  }
0x170: {  	v16 =	vld [tilespmem:s21+$0xD600]  }
0x171: {  	v17 =	vld [tilespmem:s21+$0xD610]  }
0x172: {  	v18 =	vld [tilespmem:s21+$0xD620]  }
0x173: {  	v19 =	vld [tilespmem:s21+$0xD630]  }
0x174: {  	v20 =	vld [tilespmem:s21+$0xD640]  }
0x175: {  	v21 =	vld [tilespmem:s21+$0xD650]  }
0x176: {  	v22 =	vld [tilespmem:s21+$0xD660]  }
0x177: {  	v23 =	vld [tilespmem:s21+$0xD670]  }
0x178: {  	v24 =	vld [tilespmem:s21+$0xD680]  }
0x179: {  	v25 =	vld [tilespmem:s21+$0xD690]  }
0x17a: {  	v26 =	vld [tilespmem:s21+$0xD6A0]  }
0x17b: {  	v27 =	vld [tilespmem:s21+$0xD6B0]  }
0x17c: {  	v28 =	vld [tilespmem:s21+$0xD6C0]  }
0x17d: {  	v29 =	vld [tilespmem:s21+$0xD6D0]  }
0x17e: {  	v30 =	vld [tilespmem:s21+$0xD6E0]  }
0x17f: {  	v31 =	vld [tilespmem:s21+$0xD6F0]  }
0x180: {  	v32 =	vld [tilespmem:s21+$0xD700]  }
0x181: {  	v33 =	vld [tilespmem:s21+$0xD710]  }
0x182: {  	v34 =	vld [tilespmem:s21+$0xD720]  }
0x183: {  	v35 =	vld [tilespmem:s21+$0xD730]  }
0x184: {  	v36 =	vld [tilespmem:s21+$0xD740]  }
0x185: {  	v37 =	vld [tilespmem:s21+$0xD750]  }
0x186: {  	v38 =	vld [tilespmem:s21+$0xD760]  }
0x187: {  	v39 =	vld [tilespmem:s21+$0xD770]  }
0x188: {  	v40 =	vld [tilespmem:s21+$0xD780]  }
0x189: {  	v41 =	vld [tilespmem:s21+$0xD790]  }
0x18a: {  	v42 =	vld [tilespmem:s21+$0xD7A0]  }
0x18b: {  	v43 =	vld [tilespmem:s21+$0xD7B0]  }
0x18c: {  	v44 =	vld [tilespmem:s21+$0xD7C0]  }
0x18d: {  	v45 =	vld [tilespmem:s21+$0xD7D0]  }
0x18e: {  	v46 =	vld [tilespmem:s21+$0xD7E0]  }
0x18f: {  	v47 =	vld [tilespmem:s21+$0xD7F0]  }
0x190: {  	v48 =	vld [tilespmem:s21+$0xD800]  }
0x191: {  	v49 =	vld [tilespmem:s21+$0xD810]  }
0x192: {  	v50 =	vld [tilespmem:s21+$0xD820]  }
0x193: {  	v51 =	vld [tilespmem:s21+$0xD830]  }
0x194: {  	v52 =	vld [tilespmem:s21+$0xD840]  }
0x195: {  	v53 =	vld [tilespmem:s21+$0xD850]  }
0x196: {  	v54 =	vld [tilespmem:s21+$0xD860]  }
0x197: {  	v55 =	vld [tilespmem:s21+$0xD870]  }
0x198: {  	v56 =	vld [tilespmem:s21+$0xD880]  }
0x199: {  	v57 =	vld [tilespmem:s21+$0xD900];
	v0 =	vadd.f32 v4, v0;
	v2 =	vadd.f32 v6, v2  }
0x19a: {  	v58 =	vld [tilespmem:s21+$0xD910];
	v1 =	vadd.f32 v5, v1;
	v3 =	vadd.f32 v7, v3  }
0x19b: {  	v59 =	vld [tilespmem:s21+$0xD920];
	v0 =	vadd.f32 v8, v0;
	v2 =	vadd.f32 v10, v2  }
0x19c: {  	v60 =	vld [tilespmem:s21+$0xD930];
	v1 =	vadd.f32 v9, v1;
	v3 =	vadd.f32 v11, v3  }
0x19d: {  	v61 =	vld [tilespmem:s21+$0xD940];
	v0 =	vadd.f32 v12, v0;
	v2 =	vadd.f32 v14, v2  }
0x19e: {  	v62 =	vld [tilespmem:s21+$0xD950];
	v1 =	vadd.f32 v13, v1;
	v3 =	vadd.f32 v15, v3  }
0x19f: {  	v63 =	vld [tilespmem:s21+$0xD960];
	v0 =	vadd.f32 v16, v0;
	v2 =	vadd.f32 v18, v2  }
0x1a0: {  	v4 =	vld [tilespmem:s21+$0xD890];
	v1 =	vadd.f32 v17, v1;
	v3 =	vadd.f32 v19, v3  }
0x1a1: {  	v5 =	vld [tilespmem:s21+$0xD8A0];
	v0 =	vadd.f32 v20, v0;
	v2 =	vadd.f32 v22, v2  }
0x1a2: {  	v6 =	vld [tilespmem:s21+$0xD8B0];
	v1 =	vadd.f32 v21, v1;
	v3 =	vadd.f32 v23, v3  }
0x1a3: {  	v7 =	vld [tilespmem:s21+$0xD8C0];
	v0 =	vadd.f32 v24, v0;
	v2 =	vadd.f32 v26, v2  }
0x1a4: {  	v8 =	vld [tilespmem:s21+$0xD8D0];
	v1 =	vadd.f32 v25, v1;
	v3 =	vadd.f32 v27, v3  }
0x1a5: {  	v9 =	vld [tilespmem:s21+$0xD8E0];
	v0 =	vadd.f32 v28, v0;
	v2 =	vadd.f32 v30, v2  }
0x1a6: {  	v10 =	vld [tilespmem:s21+$0xD8F0];
	v1 =	vadd.f32 v29, v1;
	v3 =	vadd.f32 v31, v3  }
0x1a7: {  	v0 =	vadd.f32 v32, v0;
	v2 =	vadd.f32 v34, v2;
	v34 =	vld [tilespmem:s21+$0xD970]  }
0x1a8: {  	v1 =	vadd.f32 v33, v1;
	v3 =	vadd.f32 v35, v3;
	v35 =	vld [tilespmem:s21+$0xD980]  }
0x1a9: {  	v0 =	vadd.f32 v36, v0;
	v2 =	vadd.f32 v38, v2;
	v36 =	vld [tilespmem:s21+$0xD990]  }
0x1aa: {  	v1 =	vadd.f32 v37, v1;
	v3 =	vadd.f32 v39, v3;
	v38 =	vld [tilespmem:s21+$0xD9A0]  }
0x1ab: {  	v39 =	vld [tilespmem:s21+$0xD9B0];
	v0 =	vadd.f32 v40, v0;
	v2 =	vadd.f32 v42, v2  }
0x1ac: {  	v1 =	vadd.f32 v41, v1;
	v3 =	vadd.f32 v43, v3;
	v40 =	vld [tilespmem:s21+$0xD9C0]  }
0x1ad: {  	v41 =	vld [tilespmem:s21+$0xD9D0];
	v0 =	vadd.f32 v44, v0;
	v2 =	vadd.f32 v46, v2  }
0x1ae: {  	v42 =	vld [tilespmem:s21+$0xD9E0];
	v1 =	vadd.f32 v45, v1;
	v3 =	vadd.f32 v47, v3  }
0x1af: {  	v43 =	vld [tilespmem:s21+$0xD9F0];
	v0 =	vadd.f32 v48, v0;
	v2 =	vadd.f32 v50, v2  }
0x1b0: {  	v44 =	vld [tilespmem:s21+$0xDA00];
	v1 =	vadd.f32 v49, v1;
	v3 =	vadd.f32 v51, v3  }
0x1b1: {  	v45 =	vld [tilespmem:s21+$0xDA10];
	v0 =	vadd.f32 v52, v0;
	v2 =	vadd.f32 v54, v2  }
0x1b2: {  	v46 =	vld [tilespmem:s21+$0xDA20];
	v1 =	vadd.f32 v53, v1;
	v3 =	vadd.f32 v55, v3  }
0x1b3: {  	v47 =	vld [tilespmem:s21+$0xDA30];
	v0 =	vadd.f32 v56, v0;
	v2 =	vadd.f32 v5, v2  }
0x1b4: {  	v48 =	vld [tilespmem:s21+$0xDA40];
	v1 =	vadd.f32 v4, v1;
	v3 =	vadd.f32 v6, v3  }
0x1b5: {  	v49 =	vld [tilespmem:s21+$0xDA50];
	v0 =	vadd.f32 v7, v0;
	v2 =	vadd.f32 v9, v2  }
0x1b6: {  	v50 =	vld [tilespmem:s21+$0xDA60];
	v1 =	vadd.f32 v8, v1;
	v3 =	vadd.f32 v10, v3  }
0x1b7: {  	v51 =	vld [tilespmem:s21+$0xDA70];
	v0 =	vadd.f32 v57, v0;
	v2 =	vadd.f32 v59, v2  }
0x1b8: {  	v52 =	vld [tilespmem:s21+$0xDA80];
	v1 =	vadd.f32 v58, v1;
	v3 =	vadd.f32 v60, v3  }
0x1b9: {  	v53 =	vld [tilespmem:s21+$0xDA90];
	v0 =	vadd.f32 v61, v0;
	v2 =	vadd.f32 v63, v2  }
0x1ba: {  	v54 =	vld [tilespmem:s21+$0xDAA0];
	v1 =	vadd.f32 v62, v1;
	v3 =	vadd.f32 v34, v3  }
0x1bb: {  	v55 =	vld [tilespmem:s21+$0xDAB0];
	v0 =	vadd.f32 v35, v0;
	v2 =	vadd.f32 v38, v2  }
0x1bc: {  	v56 =	vld [tilespmem:s21+$0xDAC0];
	v1 =	vadd.f32 v36, v1;
	v3 =	vadd.f32 v39, v3  }
0x1bd: {  	v57 =	vld [tilespmem:s21+$0xDAD0];
	v0 =	vadd.f32 v40, v0;
	v2 =	vadd.f32 v42, v2  }
0x1be: {  	v58 =	vld [tilespmem:s21+$0xDAE0];
	v1 =	vadd.f32 v41, v1;
	v3 =	vadd.f32 v43, v3  }
0x1bf: {  	v59 =	vld [tilespmem:s21+$0xDAF0];
	v0 =	vadd.f32 v44, v0;
	v2 =	vadd.f32 v46, v2  }
0x1c0: {  	v60 =	vld [tilespmem:s21+$0xDB00];
	v1 =	vadd.f32 v45, v1;
	v3 =	vadd.f32 v47, v3  }
0x1c1: {  	v61 =	vld [tilespmem:s21+$0xDB10];
	v0 =	vadd.f32 v48, v0;
	v2 =	vadd.f32 v50, v2  }
0x1c2: {  	v62 =	vld [tilespmem:s21+$0xDB20];
	v1 =	vadd.f32 v49, v1;
	v3 =	vadd.f32 v51, v3  }
0x1c3: {  	v63 =	vld [tilespmem:s21+$0xDB30];
	v0 =	vadd.f32 v52, v0;
	v2 =	vadd.f32 v54, v2  }
0x1c4: {  	v1 =	vadd.f32 v53, v1;
	v3 =	vadd.f32 v55, v3  }
0x1c5: {  	v0 =	vadd.f32 v56, v0;
	v2 =	vadd.f32 v58, v2  }
0x1c6: {  	v1 =	vadd.f32 v57, v1;
	v3 =	vadd.f32 v59, v3  }
0x1c7: {  	p0 =	sne.s32 s19, $0x1F;
	v0 =	vadd.f32 v60, v0;
	v2 =	vadd.f32 v62, v2  }
.Ltmp1:
0x1c8: {  	v1 =	vadd.f32 v61, v1;
	v3 =	vadd.f32 v63, v3;
	(pc) =	sbr.rel @p0 .LBB2_5-.Ltmp1, $4  }
0x1c9: {  	v0 =	vadd.f32 v2, v0  }
0x1ca: {  	v1 =	vadd.f32 v3, v1  }
0x1cb: {  	[tilespmem:s20+$0xFFFFFFF0] =	vst v0  }
0x1cc: {  	s19 =	sadd.s32 $0x1, s19;
	[tilespmem:s20+$0x0] =	vst v1;
	s20 =	sadd.s32 $0x20, s20  }
0x1cd: {  	s18 =	sshll.u32 s18, $0x2;
	s17 =	sadd.s32 $0x1, s17  }
0x1ce: {  	s19 =	rddreg [dreg:$0x1];
	s18 =	sand.u32 $0x1FFFFF80, s18;
	p0 =	sne.s32 s17, $0x8  }
.Ltmp2:
0x1cf: {  	s18 =	sadd.s32 s19, s18;
	(pc) =	sbr.rel @p0 .LBB2_2-.Ltmp2, $4  }
0x1d0: {  	[hbm4b:s18+s3] =	stream.linear.scatter [tilespmem:s15], [sflag:$0x3], $0x400, $0x38;
	[tilespmem:$0x1A100] =	vst v63  }
0x1d1: {  	_ =	swait.ge [sflag:s11], $0x400  }
0x1d2: {  	[sflag:s11] =	ssyncset.done $0x0  }
0x1d3: {  	[sflag:s11] =	ssyncadd.s32 $0xFFFFFC00  }
0x1d4: {  	s18 =	rddreg [dreg:$0x5]  }
0x1d5: {  	s17 =	rddreg [dreg:$0x4];
	s18 =	sadd.s32 $0x1, s18  }
0x1d6: {  	p0 =	sne.s32 s18, s17  }
.Ltmp3:
0x1d7: {  	_ = 	snop;
	(pc) =	sbr.rel @p0 .LBB2_1-.Ltmp3, $1  }
0x1d8: {  	_ =	sdelay $0x3  }
0x1d9: {  	_ =	sfence.sel $0x180000  }
0x1da: {  	[bflag:$0x0] =	sbarrier.arrive $0xFFFF  }
0x1db: {  	_ =	strace $0x90000047  }
0x1dc: {  	s0 =	stileid.u32;
	[bflag:$0x2] =	sbarrier.arrive $0xFFFF  }
0x1dd: {  	p0 =	sne.s32 s0, $0x0;
	s0 =	rddreg [dreg:$0x2]  }
0x1de: {  	s0 =	sadd.s32 @!p0 $0x100000, s0  }
0x1df: {  	[sflag:s0] =	ssyncadd.tile.s32 @!p0 $0x1;
	_ =	shalt  }
.Lfunc_end2:
_tile_overlayer_lowered:
.L_overlay_start_2:
0x1e0: {  	(tag) =	ssettag $0x2  }
0x1e1: {  	s0 =	rddreg [dreg:$0x0];
	s2 =	stileid.u32  }
0x1e2: {  	s1 =	rddreg [dreg:$0x1];
	p0 =	sne.s32 s2, $0x0  }
0x1e3: {  	s3 =	rddreg [dreg:$0x2];
	[bflag:$0x3] =	sbarrier.arrive $0xFFFF;
	s2 =	simm.s32 @!p0 $0x1C03  }
0x1e4: {  	[timem:s3], [sflag:s2] =	dma.local @!p0 [hbm:s0], s1  }
0x1e5: {  	s0 =	simm.s32 @!p0 $0x3  }
0x1e6: {  	_ =	swait.ge @!p0 [sflag:s0], s1  }
0x1e7: {  	s1 =	ssub.s32 @!p0 $0x0, s1;
	[sflag:s0] =	ssyncset.done @!p0 $0x0  }
0x1e8: {  	[sflag:s0] =	ssyncadd.s32 @!p0 s1  }
0x1e9: {  	[bflag:$0x3] =	sbarrier.arrive $0xFFFF  }
0x1ea: {  	_ =	shalt  }

</sc_bundles>
